<compile_context>
chip_gen: v7x
topology: tpu7x:2x2x1
jax: 0.10.2.dev20260603
libtpu: 0.0.44.dev20260713+nightly
codegen_flags: <defaults>
</compile_context>

<pallas_src>
import functools

import jax
import jax.numpy as jnp
from jax import lax
from jax.experimental import pallas as pl
from jax.experimental.pallas import tpu as pltpu
from jax.experimental.pallas import tpu_sc as plsc

B = 8192
K = 8192
D = 256
BETA = 0.25

BB = 1024
KB = 4096
NB = B // BB
NK = K // KB
RG = 128
NCH = KB // 128
BIG = 2**30


def _argmin_body(x_ref, cb_ref, idx_ref, runmin_ref, runidx_ref):
    k = pl.program_id(0)
    b = pl.program_id(1)
    sim = lax.dot_general(x_ref[...], cb_ref[...],
                          dimension_numbers=(((1,), (1,)), ((), ())),
                          preferred_element_type=jnp.float32)
    rowm_parts = []
    ci_parts = []
    for rg in range(BB // RG):
        rs = slice(rg * RG, (rg + 1) * RG)
        m = 1.0 - sim[rs, 0:128]
        ci = jnp.zeros((RG, 128), jnp.float32)
        for c in range(1, NCH):
            dc = 1.0 - sim[rs, c * 128:(c + 1) * 128]
            lt = dc < m
            m = jnp.where(lt, dc, m)
            ci = jnp.where(lt, jnp.float32(c), ci)
        rowm_parts.append(m)
        ci_parts.append(ci)
    mv = jnp.concatenate(rowm_parts, axis=0)
    civ = jnp.concatenate(ci_parts, axis=0).astype(jnp.int32)
    lane = lax.broadcasted_iota(jnp.int32, (BB, 128), 1)
    rowm = jnp.min(mv, axis=1, keepdims=True)
    j = (k * NCH + civ) * 128 + lane
    jbest = jnp.min(jnp.where(mv == rowm, j, BIG), axis=1, keepdims=True)

    @pl.when(k == 0)
    def _first_half():
        runmin_ref[b] = rowm.astype(jnp.bfloat16).astype(jnp.float32)
        runidx_ref[b] = jbest

    @pl.when(k == NK - 1)
    def _second_half():
        better = rowm < runmin_ref[b]
        idx_ref[...] = jnp.where(better, jbest,
                                 runidx_ref[b]).reshape(1, 1, BB)


def _argmin_call(x, cb):
    return pl.pallas_call(
        _argmin_body,
        grid=(NK, NB),
        in_specs=[
            pl.BlockSpec((BB, D), lambda k, b: (b, 0)),
            pl.BlockSpec((KB, D), lambda k, b: (k, 0)),
        ],
        out_specs=pl.BlockSpec((1, 1, BB), lambda k, b: (b, 0, 0)),
        out_shape=jax.ShapeDtypeStruct((NB, 1, BB), jnp.int32),
        scratch_shapes=[
            pltpu.VMEM((NB, BB, 1), jnp.float32),
            pltpu.VMEM((NB, BB, 1), jnp.int32),
        ],
    )(x, cb)


NC = 2
NS = 16
NW = NC * NS
BPW = B // NW
GCH = 128
NGC = BPW // GCH


def _gather_body(table_hbm, idx_hbm, out_hbm, idx_v, rows_v, sem):
    wid = lax.axis_index("s") * NC + lax.axis_index("c")
    pltpu.sync_copy(idx_hbm.at[pl.ds(wid * NGC, NGC)], idx_v)
    copies = [
        pltpu.async_copy(table_hbm.at[idx_v.at[j]],
                         rows_v.at[pl.ds(j * GCH, GCH)], sem)
        for j in range(NGC)
    ]
    for c in copies:
        c.wait()
    pltpu.sync_copy(rows_v, out_hbm.at[pl.ds(wid * BPW, BPW)])


def _gather_call(cb, idx):
    idx2 = idx.reshape(NW * NGC, GCH)
    f = functools.partial(
        pl.kernel,
        mesh=plsc.VectorSubcoreMesh(core_axis_name="c", subcore_axis_name="s"),
        out_type=jax.ShapeDtypeStruct((B, D), jnp.float32),
        scratch_types=[
            pltpu.VMEM((NGC, GCH), jnp.int32),
            pltpu.VMEM((BPW, D), jnp.float32),
            pltpu.SemaphoreType.DMA,
        ],
    )(_gather_body)
    return f(cb, idx2)


RB = 4096
NR = B // RB


def _proj_body(x_ref, cb_ref, xq_ref, scal_ref, loss_ref, acc_ref):
    i = pl.program_id(0)
    xx = x_ref[...]
    cb = cb_ref[...]
    dot = jnp.sum(xx * cb, axis=1, keepdims=True)
    nsq = jnp.sum(cb * cb, axis=1, keepdims=True)
    scalar = dot / (nsq + 1e-8)
    proj = scalar * cb
    xq_ref[...] = xx + (proj - xx)
    scal_ref[...] = scalar
    dp = jnp.sum(proj * xx, axis=1)
    npn = jnp.sqrt(jnp.sum(proj * proj, axis=1))
    nx = jnp.sqrt(jnp.sum(xx * xx, axis=1))
    cos = dp / (jnp.maximum(npn, 1e-8) * jnp.maximum(nx, 1e-8))
    part = jnp.sum(1.0 - cos)

    @pl.when(i == 0)
    def _init():
        acc_ref[0, 0] = 0.0

    acc_ref[0, 0] += part

    @pl.when(i == pl.num_programs(0) - 1)
    def _fin():
        loss_ref[...] = jnp.full((1, 1), BETA * (acc_ref[0, 0] / B),
                                 jnp.float32)


def _proj_call(x, cb_vec):
    return pl.pallas_call(
        _proj_body,
        grid=(NR,),
        in_specs=[
            pl.BlockSpec((RB, D), lambda i: (i, 0)),
            pl.BlockSpec((RB, D), lambda i: (i, 0)),
        ],
        out_specs=[
            pl.BlockSpec((RB, D), lambda i: (i, 0)),
            pl.BlockSpec((RB, 1), lambda i: (i, 0)),
            pl.BlockSpec((1, 1), lambda i: (0, 0)),
        ],
        out_shape=[
            jax.ShapeDtypeStruct((B, D), jnp.float32),
            jax.ShapeDtypeStruct((B, 1), jnp.float32),
            jax.ShapeDtypeStruct((1, 1), jnp.float32),
        ],
        scratch_shapes=[pltpu.SMEM((1, 1), jnp.float32)],
    )(x, cb_vec)


def kernel(x, embedding_weight):
    xn = x / jnp.maximum(jnp.linalg.norm(x, axis=1, keepdims=True), 1e-12)
    cbn = embedding_weight / jnp.maximum(
        jnp.linalg.norm(embedding_weight, axis=1, keepdims=True), 1e-12)
    idx = _argmin_call(xn, cbn).reshape(B)
    cb_vec = _gather_call(embedding_weight, idx)
    x_q, scal, loss = _proj_call(x, cb_vec)
    return (x_q, loss.reshape(()), idx, scal.reshape(B))

# --- scband reference (transcript-rebuilt; emitter-appended) ---
"""Pipeline reference for scband-cosine-vector-quantizer-62577673503565 (READ-ONLY COPY).

The authoritative reference and input builder live on the scoring server;
editing this copy changes nothing except your own understanding.
"""

import jax, jax.numpy as jnp
import numpy as np

N_E = 8192
E_DIM = 256
B = 8192
BETA = 0.25


def _normalize(v, axis, eps=1e-12):
    n = jnp.linalg.norm(v, axis=axis, keepdims=True)
    return v / jnp.maximum(n, eps)


def _cosine_similarity(a, b, axis=-1, eps=1e-8):
    na = jnp.maximum(jnp.linalg.norm(a, axis=axis), eps)
    nb = jnp.maximum(jnp.linalg.norm(b, axis=axis), eps)
    return jnp.sum(a * b, axis=axis) / (na * nb)


def setup_inputs(seed: int = 0) -> dict:
    key = jax.random.key(seed)
    k1, k2 = jax.random.split(key)
    x = jax.random.normal(k1, (B, E_DIM), dtype=jnp.float32)
    # nn.Embedding weight initialized uniform(-1/n_e, 1/n_e) since kmeans_init=False
    embedding_weight = jax.random.uniform(
        k2, (N_E, E_DIM), dtype=jnp.float32, minval=-1.0 / N_E, maxval=1.0 / N_E
    )
    return {"x": x, "embedding_weight": embedding_weight}


def reference(x, embedding_weight):
    # eval-mode forward: use_ema=True, sk_epsilon=None (no sinkhorn), use_linear=0
    latent = x
    codebook = embedding_weight  # get_codebook(), no linear projection

    latent_norm = _normalize(latent, axis=1)
    codebook_norm = _normalize(codebook, axis=1)
    sim = jnp.matmul(latent_norm, codebook_norm.T)
    distances = 1.0 - sim

    indices = jnp.argmin(distances, axis=-1)
    codebook_vec = jnp.take(codebook, indices, axis=0)  # F.embedding

    dot_product = jnp.sum(latent * codebook_vec, axis=-1, keepdims=True)
    norm_sq = jnp.sum(codebook_vec * codebook_vec, axis=-1, keepdims=True)
    scalar = dot_product / (norm_sq + 1e-8)
    proj_vec = scalar * codebook_vec

    # use_ema branch: commitment loss only (proj_vec detached)
    commitment_loss = _cosine_similarity(jax.lax.stop_gradient(proj_vec), latent, axis=-1)
    loss = BETA * jnp.mean(1.0 - commitment_loss)

    # straight-through estimator
    x_q = x + jax.lax.stop_gradient(proj_vec - x)

    indices = indices.reshape(B)
    scalar_out = scalar.reshape(B)
    return (x_q, loss, indices, scalar_out)

if __name__ == "__main__":
    import jax
    _d = setup_inputs()
    print(jax.jit(kernel)(*tuple(_d.values())))

</pallas_src>

<mosaic_0001>
#map = affine_map<(d0, d1) -> (0, 0)>
module attributes {stable_mosaic.version = 14 : i64} {
  func.func @_gather_body(%arg0: i32, %arg1: i32, %arg2: memref<8192x256xf32, #tpu.memory_space<hbm>>, %arg3: memref<64x128xi32, #tpu.memory_space<hbm>>, %arg4: memref<8192x256xf32, #tpu.memory_space<hbm>>, %arg5: memref<2x128xi32, #tpu.memory_space<vmem>>, %arg6: memref<256x256xf32, #tpu.memory_space<vmem>>, %arg7: memref<!tpu.dma_semaphore, #tpu.memory_space<semaphore_mem>>) attributes {dimension_semantics = [#tpu.dimension_semantics<core_parallel>, #tpu.dimension_semantics<subcore_parallel>], iteration_bounds = array<i64: 2, 16>, scalar_prefetch = 0 : i64, scratch_operands = 3 : i64, tpu.core_type = #tpu.core_type<sc_vector_subcore>, window_params = [{transform_indices = #map}, {transform_indices = #map}, {transform_indices = #map}]} {
    %mul3A = arith.constant 2 : i32
    %mul3A_0 = arith.muli %arg1, %mul3A : i32
    %add3A = arith.addi %mul3A_0, %arg0 : i32
    %mul3A_1 = arith.constant 2 : i32
    %mul3A_2 = arith.muli %add3A, %mul3A_1 : i32
    "tpu.region"() ({
      %run_scoped3A = tpu.sem_alloc : memref<!tpu.dma_semaphore, #tpu.memory_space<semaphore_mem>>
      %dma_start3A_43 = arith.constant 0 : i32
      %dma_start3A_44 = tpu.memref_slice %arg3[%mul3A_2, %dma_start3A_43] : memref<64x128xi32, #tpu.memory_space<hbm>> -> memref<2x128xi32, #tpu.memory_space<hbm>>
      %dma_start3A_45 = arith.constant 0 : i32
      %dma_start3A_46 = tpu.memref_slice %arg3[%mul3A_2, %dma_start3A_45] : memref<64x128xi32, #tpu.memory_space<hbm>> -> memref<2x128xi32, #tpu.memory_space<hbm>>
      tpu.enqueue_dma source(%dma_start3A_46 : memref<2x128xi32, #tpu.memory_space<hbm>>) target(%arg5 : memref<2x128xi32, #tpu.memory_space<vmem>>) target_semaphore(%run_scoped3A : memref<!tpu.dma_semaphore, #tpu.memory_space<semaphore_mem>>)
      %dma_wait3A_47 = arith.constant 0 : i32
      %dma_wait3A_48 = tpu.memref_slice %arg3[%mul3A_2, %dma_wait3A_47] : memref<64x128xi32, #tpu.memory_space<hbm>> -> memref<2x128xi32, #tpu.memory_space<hbm>>
      %dma_wait3A_49 = arith.constant 0 : i32
      %dma_wait3A_50 = tpu.memref_slice %arg3[%mul3A_2, %dma_wait3A_49] : memref<64x128xi32, #tpu.memory_space<hbm>> -> memref<2x128xi32, #tpu.memory_space<hbm>>
      tpu.wait_dma2 semaphore(%run_scoped3A : memref<!tpu.dma_semaphore, #tpu.memory_space<semaphore_mem>>) src(%dma_wait3A_50 : memref<2x128xi32, #tpu.memory_space<hbm>>) dst(%arg5 : memref<2x128xi32, #tpu.memory_space<vmem>>)
      tpu.yield
    }) : () -> ()
    %dma_start3A = arith.constant 0 : i32
    %dma_start3A_3 = arith.constant 0 : i32
    %dma_start3A_4 = arith.constant 0 : i32
    %dma_start3A_5 = tpu.memref_slice %arg6[%dma_start3A_3, %dma_start3A_4] : memref<256x256xf32, #tpu.memory_space<vmem>> -> memref<128x256xf32, #tpu.memory_space<vmem>>
    %dma_start3A_6 = arith.constant 0 : i32
    %dma_start3A_7 = tpu.memref_slice %arg5[%dma_start3A, %dma_start3A_6] : memref<2x128xi32, #tpu.memory_space<vmem>> -> memref<1x128xi32, #tpu.memory_space<vmem>>
    %dma_start3A_8 = tpu.memref_squeeze %dma_start3A_7 : memref<1x128xi32, #tpu.memory_space<vmem>> -> memref<128xi32, #tpu.memory_space<vmem>>
    %dma_start3A_9 = arith.constant 0 : i32
    %dma_start3A_10 = arith.constant 0 : i32
    %dma_start3A_11 = tpu.memref_slice %arg2[%dma_start3A_9, %dma_start3A_10] : memref<8192x256xf32, #tpu.memory_space<hbm>> -> memref<8192x256xf32, #tpu.memory_space<hbm>>
    tpu.enqueue_indirect_dma source(%dma_start3A_11 : memref<8192x256xf32, #tpu.memory_space<hbm>>) target(%dma_start3A_5 : memref<128x256xf32, #tpu.memory_space<vmem>>) offsets(%dma_start3A_8 : memref<128xi32, #tpu.memory_space<vmem>>) semaphore(%arg7 : memref<!tpu.dma_semaphore, #tpu.memory_space<semaphore_mem>>)
    %dma_start3A_12 = arith.constant 1 : i32
    %dma_start3A_13 = arith.constant 128 : i32
    %dma_start3A_14 = arith.constant 0 : i32
    %dma_start3A_15 = tpu.memref_slice %arg6[%dma_start3A_13, %dma_start3A_14] : memref<256x256xf32, #tpu.memory_space<vmem>> -> memref<128x256xf32, #tpu.memory_space<vmem>>
    %dma_start3A_16 = arith.constant 0 : i32
    %dma_start3A_17 = tpu.memref_slice %arg5[%dma_start3A_12, %dma_start3A_16] : memref<2x128xi32, #tpu.memory_space<vmem>> -> memref<1x128xi32, #tpu.memory_space<vmem>>
    %dma_start3A_18 = tpu.memref_squeeze %dma_start3A_17 : memref<1x128xi32, #tpu.memory_space<vmem>> -> memref<128xi32, #tpu.memory_space<vmem>>
    %dma_start3A_19 = arith.constant 0 : i32
    %dma_start3A_20 = arith.constant 0 : i32
    %dma_start3A_21 = tpu.memref_slice %arg2[%dma_start3A_19, %dma_start3A_20] : memref<8192x256xf32, #tpu.memory_space<hbm>> -> memref<8192x256xf32, #tpu.memory_space<hbm>>
    tpu.enqueue_indirect_dma source(%dma_start3A_21 : memref<8192x256xf32, #tpu.memory_space<hbm>>) target(%dma_start3A_15 : memref<128x256xf32, #tpu.memory_space<vmem>>) offsets(%dma_start3A_18 : memref<128xi32, #tpu.memory_space<vmem>>) semaphore(%arg7 : memref<!tpu.dma_semaphore, #tpu.memory_space<semaphore_mem>>)
    %dma_wait3A = arith.constant 0 : i32
    %dma_wait3A_22 = arith.constant 0 : i32
    %dma_wait3A_23 = arith.constant 0 : i32
    %dma_wait3A_24 = tpu.memref_slice %arg6[%dma_wait3A_22, %dma_wait3A_23] : memref<256x256xf32, #tpu.memory_space<vmem>> -> memref<128x256xf32, #tpu.memory_space<vmem>>
    %dma_wait3A_25 = arith.constant 0 : i32
    %dma_wait3A_26 = tpu.memref_slice %arg5[%dma_wait3A, %dma_wait3A_25] : memref<2x128xi32, #tpu.memory_space<vmem>> -> memref<1x128xi32, #tpu.memory_space<vmem>>
    %dma_wait3A_27 = tpu.memref_squeeze %dma_wait3A_26 : memref<1x128xi32, #tpu.memory_space<vmem>> -> memref<128xi32, #tpu.memory_space<vmem>>
    %dma_wait3A_28 = arith.constant 0 : i32
    %dma_wait3A_29 = arith.constant 0 : i32
    %dma_wait3A_30 = tpu.memref_slice %arg2[%dma_wait3A_28, %dma_wait3A_29] : memref<8192x256xf32, #tpu.memory_space<hbm>> -> memref<8192x256xf32, #tpu.memory_space<hbm>>
    tpu.wait_indirect_dma semaphore(%arg7 : memref<!tpu.dma_semaphore, #tpu.memory_space<semaphore_mem>>) src(%dma_wait3A_30 : memref<8192x256xf32, #tpu.memory_space<hbm>>) dst(%dma_wait3A_24 : memref<128x256xf32, #tpu.memory_space<vmem>>)
    %dma_wait3A_31 = arith.constant 1 : i32
    %dma_wait3A_32 = arith.constant 128 : i32
    %dma_wait3A_33 = arith.constant 0 : i32
    %dma_wait3A_34 = tpu.memref_slice %arg6[%dma_wait3A_32, %dma_wait3A_33] : memref<256x256xf32, #tpu.memory_space<vmem>> -> memref<128x256xf32, #tpu.memory_space<vmem>>
    %dma_wait3A_35 = arith.constant 0 : i32
    %dma_wait3A_36 = tpu.memref_slice %arg5[%dma_wait3A_31, %dma_wait3A_35] : memref<2x128xi32, #tpu.memory_space<vmem>> -> memref<1x128xi32, #tpu.memory_space<vmem>>
    %dma_wait3A_37 = tpu.memref_squeeze %dma_wait3A_36 : memref<1x128xi32, #tpu.memory_space<vmem>> -> memref<128xi32, #tpu.memory_space<vmem>>
    %dma_wait3A_38 = arith.constant 0 : i32
    %dma_wait3A_39 = arith.constant 0 : i32
    %dma_wait3A_40 = tpu.memref_slice %arg2[%dma_wait3A_38, %dma_wait3A_39] : memref<8192x256xf32, #tpu.memory_space<hbm>> -> memref<8192x256xf32, #tpu.memory_space<hbm>>
    tpu.wait_indirect_dma semaphore(%arg7 : memref<!tpu.dma_semaphore, #tpu.memory_space<semaphore_mem>>) src(%dma_wait3A_40 : memref<8192x256xf32, #tpu.memory_space<hbm>>) dst(%dma_wait3A_34 : memref<128x256xf32, #tpu.memory_space<vmem>>)
    %mul3A_41 = arith.constant 256 : i32
    %mul3A_42 = arith.muli %add3A, %mul3A_41 : i32
    "tpu.region"() ({
      %run_scoped3A = tpu.sem_alloc : memref<!tpu.dma_semaphore, #tpu.memory_space<semaphore_mem>>
      %dma_start3A_43 = arith.constant 0 : i32
      %dma_start3A_44 = tpu.memref_slice %arg4[%mul3A_42, %dma_start3A_43] : memref<8192x256xf32, #tpu.memory_space<hbm>> -> memref<256x256xf32, #tpu.memory_space<hbm>>
      %dma_start3A_45 = arith.constant 0 : i32
      %dma_start3A_46 = tpu.memref_slice %arg4[%mul3A_42, %dma_start3A_45] : memref<8192x256xf32, #tpu.memory_space<hbm>> -> memref<256x256xf32, #tpu.memory_space<hbm>>
      tpu.enqueue_dma source(%arg6 : memref<256x256xf32, #tpu.memory_space<vmem>>) target(%dma_start3A_46 : memref<256x256xf32, #tpu.memory_space<hbm>>) target_semaphore(%run_scoped3A : memref<!tpu.dma_semaphore, #tpu.memory_space<semaphore_mem>>)
      %dma_wait3A_47 = arith.constant 0 : i32
      %dma_wait3A_48 = tpu.memref_slice %arg4[%mul3A_42, %dma_wait3A_47] : memref<8192x256xf32, #tpu.memory_space<hbm>> -> memref<256x256xf32, #tpu.memory_space<hbm>>
      %dma_wait3A_49 = arith.constant 0 : i32
      %dma_wait3A_50 = tpu.memref_slice %arg4[%mul3A_42, %dma_wait3A_49] : memref<8192x256xf32, #tpu.memory_space<hbm>> -> memref<256x256xf32, #tpu.memory_space<hbm>>
      tpu.wait_dma2 semaphore(%run_scoped3A : memref<!tpu.dma_semaphore, #tpu.memory_space<semaphore_mem>>) src(%arg6 : memref<256x256xf32, #tpu.memory_space<vmem>>) dst(%dma_wait3A_50 : memref<256x256xf32, #tpu.memory_space<hbm>>)
      tpu.yield
    }) : () -> ()
    return
  }
}

module attributes {stable_mosaic.version = 14 : i64} {
  func.func @_argmin_body(%arg0: i32, %arg1: i32, %arg2: memref<1024x256xf32, #tpu.memory_space<vmem>>, %arg3: memref<4096x256xf32, #tpu.memory_space<vmem>>, %arg4: memref<1x1x1024xi32, #tpu.memory_space<vmem>>, %arg5: memref<8x1024x1xf32, #tpu.memory_space<vmem>>, %arg6: memref<8x1024x1xi32, #tpu.memory_space<vmem>>) attributes {dimension_semantics = [#tpu.dimension_semantics<arbitrary>, #tpu.dimension_semantics<arbitrary>], iteration_bounds = array<i64: 2, 8>, scalar_prefetch = 0 : i64, scratch_operands = 2 : i64, tpu.core_type = #tpu.core_type<tc>, window_params = [{transform_indices = @transform_0, window_bounds = array<i64: 1024, 256>}, {transform_indices = @transform_1, window_bounds = array<i64: 4096, 256>}, {transform_indices = @transform_2, window_bounds = array<i64: 1, 1, 1024>}]} {
    %get3A = arith.constant 0 : index
    %get3A_0 = arith.constant 0 : index
    %get3A_1 = vector.load %arg2[%get3A, %get3A_0] : memref<1024x256xf32, #tpu.memory_space<vmem>>, vector<1024x256xf32>
    %get3A_2 = arith.constant 0 : index
    %get3A_3 = arith.constant 0 : index
    %get3A_4 = vector.load %arg3[%get3A_2, %get3A_3] : memref<4096x256xf32, #tpu.memory_space<vmem>>, vector<4096x256xf32>
    %dot_general3A = arith.constant dense<0.000000e+00> : vector<1024x4096xf32>
    %dot_general3A_5 = tpu.matmul %get3A_1, %get3A_4, %dot_general3A {dimension_numbers = #tpu.dot_dimension_numbers<[1], [1], [0], [0], [0, 0, 1, 0], [], []>, transpose_lhs_hint = false} : vector<1024x256xf32>, vector<4096x256xf32>, vector<1024x4096xf32> -> vector<1024x4096xf32>
    %slice3A = vector.extract_strided_slice %dot_general3A_5 {offsets = [0, 0], sizes = [128, 128], strides = [1, 1]} : vector<1024x4096xf32> to vector<128x128xf32>
    %sub3A = arith.constant 1.000000e+00 : f32
    %sub3A_6 = vector.broadcast %sub3A : f32 to vector<128x128xf32>
    %sub3A_7 = arith.subf %sub3A_6, %slice3A : vector<128x128xf32>
    %broadcast_in_dim3A = arith.constant 0.000000e+00 : f32
    %broadcast_in_dim3A_8 = vector.broadcast %broadcast_in_dim3A : f32 to vector<128x128xf32>
    %slice3A_9 = vector.extract_strided_slice %dot_general3A_5 {offsets = [0, 128], sizes = [128, 128], strides = [1, 1]} : vector<1024x4096xf32> to vector<128x128xf32>
    %sub3A_10 = arith.constant 1.000000e+00 : f32
    %sub3A_11 = vector.broadcast %sub3A_10 : f32 to vector<128x128xf32>
    %sub3A_12 = arith.subf %sub3A_11, %slice3A_9 : vector<128x128xf32>
    %lt3A = arith.cmpf olt, %sub3A_12, %sub3A_7 : vector<128x128xf32>
    %select_n3A = arith.select %lt3A, %sub3A_12, %sub3A_7 : vector<128x128xi1>, vector<128x128xf32>
    %jit3A = arith.constant 1.000000e+00 : f32
    %broadcast_in_dim3A_13 = vector.broadcast %jit3A : f32 to vector<128x128xf32>
    %select_n3A_14 = arith.select %lt3A, %broadcast_in_dim3A_13, %broadcast_in_dim3A_8 : vector<128x128xi1>, vector<128x128xf32>
    %slice3A_15 = vector.extract_strided_slice %dot_general3A_5 {offsets = [0, 256], sizes = [128, 128], strides = [1, 1]} : vector<1024x4096xf32> to vector<128x128xf32>
    %sub3A_16 = arith.constant 1.000000e+00 : f32
    %sub3A_17 = vector.broadcast %sub3A_16 : f32 to vector<128x128xf32>
    %sub3A_18 = arith.subf %sub3A_17, %slice3A_15 : vector<128x128xf32>
    %lt3A_19 = arith.cmpf olt, %sub3A_18, %select_n3A : vector<128x128xf32>
    %select_n3A_20 = arith.select %lt3A_19, %sub3A_18, %select_n3A : vector<128x128xi1>, vector<128x128xf32>
    %jit3A_21 = arith.constant 2.000000e+00 : f32
    %broadcast_in_dim3A_22 = vector.broadcast %jit3A_21 : f32 to vector<128x128xf32>
    %select_n3A_23 = arith.select %lt3A_19, %broadcast_in_dim3A_22, %select_n3A_14 : vector<128x128xi1>, vector<128x128xf32>
    %slice3A_24 = vector.extract_strided_slice %dot_general3A_5 {offsets = [0, 384], sizes = [128, 128], strides = [1, 1]} : vector<1024x4096xf32> to vector<128x128xf32>
    %sub3A_25 = arith.constant 1.000000e+00 : f32
    %sub3A_26 = vector.broadcast %sub3A_25 : f32 to vector<128x128xf32>
    %sub3A_27 = arith.subf %sub3A_26, %slice3A_24 : vector<128x128xf32>
    %lt3A_28 = arith.cmpf olt, %sub3A_27, %select_n3A_20 : vector<128x128xf32>
    %select_n3A_29 = arith.select %lt3A_28, %sub3A_27, %select_n3A_20 : vector<128x128xi1>, vector<128x128xf32>
    %jit3A_30 = arith.constant 3.000000e+00 : f32
    %broadcast_in_dim3A_31 = vector.broadcast %jit3A_30 : f32 to vector<128x128xf32>
    %select_n3A_32 = arith.select %lt3A_28, %broadcast_in_dim3A_31, %select_n3A_23 : vector<128x128xi1>, vector<128x128xf32>
    %slice3A_33 = vector.extract_strided_slice %dot_general3A_5 {offsets = [0, 512], sizes = [128, 128], strides = [1, 1]} : vector<1024x4096xf32> to vector<128x128xf32>
    %sub3A_34 = arith.constant 1.000000e+00 : f32
    %sub3A_35 = vector.broadcast %sub3A_34 : f32 to vector<128x128xf32>
    %sub3A_36 = arith.subf %sub3A_35, %slice3A_33 : vector<128x128xf32>
    %lt3A_37 = arith.cmpf olt, %sub3A_36, %select_n3A_29 : vector<128x128xf32>
    %select_n3A_38 = arith.select %lt3A_37, %sub3A_36, %select_n3A_29 : vector<128x128xi1>, vector<128x128xf32>
    %jit3A_39 = arith.constant 4.000000e+00 : f32
    %broadcast_in_dim3A_40 = vector.broadcast %jit3A_39 : f32 to vector<128x128xf32>
    %select_n3A_41 = arith.select %lt3A_37, %broadcast_in_dim3A_40, %select_n3A_32 : vector<128x128xi1>, vector<128x128xf32>
    %slice3A_42 = vector.extract_strided_slice %dot_general3A_5 {offsets = [0, 640], sizes = [128, 128], strides = [1, 1]} : vector<1024x4096xf32> to vector<128x128xf32>
    %sub3A_43 = arith.constant 1.000000e+00 : f32
    %sub3A_44 = vector.broadcast %sub3A_43 : f32 to vector<128x128xf32>
    %sub3A_45 = arith.subf %sub3A_44, %slice3A_42 : vector<128x128xf32>
    %lt3A_46 = arith.cmpf olt, %sub3A_45, %select_n3A_38 : vector<128x128xf32>
    %select_n3A_47 = arith.select %lt3A_46, %sub3A_45, %select_n3A_38 : vector<128x128xi1>, vector<128x128xf32>
    %jit3A_48 = arith.constant 5.000000e+00 : f32
    %broadcast_in_dim3A_49 = vector.broadcast %jit3A_48 : f32 to vector<128x128xf32>
    %select_n3A_50 = arith.select %lt3A_46, %broadcast_in_dim3A_49, %select_n3A_41 : vector<128x128xi1>, vector<128x128xf32>
    %slice3A_51 = vector.extract_strided_slice %dot_general3A_5 {offsets = [0, 768], sizes = [128, 128], strides = [1, 1]} : vector<1024x4096xf32> to vector<128x128xf32>
    %sub3A_52 = arith.constant 1.000000e+00 : f32
    %sub3A_53 = vector.broadcast %sub3A_52 : f32 to vector<128x128xf32>
    %sub3A_54 = arith.subf %sub3A_53, %slice3A_51 : vector<128x128xf32>
    %lt3A_55 = arith.cmpf olt, %sub3A_54, %select_n3A_47 : vector<128x128xf32>
    %select_n3A_56 = arith.select %lt3A_55, %sub3A_54, %select_n3A_47 : vector<128x128xi1>, vector<128x128xf32>
    %jit3A_57 = arith.constant 6.000000e+00 : f32
    %broadcast_in_dim3A_58 = vector.broadcast %jit3A_57 : f32 to vector<128x128xf32>
    %select_n3A_59 = arith.select %lt3A_55, %broadcast_in_dim3A_58, %select_n3A_50 : vector<128x128xi1>, vector<128x128xf32>
    %slice3A_60 = vector.extract_strided_slice %dot_general3A_5 {offsets = [0, 896], sizes = [128, 128], strides = [1, 1]} : vector<1024x4096xf32> to vector<128x128xf32>
    %sub3A_61 = arith.constant 1.000000e+00 : f32
    %sub3A_62 = vector.broadcast %sub3A_61 : f32 to vector<128x128xf32>
    %sub3A_63 = arith.subf %sub3A_62, %slice3A_60 : vector<128x128xf32>
    %lt3A_64 = arith.cmpf olt, %sub3A_63, %select_n3A_56 : vector<128x128xf32>
    %select_n3A_65 = arith.select %lt3A_64, %sub3A_63, %select_n3A_56 : vector<128x128xi1>, vector<128x128xf32>
    %jit3A_66 = arith.constant 7.000000e+00 : f32
    %broadcast_in_dim3A_67 = vector.broadcast %jit3A_66 : f32 to vector<128x128xf32>
    %select_n3A_68 = arith.select %lt3A_64, %broadcast_in_dim3A_67, %select_n3A_59 : vector<128x128xi1>, vector<128x128xf32>
    %slice3A_69 = vector.extract_strided_slice %dot_general3A_5 {offsets = [0, 1024], sizes = [128, 128], strides = [1, 1]} : vector<1024x4096xf32> to vector<128x128xf32>
    %sub3A_70 = arith.constant 1.000000e+00 : f32
    %sub3A_71 = vector.broadcast %sub3A_70 : f32 to vector<128x128xf32>
    %sub3A_72 = arith.subf %sub3A_71, %slice3A_69 : vector<128x128xf32>
    %lt3A_73 = arith.cmpf olt, %sub3A_72, %select_n3A_65 : vector<128x128xf32>
    %select_n3A_74 = arith.select %lt3A_73, %sub3A_72, %select_n3A_65 : vector<128x128xi1>, vector<128x128xf32>
    %jit3A_75 = arith.constant 8.000000e+00 : f32
    %broadcast_in_dim3A_76 = vector.broadcast %jit3A_75 : f32 to vector<128x128xf32>
    %select_n3A_77 = arith.select %lt3A_73, %broadcast_in_dim3A_76, %select_n3A_68 : vector<128x128xi1>, vector<128x128xf32>
    %slice3A_78 = vector.extract_strided_slice %dot_general3A_5 {offsets = [0, 1152], sizes = [128, 128], strides = [1, 1]} : vector<1024x4096xf32> to vector<128x128xf32>
    %sub3A_79 = arith.constant 1.000000e+00 : f32
    %sub3A_80 = vector.broadcast %sub3A_79 : f32 to vector<128x128xf32>
    %sub3A_81 = arith.subf %sub3A_80, %slice3A_78 : vector<128x128xf32>
    %lt3A_82 = arith.cmpf olt, %sub3A_81, %select_n3A_74 : vector<128x128xf32>
    %select_n3A_83 = arith.select %lt3A_82, %sub3A_81, %select_n3A_74 : vector<128x128xi1>, vector<128x128xf32>
    %jit3A_84 = arith.constant 9.000000e+00 : f32
    %broadcast_in_dim3A_85 = vector.broadcast %jit3A_84 : f32 to vector<128x128xf32>
    %select_n3A_86 = arith.select %lt3A_82, %broadcast_in_dim3A_85, %select_n3A_77 : vector<128x128xi1>, vector<128x128xf32>
    %slice3A_87 = vector.extract_strided_slice %dot_general3A_5 {offsets = [0, 1280], sizes = [128, 128], strides = [1, 1]} : vector<1024x4096xf32> to vector<128x128xf32>
    %sub3A_88 = arith.constant 1.000000e+00 : f32
    %sub3A_89 = vector.broadcast %sub3A_88 : f32 to vector<128x128xf32>
    %sub3A_90 = arith.subf %sub3A_89, %slice3A_87 : vector<128x128xf32>
    %lt3A_91 = arith.cmpf olt, %sub3A_90, %select_n3A_83 : vector<128x128xf32>
    %select_n3A_92 = arith.select %lt3A_91, %sub3A_90, %select_n3A_83 : vector<128x128xi1>, vector<128x128xf32>
    %jit3A_93 = arith.constant 1.000000e+01 : f32
    %broadcast_in_dim3A_94 = vector.broadcast %jit3A_93 : f32 to vector<128x128xf32>
    %select_n3A_95 = arith.select %lt3A_91, %broadcast_in_dim3A_94, %select_n3A_86 : vector<128x128xi1>, vector<128x128xf32>
    %slice3A_96 = vector.extract_strided_slice %dot_general3A_5 {offsets = [0, 1408], sizes = [128, 128], strides = [1, 1]} : vector<1024x4096xf32> to vector<128x128xf32>
    %sub3A_97 = arith.constant 1.000000e+00 : f32
    %sub3A_98 = vector.broadcast %sub3A_97 : f32 to vector<128x128xf32>
    %sub3A_99 = arith.subf %sub3A_98, %slice3A_96 : vector<128x128xf32>
    %lt3A_100 = arith.cmpf olt, %sub3A_99, %select_n3A_92 : vector<128x128xf32>
    %select_n3A_101 = arith.select %lt3A_100, %sub3A_99, %select_n3A_92 : vector<128x128xi1>, vector<128x128xf32>
    %jit3A_102 = arith.constant 1.100000e+01 : f32
    %broadcast_in_dim3A_103 = vector.broadcast %jit3A_102 : f32 to vector<128x128xf32>
    %select_n3A_104 = arith.select %lt3A_100, %broadcast_in_dim3A_103, %select_n3A_95 : vector<128x128xi1>, vector<128x128xf32>
    %slice3A_105 = vector.extract_strided_slice %dot_general3A_5 {offsets = [0, 1536], sizes = [128, 128], strides = [1, 1]} : vector<1024x4096xf32> to vector<128x128xf32>
    %sub3A_106 = arith.constant 1.000000e+00 : f32
    %sub3A_107 = vector.broadcast %sub3A_106 : f32 to vector<128x128xf32>
    %sub3A_108 = arith.subf %sub3A_107, %slice3A_105 : vector<128x128xf32>
    %lt3A_109 = arith.cmpf olt, %sub3A_108, %select_n3A_101 : vector<128x128xf32>
    %select_n3A_110 = arith.select %lt3A_109, %sub3A_108, %select_n3A_101 : vector<128x128xi1>, vector<128x128xf32>
    %jit3A_111 = arith.constant 1.200000e+01 : f32
    %broadcast_in_dim3A_112 = vector.broadcast %jit3A_111 : f32 to vector<128x128xf32>
    %select_n3A_113 = arith.select %lt3A_109, %broadcast_in_dim3A_112, %select_n3A_104 : vector<128x128xi1>, vector<128x128xf32>
    %slice3A_114 = vector.extract_strided_slice %dot_general3A_5 {offsets = [0, 1664], sizes = [128, 128], strides = [1, 1]} : vector<1024x4096xf32> to vector<128x128xf32>
    %sub3A_115 = arith.constant 1.000000e+00 : f32
    %sub3A_116 = vector.broadcast %sub3A_115 : f32 to vector<128x128xf32>
    %sub3A_117 = arith.subf %sub3A_116, %slice3A_114 : vector<128x128xf32>
    %lt3A_118 = arith.cmpf olt, %sub3A_117, %select_n3A_110 : vector<128x128xf32>
    %select_n3A_119 = arith.select %lt3A_118, %sub3A_117, %select_n3A_110 : vector<128x128xi1>, vector<128x128xf32>
    %jit3A_120 = arith.constant 1.300000e+01 : f32
    %broadcast_in_dim3A_121 = vector.broadcast %jit3A_120 : f32 to vector<128x128xf32>
    %select_n3A_122 = arith.select %lt3A_118, %broadcast_in_dim3A_121, %select_n3A_113 : vector<128x128xi1>, vector<128x128xf32>
    %slice3A_123 = vector.extract_strided_slice %dot_general3A_5 {offsets = [0, 1792], sizes = [128, 128], strides = [1, 1]} : vector<1024x4096xf32> to vector<128x128xf32>
    %sub3A_124 = arith.constant 1.000000e+00 : f32
    %sub3A_125 = vector.broadcast %sub3A_124 : f32 to vector<128x128xf32>
    %sub3A_126 = arith.subf %sub3A_125, %slice3A_123 : vector<128x128xf32>
    %lt3A_127 = arith.cmpf olt, %sub3A_126, %select_n3A_119 : vector<128x128xf32>
    %select_n3A_128 = arith.select %lt3A_127, %sub3A_126, %select_n3A_119 : vector<128x128xi1>, vector<128x128xf32>
    %jit3A_129 = arith.constant 1.400000e+01 : f32
    %broadcast_in_dim3A_130 = vector.broadcast %jit3A_129 : f32 to vector<128x128xf32>
    %select_n3A_131 = arith.select %lt3A_127, %broadcast_in_dim3A_130, %select_n3A_122 : vector<128x128xi1>, vector<128x128xf32>
    %slice3A_132 = vector.extract_strided_slice %dot_general3A_5 {offsets = [0, 1920], sizes = [128, 128], strides = [1, 1]} : vector<1024x4096xf32> to vector<128x128xf32>
    %sub3A_133 = arith.constant 1.000000e+00 : f32
    %sub3A_134 = vector.broadcast %sub3A_133 : f32 to vector<128x128xf32>
    %sub3A_135 = arith.subf %sub3A_134, %slice3A_132 : vector<128x128xf32>
    %lt3A_136 = arith.cmpf olt, %sub3A_135, %select_n3A_128 : vector<128x128xf32>
    %select_n3A_137 = arith.select %lt3A_136, %sub3A_135, %select_n3A_128 : vector<128x128xi1>, vector<128x128xf32>
    %jit3A_138 = arith.constant 1.500000e+01 : f32
    %broadcast_in_dim3A_139 = vector.broadcast %jit3A_138 : f32 to vector<128x128xf32>
    %select_n3A_140 = arith.select %lt3A_136, %broadcast_in_dim3A_139, %select_n3A_131 : vector<128x128xi1>, vector<128x128xf32>
    %slice3A_141 = vector.extract_strided_slice %dot_general3A_5 {offsets = [0, 2048], sizes = [128, 128], strides = [1, 1]} : vector<1024x4096xf32> to vector<128x128xf32>
    %sub3A_142 = arith.constant 1.000000e+00 : f32
    %sub3A_143 = vector.broadcast %sub3A_142 : f32 to vector<128x128xf32>
    %sub3A_144 = arith.subf %sub3A_143, %slice3A_141 : vector<128x128xf32>
    %lt3A_145 = arith.cmpf olt, %sub3A_144, %select_n3A_137 : vector<128x128xf32>
    %select_n3A_146 = arith.select %lt3A_145, %sub3A_144, %select_n3A_137 : vector<128x128xi1>, vector<128x128xf32>
    %jit3A_147 = arith.constant 1.600000e+01 : f32
    %broadcast_in_dim3A_148 = vector.broadcast %jit3A_147 : f32 to vector<128x128xf32>
    %select_n3A_149 = arith.select %lt3A_145, %broadcast_in_dim3A_148, %select_n3A_140 : vector<128x128xi1>, vector<128x128xf32>
    %slice3A_150 = vector.extract_strided_slice %dot_general3A_5 {offsets = [0, 2176], sizes = [128, 128], strides = [1, 1]} : vector<1024x4096xf32> to vector<128x128xf32>
    %sub3A_151 = arith.constant 1.000000e+00 : f32
    %sub3A_152 = vector.broadcast %sub3A_151 : f32 to vector<128x128xf32>
    %sub3A_153 = arith.subf %sub3A_152, %slice3A_150 : vector<128x128xf32>
    %lt3A_154 = arith.cmpf olt, %sub3A_153, %select_n3A_146 : vector<128x128xf32>
    %select_n3A_155 = arith.select %lt3A_154, %sub3A_153, %select_n3A_146 : vector<128x128xi1>, vector<128x128xf32>
    %jit3A_156 = arith.constant 1.700000e+01 : f32
    %broadcast_in_dim3A_157 = vector.broadcast %jit3A_156 : f32 to vector<128x128xf32>
    %select_n3A_158 = arith.select %lt3A_154, %broadcast_in_dim3A_157, %select_n3A_149 : vector<128x128xi1>, vector<128x128xf32>
    %slice3A_159 = vector.extract_strided_slice %dot_general3A_5 {offsets = [0, 2304], sizes = [128, 128], strides = [1, 1]} : vector<1024x4096xf32> to vector<128x128xf32>
    %sub3A_160 = arith.constant 1.000000e+00 : f32
    %sub3A_161 = vector.broadcast %sub3A_160 : f32 to vector<128x128xf32>
    %sub3A_162 = arith.subf %sub3A_161, %slice3A_159 : vector<128x128xf32>
    %lt3A_163 = arith.cmpf olt, %sub3A_162, %select_n3A_155 : vector<128x128xf32>
    %select_n3A_164 = arith.select %lt3A_163, %sub3A_162, %select_n3A_155 : vector<128x128xi1>, vector<128x128xf32>
    %jit3A_165 = arith.constant 1.800000e+01 : f32
    %broadcast_in_dim3A_166 = vector.broadcast %jit3A_165 : f32 to vector<128x128xf32>
    %select_n3A_167 = arith.select %lt3A_163, %broadcast_in_dim3A_166, %select_n3A_158 : vector<128x128xi1>, vector<128x128xf32>
    %slice3A_168 = vector.extract_strided_slice %dot_general3A_5 {offsets = [0, 2432], sizes = [128, 128], strides = [1, 1]} : vector<1024x4096xf32> to vector<128x128xf32>
    %sub3A_169 = arith.constant 1.000000e+00 : f32
    %sub3A_170 = vector.broadcast %sub3A_169 : f32 to vector<128x128xf32>
    %sub3A_171 = arith.subf %sub3A_170, %slice3A_168 : vector<128x128xf32>
    %lt3A_172 = arith.cmpf olt, %sub3A_171, %select_n3A_164 : vector<128x128xf32>
    %select_n3A_173 = arith.select %lt3A_172, %sub3A_171, %select_n3A_164 : vector<128x128xi1>, vector<128x128xf32>
    %jit3A_174 = arith.constant 1.900000e+01 : f32
    %broadcast_in_dim3A_175 = vector.broadcast %jit3A_174 : f32 to vector<128x128xf32>
    %select_n3A_176 = arith.select %lt3A_172, %broadcast_in_dim3A_175, %select_n3A_167 : vector<128x128xi1>, vector<128x128xf32>
    %slice3A_177 = vector.extract_strided_slice %dot_general3A_5 {offsets = [0, 2560], sizes = [128, 128], strides = [1, 1]} : vector<1024x4096xf32> to vector<128x128xf32>
    %sub3A_178 = arith.constant 1.000000e+00 : f32
    %sub3A_179 = vector.broadcast %sub3A_178 : f32 to vector<128x128xf32>
    %sub3A_180 = arith.subf %sub3A_179, %slice3A_177 : vector<128x128xf32>
    %lt3A_181 = arith.cmpf olt, %sub3A_180, %select_n3A_173 : vector<128x128xf32>
    %select_n3A_182 = arith.select %lt3A_181, %sub3A_180, %select_n3A_173 : vector<128x128xi1>, vector<128x128xf32>
    %jit3A_183 = arith.constant 2.000000e+01 : f32
    %broadcast_in_dim3A_184 = vector.broadcast %jit3A_183 : f32 to vector<128x128xf32>
    %select_n3A_185 = arith.select %lt3A_181, %broadcast_in_dim3A_184, %select_n3A_176 : vector<128x128xi1>, vector<128x128xf32>
    %slice3A_186 = vector.extract_strided_slice %dot_general3A_5 {offsets = [0, 2688], sizes = [128, 128], strides = [1, 1]} : vector<1024x4096xf32> to vector<128x128xf32>
    %sub3A_187 = arith.constant 1.000000e+00 : f32
    %sub3A_188 = vector.broadcast %sub3A_187 : f32 to vector<128x128xf32>
    %sub3A_189 = arith.subf %sub3A_188, %slice3A_186 : vector<128x128xf32>
    %lt3A_190 = arith.cmpf olt, %sub3A_189, %select_n3A_182 : vector<128x128xf32>
    %select_n3A_191 = arith.select %lt3A_190, %sub3A_189, %select_n3A_182 : vector<128x128xi1>, vector<128x128xf32>
    %jit3A_192 = arith.constant 2.100000e+01 : f32
    %broadcast_in_dim3A_193 = vector.broadcast %jit3A_192 : f32 to vector<128x128xf32>
    %select_n3A_194 = arith.select %lt3A_190, %broadcast_in_dim3A_193, %select_n3A_185 : vector<128x128xi1>, vector<128x128xf32>
    %slice3A_195 = vector.extract_strided_slice %dot_general3A_5 {offsets = [0, 2816], sizes = [128, 128], strides = [1, 1]} : vector<1024x4096xf32> to vector<128x128xf32>
    %sub3A_196 = arith.constant 1.000000e+00 : f32
    %sub3A_197 = vector.broadcast %sub3A_196 : f32 to vector<128x128xf32>
    %sub3A_198 = arith.subf %sub3A_197, %slice3A_195 : vector<128x128xf32>
    %lt3A_199 = arith.cmpf olt, %sub3A_198, %select_n3A_191 : vector<128x128xf32>
    %select_n3A_200 = arith.select %lt3A_199, %sub3A_198, %select_n3A_191 : vector<128x128xi1>, vector<128x128xf32>
    %jit3A_201 = arith.constant 2.200000e+01 : f32
    %broadcast_in_dim3A_202 = vector.broadcast %jit3A_201 : f32 to vector<128x128xf32>
    %select_n3A_203 = arith.select %lt3A_199, %broadcast_in_dim3A_202, %select_n3A_194 : vector<128x128xi1>, vector<128x128xf32>
    %slice3A_204 = vector.extract_strided_slice %dot_general3A_5 {offsets = [0, 2944], sizes = [128, 128], strides = [1, 1]} : vector<1024x4096xf32> to vector<128x128xf32>
    %sub3A_205 = arith.constant 1.000000e+00 : f32
    %sub3A_206 = vector.broadcast %sub3A_205 : f32 to vector<128x128xf32>
    %sub3A_207 = arith.subf %sub3A_206, %slice3A_204 : vector<128x128xf32>
    %lt3A_208 = arith.cmpf olt, %sub3A_207, %select_n3A_200 : vector<128x128xf32>
    %select_n3A_209 = arith.select %lt3A_208, %sub3A_207, %select_n3A_200 : vector<128x128xi1>, vector<128x128xf32>
    %jit3A_210 = arith.constant 2.300000e+01 : f32
    %broadcast_in_dim3A_211 = vector.broadcast %jit3A_210 : f32 to vector<128x128xf32>
    %select_n3A_212 = arith.select %lt3A_208, %broadcast_in_dim3A_211, %select_n3A_203 : vector<128x128xi1>, vector<128x128xf32>
    %slice3A_213 = vector.extract_strided_slice %dot_general3A_5 {offsets = [0, 3072], sizes = [128, 128], strides = [1, 1]} : vector<1024x4096xf32> to vector<128x128xf32>
    %sub3A_214 = arith.constant 1.000000e+00 : f32
    %sub3A_215 = vector.broadcast %sub3A_214 : f32 to vector<128x128xf32>
    %sub3A_216 = arith.subf %sub3A_215, %slice3A_213 : vector<128x128xf32>
    %lt3A_217 = arith.cmpf olt, %sub3A_216, %select_n3A_209 : vector<128x128xf32>
    %select_n3A_218 = arith.select %lt3A_217, %sub3A_216, %select_n3A_209 : vector<128x128xi1>, vector<128x128xf32>
    %jit3A_219 = arith.constant 2.400000e+01 : f32
    %broadcast_in_dim3A_220 = vector.broadcast %jit3A_219 : f32 to vector<128x128xf32>
    %select_n3A_221 = arith.select %lt3A_217, %broadcast_in_dim3A_220, %select_n3A_212 : vector<128x128xi1>, vector<128x128xf32>
    %slice3A_222 = vector.extract_strided_slice %dot_general3A_5 {offsets = [0, 3200], sizes = [128, 128], strides = [1, 1]} : vector<1024x4096xf32> to vector<128x128xf32>
    %sub3A_223 = arith.constant 1.000000e+00 : f32
    %sub3A_224 = vector.broadcast %sub3A_223 : f32 to vector<128x128xf32>
    %sub3A_225 = arith.subf %sub3A_224, %slice3A_222 : vector<128x128xf32>
    %lt3A_226 = arith.cmpf olt, %sub3A_225, %select_n3A_218 : vector<128x128xf32>
    %select_n3A_227 = arith.select %lt3A_226, %sub3A_225, %select_n3A_218 : vector<128x128xi1>, vector<128x128xf32>
    %jit3A_228 = arith.constant 2.500000e+01 : f32
    %broadcast_in_dim3A_229 = vector.broadcast %jit3A_228 : f32 to vector<128x128xf32>
    %select_n3A_230 = arith.select %lt3A_226, %broadcast_in_dim3A_229, %select_n3A_221 : vector<128x128xi1>, vector<128x128xf32>
    %slice3A_231 = vector.extract_strided_slice %dot_general3A_5 {offsets = [0, 3328], sizes = [128, 128], strides = [1, 1]} : vector<1024x4096xf32> to vector<128x128xf32>
    %sub3A_232 = arith.constant 1.000000e+00 : f32
    %sub3A_233 = vector.broadcast %sub3A_232 : f32 to vector<128x128xf32>
    %sub3A_234 = arith.subf %sub3A_233, %slice3A_231 : vector<128x128xf32>
    %lt3A_235 = arith.cmpf olt, %sub3A_234, %select_n3A_227 : vector<128x128xf32>
    %select_n3A_236 = arith.select %lt3A_235, %sub3A_234, %select_n3A_227 : vector<128x128xi1>, vector<128x128xf32>
    %jit3A_237 = arith.constant 2.600000e+01 : f32
    %broadcast_in_dim3A_238 = vector.broadcast %jit3A_237 : f32 to vector<128x128xf32>
    %select_n3A_239 = arith.select %lt3A_235, %broadcast_in_dim3A_238, %select_n3A_230 : vector<128x128xi1>, vector<128x128xf32>
    %slice3A_240 = vector.extract_strided_slice %dot_general3A_5 {offsets = [0, 3456], sizes = [128, 128], strides = [1, 1]} : vector<1024x4096xf32> to vector<128x128xf32>
    %sub3A_241 = arith.constant 1.000000e+00 : f32
    %sub3A_242 = vector.broadcast %sub3A_241 : f32 to vector<128x128xf32>
    %sub3A_243 = arith.subf %sub3A_242, %slice3A_240 : vector<128x128xf32>
    %lt3A_244 = arith.cmpf olt, %sub3A_243, %select_n3A_236 : vector<128x128xf32>
    %select_n3A_245 = arith.select %lt3A_244, %sub3A_243, %select_n3A_236 : vector<128x128xi1>, vector<128x128xf32>
    %jit3A_246 = arith.constant 2.700000e+01 : f32
    %broadcast_in_dim3A_247 = vector.broadcast %jit3A_246 : f32 to vector<128x128xf32>
    %select_n3A_248 = arith.select %lt3A_244, %broadcast_in_dim3A_247, %select_n3A_239 : vector<128x128xi1>, vector<128x128xf32>
    %slice3A_249 = vector.extract_strided_slice %dot_general3A_5 {offsets = [0, 3584], sizes = [128, 128], strides = [1, 1]} : vector<1024x4096xf32> to vector<128x128xf32>
    %sub3A_250 = arith.constant 1.000000e+00 : f32
    %sub3A_251 = vector.broadcast %sub3A_250 : f32 to vector<128x128xf32>
    %sub3A_252 = arith.subf %sub3A_251, %slice3A_249 : vector<128x128xf32>
    %lt3A_253 = arith.cmpf olt, %sub3A_252, %select_n3A_245 : vector<128x128xf32>
    %select_n3A_254 = arith.select %lt3A_253, %sub3A_252, %select_n3A_245 : vector<128x128xi1>, vector<128x128xf32>
    %jit3A_255 = arith.constant 2.800000e+01 : f32
    %broadcast_in_dim3A_256 = vector.broadcast %jit3A_255 : f32 to vector<128x128xf32>
    %select_n3A_257 = arith.select %lt3A_253, %broadcast_in_dim3A_256, %select_n3A_248 : vector<128x128xi1>, vector<128x128xf32>
    %slice3A_258 = vector.extract_strided_slice %dot_general3A_5 {offsets = [0, 3712], sizes = [128, 128], strides = [1, 1]} : vector<1024x4096xf32> to vector<128x128xf32>
    %sub3A_259 = arith.constant 1.000000e+00 : f32
    %sub3A_260 = vector.broadcast %sub3A_259 : f32 to vector<128x128xf32>
    %sub3A_261 = arith.subf %sub3A_260, %slice3A_258 : vector<128x128xf32>
    %lt3A_262 = arith.cmpf olt, %sub3A_261, %select_n3A_254 : vector<128x128xf32>
    %select_n3A_263 = arith.select %lt3A_262, %sub3A_261, %select_n3A_254 : vector<128x128xi1>, vector<128x128xf32>
    %jit3A_264 = arith.constant 2.900000e+01 : f32
    %broadcast_in_dim3A_265 = vector.broadcast %jit3A_264 : f32 to vector<128x128xf32>
    %select_n3A_266 = arith.select %lt3A_262, %broadcast_in_dim3A_265, %select_n3A_257 : vector<128x128xi1>, vector<128x128xf32>
    %slice3A_267 = vector.extract_strided_slice %dot_general3A_5 {offsets = [0, 3840], sizes = [128, 128], strides = [1, 1]} : vector<1024x4096xf32> to vector<128x128xf32>
    %sub3A_268 = arith.constant 1.000000e+00 : f32
    %sub3A_269 = vector.broadcast %sub3A_268 : f32 to vector<128x128xf32>
    %sub3A_270 = arith.subf %sub3A_269, %slice3A_267 : vector<128x128xf32>
    %lt3A_271 = arith.cmpf olt, %sub3A_270, %select_n3A_263 : vector<128x128xf32>
    %select_n3A_272 = arith.select %lt3A_271, %sub3A_270, %select_n3A_263 : vector<128x128xi1>, vector<128x128xf32>
    %jit3A_273 = arith.constant 3.000000e+01 : f32
    %broadcast_in_dim3A_274 = vector.broadcast %jit3A_273 : f32 to vector<128x128xf32>
    %select_n3A_275 = arith.select %lt3A_271, %broadcast_in_dim3A_274, %select_n3A_266 : vector<128x128xi1>, vector<128x128xf32>
    %slice3A_276 = vector.extract_strided_slice %dot_general3A_5 {offsets = [0, 3968], sizes = [128, 128], strides = [1, 1]} : vector<1024x4096xf32> to vector<128x128xf32>
    %sub3A_277 = arith.constant 1.000000e+00 : f32
    %sub3A_278 = vector.broadcast %sub3A_277 : f32 to vector<128x128xf32>
    %sub3A_279 = arith.subf %sub3A_278, %slice3A_276 : vector<128x128xf32>
    %lt3A_280 = arith.cmpf olt, %sub3A_279, %select_n3A_272 : vector<128x128xf32>
    %select_n3A_281 = arith.select %lt3A_280, %sub3A_279, %select_n3A_272 : vector<128x128xi1>, vector<128x128xf32>
    %jit3A_282 = arith.constant 3.100000e+01 : f32
    %broadcast_in_dim3A_283 = vector.broadcast %jit3A_282 : f32 to vector<128x128xf32>
    %select_n3A_284 = arith.select %lt3A_280, %broadcast_in_dim3A_283, %select_n3A_275 : vector<128x128xi1>, vector<128x128xf32>
    %slice3A_285 = vector.extract_strided_slice %dot_general3A_5 {offsets = [128, 0], sizes = [128, 128], strides = [1, 1]} : vector<1024x4096xf32> to vector<128x128xf32>
    %sub3A_286 = arith.constant 1.000000e+00 : f32
    %sub3A_287 = vector.broadcast %sub3A_286 : f32 to vector<128x128xf32>
    %sub3A_288 = arith.subf %sub3A_287, %slice3A_285 : vector<128x128xf32>
    %broadcast_in_dim3A_289 = arith.constant 0.000000e+00 : f32
    %broadcast_in_dim3A_290 = vector.broadcast %broadcast_in_dim3A_289 : f32 to vector<128x128xf32>
    %slice3A_291 = vector.extract_strided_slice %dot_general3A_5 {offsets = [128, 128], sizes = [128, 128], strides = [1, 1]} : vector<1024x4096xf32> to vector<128x128xf32>
    %sub3A_292 = arith.constant 1.000000e+00 : f32
    %sub3A_293 = vector.broadcast %sub3A_292 : f32 to vector<128x128xf32>
    %sub3A_294 = arith.subf %sub3A_293, %slice3A_291 : vector<128x128xf32>
    %lt3A_295 = arith.cmpf olt, %sub3A_294, %sub3A_288 : vector<128x128xf32>
    %select_n3A_296 = arith.select %lt3A_295, %sub3A_294, %sub3A_288 : vector<128x128xi1>, vector<128x128xf32>
    %jit3A_297 = arith.constant 1.000000e+00 : f32
    %broadcast_in_dim3A_298 = vector.broadcast %jit3A_297 : f32 to vector<128x128xf32>
    %select_n3A_299 = arith.select %lt3A_295, %broadcast_in_dim3A_298, %broadcast_in_dim3A_290 : vector<128x128xi1>, vector<128x128xf32>
    %slice3A_300 = vector.extract_strided_slice %dot_general3A_5 {offsets = [128, 256], sizes = [128, 128], strides = [1, 1]} : vector<1024x4096xf32> to vector<128x128xf32>
    %sub3A_301 = arith.constant 1.000000e+00 : f32
    %sub3A_302 = vector.broadcast %sub3A_301 : f32 to vector<128x128xf32>
    %sub3A_303 = arith.subf %sub3A_302, %slice3A_300 : vector<128x128xf32>
    %lt3A_304 = arith.cmpf olt, %sub3A_303, %select_n3A_296 : vector<128x128xf32>
    %select_n3A_305 = arith.select %lt3A_304, %sub3A_303, %select_n3A_296 : vector<128x128xi1>, vector<128x128xf32>
    %jit3A_306 = arith.constant 2.000000e+00 : f32
    %broadcast_in_dim3A_307 = vector.broadcast %jit3A_306 : f32 to vector<128x128xf32>
    %select_n3A_308 = arith.select %lt3A_304, %broadcast_in_dim3A_307, %select_n3A_299 : vector<128x128xi1>, vector<128x128xf32>
    %slice3A_309 = vector.extract_strided_slice %dot_general3A_5 {offsets = [128, 384], sizes = [128, 128], strides = [1, 1]} : vector<1024x4096xf32> to vector<128x128xf32>
    %sub3A_310 = arith.constant 1.000000e+00 : f32
    %sub3A_311 = vector.broadcast %sub3A_310 : f32 to vector<128x128xf32>
    %sub3A_312 = arith.subf %sub3A_311, %slice3A_309 : vector<128x128xf32>
    %lt3A_313 = arith.cmpf olt, %sub3A_312, %select_n3A_305 : vector<128x128xf32>
    %select_n3A_314 = arith.select %lt3A_313, %sub3A_312, %select_n3A_305 : vector<128x128xi1>, vector<128x128xf32>
    %jit3A_315 = arith.constant 3.000000e+00 : f32
    %broadcast_in_dim3A_316 = vector.broadcast %jit3A_315 : f32 to vector<128x128xf32>
    %select_n3A_317 = arith.select %lt3A_313, %broadcast_in_dim3A_316, %select_n3A_308 : vector<128x128xi1>, vector<128x128xf32>
    %slice3A_318 = vector.extract_strided_slice %dot_general3A_5 {offsets = [128, 512], sizes = [128, 128], strides = [1, 1]} : vector<1024x4096xf32> to vector<128x128xf32>
    %sub3A_319 = arith.constant 1.000000e+00 : f32
    %sub3A_320 = vector.broadcast %sub3A_319 : f32 to vector<128x128xf32>
    %sub3A_321 = arith.subf %sub3A_320, %slice3A_318 : vector<128x128xf32>
    %lt3A_322 = arith.cmpf olt, %sub3A_321, %select_n3A_314 : vector<128x128xf32>
    %select_n3A_323 = arith.select %lt3A_322, %sub3A_321, %select_n3A_314 : vector<128x128xi1>, vector<128x128xf32>
    %jit3A_324 = arith.constant 4.000000e+00 : f32
    %broadcast_in_dim3A_325 = vector.broadcast %jit3A_324 : f32 to vector<128x128xf32>
    %select_n3A_326 = arith.select %lt3A_322, %broadcast_in_dim3A_325, %select_n3A_317 : vector<128x128xi1>, vector<128x128xf32>
    %slice3A_327 = vector.extract_strided_slice %dot_general3A_5 {offsets = [128, 640], sizes = [128, 128], strides = [1, 1]} : vector<1024x4096xf32> to vector<128x128xf32>
    %sub3A_328 = arith.constant 1.000000e+00 : f32
    %sub3A_329 = vector.broadcast %sub3A_328 : f32 to vector<128x128xf32>
    %sub3A_330 = arith.subf %sub3A_329, %slice3A_327 : vector<128x128xf32>
    %lt3A_331 = arith.cmpf olt, %sub3A_330, %select_n3A_323 : vector<128x128xf32>
    %select_n3A_332 = arith.select %lt3A_331, %sub3A_330, %select_n3A_323 : vector<128x128xi1>, vector<128x128xf32>
    %jit3A_333 = arith.constant 5.000000e+00 : f32
    %broadcast_in_dim3A_334 = vector.broadcast %jit3A_333 : f32 to vector<128x128xf32>
    %select_n3A_335 = arith.select %lt3A_331, %broadcast_in_dim3A_334, %select_n3A_326 : vector<128x128xi1>, vector<128x128xf32>
    %slice3A_336 = vector.extract_strided_slice %dot_general3A_5 {offsets = [128, 768], sizes = [128, 128], strides = [1, 1]} : vector<1024x4096xf32> to vector<128x128xf32>
    %sub3A_337 = arith.constant 1.000000e+00 : f32
    %sub3A_338 = vector.broadcast %sub3A_337 : f32 to vector<128x128xf32>
    %sub3A_339 = arith.subf %sub3A_338, %slice3A_336 : vector<128x128xf32>
    %lt3A_340 = arith.cmpf olt, %sub3A_339, %select_n3A_332 : vector<128x128xf32>
    %select_n3A_341 = arith.select %lt3A_340, %sub3A_339, %select_n3A_332 : vector<128x128xi1>, vector<128x128xf32>
    %jit3A_342 = arith.constant 6.000000e+00 : f32
    %broadcast_in_dim3A_343 = vector.broadcast %jit3A_342 : f32 to vector<128x128xf32>
    %select_n3A_344 = arith.select %lt3A_340, %broadcast_in_dim3A_343, %select_n3A_335 : vector<128x128xi1>, vector<128x128xf32>
    %slice3A_345 = vector.extract_strided_slice %dot_general3A_5 {offsets = [128, 896], sizes = [128, 128], strides = [1, 1]} : vector<1024x4096xf32> to vector<128x128xf32>
    %sub3A_346 = arith.constant 1.000000e+00 : f32
    %sub3A_347 = vector.broadcast %sub3A_346 : f32 to vector<128x128xf32>
    %sub3A_348 = arith.subf %sub3A_347, %slice3A_345 : vector<128x128xf32>
    %lt3A_349 = arith.cmpf olt, %sub3A_348, %select_n3A_341 : vector<128x128xf32>
    %select_n3A_350 = arith.select %lt3A_349, %sub3A_348, %select_n3A_341 : vector<128x128xi1>, vector<128x128xf32>
    %jit3A_351 = arith.constant 7.000000e+00 : f32
    %broadcast_in_dim3A_352 = vector.broadcast %jit3A_351 : f32 to vector<128x128xf32>
    %select_n3A_353 = arith.select %lt3A_349, %broadcast_in_dim3A_352, %select_n3A_344 : vector<128x128xi1>, vector<128x128xf32>
    %slice3A_354 = vector.extract_strided_slice %dot_general3A_5 {offsets = [128, 1024], sizes = [128, 128], strides = [1, 1]} : vector<1024x4096xf32> to vector<128x128xf32>
    %sub3A_355 = arith.constant 1.000000e+00 : f32
    %sub3A_356 = vector.broadcast %sub3A_355 : f32 to vector<128x128xf32>
    %sub3A_357 = arith.subf %sub3A_356, %slice3A_354 : vector<128x128xf32>
    %lt3A_358 = arith.cmpf olt, %sub3A_357, %select_n3A_350 : vector<128x128xf32>
    %select_n3A_359 = arith.select %lt3A_358, %sub3A_357, %select_n3A_350 : vector<128x128xi1>, vector<128x128xf32>
    %jit3A_360 = arith.constant 8.000000e+00 : f32
    %broadcast_in_dim3A_361 = vector.broadcast %jit3A_360 : f32 to vector<128x128xf32>
    %select_n3A_362 = arith.select %lt3A_358, %broadcast_in_dim3A_361, %select_n3A_353 : vector<128x128xi1>, vector<128x128xf32>
    %slice3A_363 = vector.extract_strided_slice %dot_general3A_5 {offsets = [128, 1152], sizes = [128, 128], strides = [1, 1]} : vector<1024x4096xf32> to vector<128x128xf32>
    %sub3A_364 = arith.constant 1.000000e+00 : f32
    %sub3A_365 = vector.broadcast %sub3A_364 : f32 to vector<128x128xf32>
    %sub3A_366 = arith.subf %sub3A_365, %slice3A_363 : vector<128x128xf32>
    %lt3A_367 = arith.cmpf olt, %sub3A_366, %select_n3A_359 : vector<128x128xf32>
    %select_n3A_368 = arith.select %lt3A_367, %sub3A_366, %select_n3A_359 : vector<128x128xi1>, vector<128x128xf32>
    %jit3A_369 = arith.constant 9.000000e+00 : f32
    %broadcast_in_dim3A_370 = vector.broadcast %jit3A_369 : f32 to vector<128x128xf32>
    %select_n3A_371 = arith.select %lt3A_367, %broadcast_in_dim3A_370, %select_n3A_362 : vector<128x128xi1>, vector<128x128xf32>
    %slice3A_372 = vector.extract_strided_slice %dot_general3A_5 {offsets = [128, 1280], sizes = [128, 128], strides = [1, 1]} : vector<1024x4096xf32> to vector<128x128xf32>
    %sub3A_373 = arith.constant 1.000000e+00 : f32
    %sub3A_374 = vector.broadcast %sub3A_373 : f32 to vector<128x128xf32>
    %sub3A_375 = arith.subf %sub3A_374, %slice3A_372 : vector<128x128xf32>
    %lt3A_376 = arith.cmpf olt, %sub3A_375, %select_n3A_368 : vector<128x128xf32>
    %select_n3A_377 = arith.select %lt3A_376, %sub3A_375, %select_n3A_368 : vector<128x128xi1>, vector<128x128xf32>
    %jit3A_378 = arith.constant 1.000000e+01 : f32
    %broadcast_in_dim3A_379 = vector.broadcast %jit3A_378 : f32 to vector<128x128xf32>
    %select_n3A_380 = arith.select %lt3A_376, %broadcast_in_dim3A_379, %select_n3A_371 : vector<128x128xi1>, vector<128x128xf32>
    %slice3A_381 = vector.extract_strided_slice %dot_general3A_5 {offsets = [128, 1408], sizes = [128, 128], strides = [1, 1]} : vector<1024x4096xf32> to vector<128x128xf32>
    %sub3A_382 = arith.constant 1.000000e+00 : f32
    %sub3A_383 = vector.broadcast %sub3A_382 : f32 to vector<128x128xf32>
    %sub3A_384 = arith.subf %sub3A_383, %slice3A_381 : vector<128x128xf32>
    %lt3A_385 = arith.cmpf olt, %sub3A_384, %select_n3A_377 : vector<128x128xf32>
    %select_n3A_386 = arith.select %lt3A_385, %sub3A_384, %select_n3A_377 : vector<128x128xi1>, vector<128x128xf32>
    %jit3A_387 = arith.constant 1.100000e+01 : f32
    %broadcast_in_dim3A_388 = vector.broadcast %jit3A_387 : f32 to vector<128x128xf32>
    %select_n3A_389 = arith.select %lt3A_385, %broadcast_in_dim3A_388, %select_n3A_380 : vector<128x128xi1>, vector<128x128xf32>
    %slice3A_390 = vector.extract_strided_slice %dot_general3A_5 {offsets = [128, 1536], sizes = [128, 128], strides = [1, 1]} : vector<1024x4096xf32> to vector<128x128xf32>
    %sub3A_391 = arith.constant 1.000000e+00 : f32
    %sub3A_392 = vector.broadcast %sub3A_391 : f32 to vector<128x128xf32>
    %sub3A_393 = arith.subf %sub3A_392, %slice3A_390 : vector<128x128xf32>
    %lt3A_394 = arith.cmpf olt, %sub3A_393, %select_n3A_386 : vector<128x128xf32>
    %select_n3A_395 = arith.select %lt3A_394, %sub3A_393, %select_n3A_386 : vector<128x128xi1>, vector<128x128xf32>
    %jit3A_396 = arith.constant 1.200000e+01 : f32
    %broadcast_in_dim3A_397 = vector.broadcast %jit3A_396 : f32 to vector<128x128xf32>
    %select_n3A_398 = arith.select %lt3A_394, %broadcast_in_dim3A_397, %select_n3A_389 : vector<128x128xi1>, vector<128x128xf32>
    %slice3A_399 = vector.extract_strided_slice %dot_general3A_5 {offsets = [128, 1664], sizes = [128, 128], strides = [1, 1]} : vector<1024x4096xf32> to vector<128x128xf32>
    %sub3A_400 = arith.constant 1.000000e+00 : f32
    %sub3A_401 = vector.broadcast %sub3A_400 : f32 to vector<128x128xf32>
    %sub3A_402 = arith.subf %sub3A_401, %slice3A_399 : vector<128x128xf32>
    %lt3A_403 = arith.cmpf olt, %sub3A_402, %select_n3A_395 : vector<128x128xf32>
    %select_n3A_404 = arith.select %lt3A_403, %sub3A_402, %select_n3A_395 : vector<128x128xi1>, vector<128x128xf32>
    %jit3A_405 = arith.constant 1.300000e+01 : f32
    %broadcast_in_dim3A_406 = vector.broadcast %jit3A_405 : f32 to vector<128x128xf32>
    %select_n3A_407 = arith.select %lt3A_403, %broadcast_in_dim3A_406, %select_n3A_398 : vector<128x128xi1>, vector<128x128xf32>
    %slice3A_408 = vector.extract_strided_slice %dot_general3A_5 {offsets = [128, 1792], sizes = [128, 128], strides = [1, 1]} : vector<1024x4096xf32> to vector<128x128xf32>
    %sub3A_409 = arith.constant 1.000000e+00 : f32
    %sub3A_410 = vector.broadcast %sub3A_409 : f32 to vector<128x128xf32>
    %sub3A_411 = arith.subf %sub3A_410, %slice3A_408 : vector<128x128xf32>
    %lt3A_412 = arith.cmpf olt, %sub3A_411, %select_n3A_404 : vector<128x128xf32>
    %select_n3A_413 = arith.select %lt3A_412, %sub3A_411, %select_n3A_404 : vector<128x128xi1>, vector<128x128xf32>
    %jit3A_414 = arith.constant 1.400000e+01 : f32
    %broadcast_in_dim3A_415 = vector.broadcast %jit3A_414 : f32 to vector<128x128xf32>
    %select_n3A_416 = arith.select %lt3A_412, %broadcast_in_dim3A_415, %select_n3A_407 : vector<128x128xi1>, vector<128x128xf32>
    %slice3A_417 = vector.extract_strided_slice %dot_general3A_5 {offsets = [128, 1920], sizes = [128, 128], strides = [1, 1]} : vector<1024x4096xf32> to vector<128x128xf32>
    %sub3A_418 = arith.constant 1.000000e+00 : f32
    %sub3A_419 = vector.broadcast %sub3A_418 : f32 to vector<128x128xf32>
    %sub3A_420 = arith.subf %sub3A_419, %slice3A_417 : vector<128x128xf32>
    %lt3A_421 = arith.cmpf olt, %sub3A_420, %select_n3A_413 : vector<128x128xf32>
    %select_n3A_422 = arith.select %lt3A_421, %sub3A_420, %select_n3A_413 : vector<128x128xi1>, vector<128x128xf32>
    %jit3A_423 = arith.constant 1.500000e+01 : f32
    %broadcast_in_dim3A_424 = vector.broadcast %jit3A_423 : f32 to vector<128x128xf32>
    %select_n3A_425 = arith.select %lt3A_421, %broadcast_in_dim3A_424, %select_n3A_416 : vector<128x128xi1>, vector<128x128xf32>
    %slice3A_426 = vector.extract_strided_slice %dot_general3A_5 {offsets = [128, 2048], sizes = [128, 128], strides = [1, 1]} : vector<1024x4096xf32> to vector<128x128xf32>
    %sub3A_427 = arith.constant 1.000000e+00 : f32
    %sub3A_428 = vector.broadcast %sub3A_427 : f32 to vector<128x128xf32>
    %sub3A_429 = arith.subf %sub3A_428, %slice3A_426 : vector<128x128xf32>
    %lt3A_430 = arith.cmpf olt, %sub3A_429, %select_n3A_422 : vector<128x128xf32>
    %select_n3A_431 = arith.select %lt3A_430, %sub3A_429, %select_n3A_422 : vector<128x128xi1>, vector<128x128xf32>
    %jit3A_432 = arith.constant 1.600000e+01 : f32
    %broadcast_in_dim3A_433 = vector.broadcast %jit3A_432 : f32 to vector<128x128xf32>
    %select_n3A_434 = arith.select %lt3A_430, %broadcast_in_dim3A_433, %select_n3A_425 : vector<128x128xi1>, vector<128x128xf32>
    %slice3A_435 = vector.extract_strided_slice %dot_general3A_5 {offsets = [128, 2176], sizes = [128, 128], strides = [1, 1]} : vector<1024x4096xf32> to vector<128x128xf32>
    %sub3A_436 = arith.constant 1.000000e+00 : f32
    %sub3A_437 = vector.broadcast %sub3A_436 : f32 to vector<128x128xf32>
    %sub3A_438 = arith.subf %sub3A_437, %slice3A_435 : vector<128x128xf32>
    %lt3A_439 = arith.cmpf olt, %sub3A_438, %select_n3A_431 : vector<128x128xf32>
    %select_n3A_440 = arith.select %lt3A_439, %sub3A_438, %select_n3A_431 : vector<128x128xi1>, vector<128x128xf32>
    %jit3A_441 = arith.constant 1.700000e+01 : f32
    %broadcast_in_dim3A_442 = vector.broadcast %jit3A_441 : f32 to vector<128x128xf32>
    %select_n3A_443 = arith.select %lt3A_439, %broadcast_in_dim3A_442, %select_n3A_434 : vector<128x128xi1>, vector<128x128xf32>
    %slice3A_444 = vector.extract_strided_slice %dot_general3A_5 {offsets = [128, 2304], sizes = [128, 128], strides = [1, 1]} : vector<1024x4096xf32> to vector<128x128xf32>
    %sub3A_445 = arith.constant 1.000000e+00 : f32
    %sub3A_446 = vector.broadcast %sub3A_445 : f32 to vector<128x128xf32>
    %sub3A_447 = arith.subf %sub3A_446, %slice3A_444 : vector<128x128xf32>
    %lt3A_448 = arith.cmpf olt, %sub3A_447, %select_n3A_440 : vector<128x128xf32>
    %select_n3A_449 = arith.select %lt3A_448, %sub3A_447, %select_n3A_440 : vector<128x128xi1>, vector<128x128xf32>
    %jit3A_450 = arith.constant 1.800000e+01 : f32
    %broadcast_in_dim3A_451 = vector.broadcast %jit3A_450 : f32 to vector<128x128xf32>
    %select_n3A_452 = arith.select %lt3A_448, %broadcast_in_dim3A_451, %select_n3A_443 : vector<128x128xi1>, vector<128x128xf32>
    %slice3A_453 = vector.extract_strided_slice %dot_general3A_5 {offsets = [128, 2432], sizes = [128, 128], strides = [1, 1]} : vector<1024x4096xf32> to vector<128x128xf32>
    %sub3A_454 = arith.constant 1.000000e+00 : f32
    %sub3A_455 = vector.broadcast %sub3A_454 : f32 to vector<128x128xf32>
    %sub3A_456 = arith.subf %sub3A_455, %slice3A_453 : vector<128x128xf32>
    %lt3A_457 = arith.cmpf olt, %sub3A_456, %select_n3A_449 : vector<128x128xf32>
    %select_n3A_458 = arith.select %lt3A_457, %sub3A_456, %select_n3A_449 : vector<128x128xi1>, vector<128x128xf32>
    %jit3A_459 = arith.constant 1.900000e+01 : f32
    %broadcast_in_dim3A_460 = vector.broadcast %jit3A_459 : f32 to vector<128x128xf32>
    %select_n3A_461 = arith.select %lt3A_457, %broadcast_in_dim3A_460, %select_n3A_452 : vector<128x128xi1>, vector<128x128xf32>
    %slice3A_462 = vector.extract_strided_slice %dot_general3A_5 {offsets = [128, 2560], sizes = [128, 128], strides = [1, 1]} : vector<1024x4096xf32> to vector<128x128xf32>
    %sub3A_463 = arith.constant 1.000000e+00 : f32
    %sub3A_464 = vector.broadcast %sub3A_463 : f32 to vector<128x128xf32>
    %sub3A_465 = arith.subf %sub3A_464, %slice3A_462 : vector<128x128xf32>
    %lt3A_466 = arith.cmpf olt, %sub3A_465, %select_n3A_458 : vector<128x128xf32>
    %select_n3A_467 = arith.select %lt3A_466, %sub3A_465, %select_n3A_458 : vector<128x128xi1>, vector<128x128xf32>
    %jit3A_468 = arith.constant 2.000000e+01 : f32
    %broadcast_in_dim3A_469 = vector.broadcast %jit3A_468 : f32 to vector<128x128xf32>
    %select_n3A_470 = arith.select %lt3A_466, %broadcast_in_dim3A_469, %select_n3A_461 : vector<128x128xi1>, vector<128x128xf32>
    %slice3A_471 = vector.extract_strided_slice %dot_general3A_5 {offsets = [128, 2688], sizes = [128, 128], strides = [1, 1]} : vector<1024x4096xf32> to vector<128x128xf32>
    %sub3A_472 = arith.constant 1.000000e+00 : f32
    %sub3A_473 = vector.broadcast %sub3A_472 : f32 to vector<128x128xf32>
    %sub3A_474 = arith.subf %sub3A_473, %slice3A_471 : vector<128x128xf32>
    %lt3A_475 = arith.cmpf olt, %sub3A_474, %select_n3A_467 : vector<128x128xf32>
    %select_n3A_476 = arith.select %lt3A_475, %sub3A_474, %select_n3A_467 : vector<128x128xi1>, vector<128x128xf32>
    %jit3A_477 = arith.constant 2.100000e+01 : f32
    %broadcast_in_dim3A_478 = vector.broadcast %jit3A_477 : f32 to vector<128x128xf32>
    %select_n3A_479 = arith.select %lt3A_475, %broadcast_in_dim3A_478, %select_n3A_470 : vector<128x128xi1>, vector<128x128xf32>
    %slice3A_480 = vector.extract_strided_slice %dot_general3A_5 {offsets = [128, 2816], sizes = [128, 128], strides = [1, 1]} : vector<1024x4096xf32> to vector<128x128xf32>
    %sub3A_481 = arith.constant 1.000000e+00 : f32
    %sub3A_482 = vector.broadcast %sub3A_481 : f32 to vector<128x128xf32>
    %sub3A_483 = arith.subf %sub3A_482, %slice3A_480 : vector<128x128xf32>
    %lt3A_484 = arith.cmpf olt, %sub3A_483, %select_n3A_476 : vector<128x128xf32>
    %select_n3A_485 = arith.select %lt3A_484, %sub3A_483, %select_n3A_476 : vector<128x128xi1>, vector<128x128xf32>
    %jit3A_486 = arith.constant 2.200000e+01 : f32
    %broadcast_in_dim3A_487 = vector.broadcast %jit3A_486 : f32 to vector<128x128xf32>
    %select_n3A_488 = arith.select %lt3A_484, %broadcast_in_dim3A_487, %select_n3A_479 : vector<128x128xi1>, vector<128x128xf32>
    %slice3A_489 = vector.extract_strided_slice %dot_general3A_5 {offsets = [128, 2944], sizes = [128, 128], strides = [1, 1]} : vector<1024x4096xf32> to vector<128x128xf32>
    %sub3A_490 = arith.constant 1.000000e+00 : f32
    %sub3A_491 = vector.broadcast %sub3A_490 : f32 to vector<128x128xf32>
    %sub3A_492 = arith.subf %sub3A_491, %slice3A_489 : vector<128x128xf32>
    %lt3A_493 = arith.cmpf olt, %sub3A_492, %select_n3A_485 : vector<128x128xf32>
    %select_n3A_494 = arith.select %lt3A_493, %sub3A_492, %select_n3A_485 : vector<128x128xi1>, vector<128x128xf32>
    %jit3A_495 = arith.constant 2.300000e+01 : f32
    %broadcast_in_dim3A_496 = vector.broadcast %jit3A_495 : f32 to vector<128x128xf32>
    %select_n3A_497 = arith.select %lt3A_493, %broadcast_in_dim3A_496, %select_n3A_488 : vector<128x128xi1>, vector<128x128xf32>
    %slice3A_498 = vector.extract_strided_slice %dot_general3A_5 {offsets = [128, 3072], sizes = [128, 128], strides = [1, 1]} : vector<1024x4096xf32> to vector<128x128xf32>
    %sub3A_499 = arith.constant 1.000000e+00 : f32
    %sub3A_500 = vector.broadcast %sub3A_499 : f32 to vector<128x128xf32>
    %sub3A_501 = arith.subf %sub3A_500, %slice3A_498 : vector<128x128xf32>
    %lt3A_502 = arith.cmpf olt, %sub3A_501, %select_n3A_494 : vector<128x128xf32>
    %select_n3A_503 = arith.select %lt3A_502, %sub3A_501, %select_n3A_494 : vector<128x128xi1>, vector<128x128xf32>
    %jit3A_504 = arith.constant 2.400000e+01 : f32
    %broadcast_in_dim3A_505 = vector.broadcast %jit3A_504 : f32 to vector<128x128xf32>
    %select_n3A_506 = arith.select %lt3A_502, %broadcast_in_dim3A_505, %select_n3A_497 : vector<128x128xi1>, vector<128x128xf32>
    %slice3A_507 = vector.extract_strided_slice %dot_general3A_5 {offsets = [128, 3200], sizes = [128, 128], strides = [1, 1]} : vector<1024x4096xf32> to vector<128x128xf32>
    %sub3A_508 = arith.constant 1.000000e+00 : f32
    %sub3A_509 = vector.broadcast %sub3A_508 : f32 to vector<128x128xf32>
    %sub3A_510 = arith.subf %sub3A_509, %slice3A_507 : vector<128x128xf32>
    %lt3A_511 = arith.cmpf olt, %sub3A_510, %select_n3A_503 : vector<128x128xf32>
    %select_n3A_512 = arith.select %lt3A_511, %sub3A_510, %select_n3A_503 : vector<128x128xi1>, vector<128x128xf32>
    %jit3A_513 = arith.constant 2.500000e+01 : f32
    %broadcast_in_dim3A_514 = vector.broadcast %jit3A_513 : f32 to vector<128x128xf32>
    %select_n3A_515 = arith.select %lt3A_511, %broadcast_in_dim3A_514, %select_n3A_506 : vector<128x128xi1>, vector<128x128xf32>
    %slice3A_516 = vector.extract_strided_slice %dot_general3A_5 {offsets = [128, 3328], sizes = [128, 128], strides = [1, 1]} : vector<1024x4096xf32> to vector<128x128xf32>
    %sub3A_517 = arith.constant 1.000000e+00 : f32
    %sub3A_518 = vector.broadcast %sub3A_517 : f32 to vector<128x128xf32>
    %sub3A_519 = arith.subf %sub3A_518, %slice3A_516 : vector<128x128xf32>
    %lt3A_520 = arith.cmpf olt, %sub3A_519, %select_n3A_512 : vector<128x128xf32>
    %select_n3A_521 = arith.select %lt3A_520, %sub3A_519, %select_n3A_512 : vector<128x128xi1>, vector<128x128xf32>
    %jit3A_522 = arith.constant 2.600000e+01 : f32
    %broadcast_in_dim3A_523 = vector.broadcast %jit3A_522 : f32 to vector<128x128xf32>
    %select_n3A_524 = arith.select %lt3A_520, %broadcast_in_dim3A_523, %select_n3A_515 : vector<128x128xi1>, vector<128x128xf32>
    %slice3A_525 = vector.extract_strided_slice %dot_general3A_5 {offsets = [128, 3456], sizes = [128, 128], strides = [1, 1]} : vector<1024x4096xf32> to vector<128x128xf32>
    %sub3A_526 = arith.constant 1.000000e+00 : f32
    %sub3A_527 = vector.broadcast %sub3A_526 : f32 to vector<128x128xf32>
    %sub3A_528 = arith.subf %sub3A_527, %slice3A_525 : vector<128x128xf32>
    %lt3A_529 = arith.cmpf olt, %sub3A_528, %select_n3A_521 : vector<128x128xf32>
    %select_n3A_530 = arith.select %lt3A_529, %sub3A_528, %select_n3A_521 : vector<128x128xi1>, vector<128x128xf32>
    %jit3A_531 = arith.constant 2.700000e+01 : f32
    %broadcast_in_dim3A_532 = vector.broadcast %jit3A_531 : f32 to vector<128x128xf32>
    %select_n3A_533 = arith.select %lt3A_529, %broadcast_in_dim3A_532, %select_n3A_524 : vector<128x128xi1>, vector<128x128xf32>
    %slice3A_534 = vector.extract_strided_slice %dot_general3A_5 {offsets = [128, 3584], sizes = [128, 128], strides = [1, 1]} : vector<1024x4096xf32> to vector<128x128xf32>
    %sub3A_535 = arith.constant 1.000000e+00 : f32
    %sub3A_536 = vector.broadcast %sub3A_535 : f32 to vector<128x128xf32>
    %sub3A_537 = arith.subf %sub3A_536, %slice3A_534 : vector<128x128xf32>
    %lt3A_538 = arith.cmpf olt, %sub3A_537, %select_n3A_530 : vector<128x128xf32>
    %select_n3A_539 = arith.select %lt3A_538, %sub3A_537, %select_n3A_530 : vector<128x128xi1>, vector<128x128xf32>
    %jit3A_540 = arith.constant 2.800000e+01 : f32
    %broadcast_in_dim3A_541 = vector.broadcast %jit3A_540 : f32 to vector<128x128xf32>
    %select_n3A_542 = arith.select %lt3A_538, %broadcast_in_dim3A_541, %select_n3A_533 : vector<128x128xi1>, vector<128x128xf32>
    %slice3A_543 = vector.extract_strided_slice %dot_general3A_5 {offsets = [128, 3712], sizes = [128, 128], strides = [1, 1]} : vector<1024x4096xf32> to vector<128x128xf32>
    %sub3A_544 = arith.constant 1.000000e+00 : f32
    %sub3A_545 = vector.broadcast %sub3A_544 : f32 to vector<128x128xf32>
    %sub3A_546 = arith.subf %sub3A_545, %slice3A_543 : vector<128x128xf32>
    %lt3A_547 = arith.cmpf olt, %sub3A_546, %select_n3A_539 : vector<128x128xf32>
    %select_n3A_548 = arith.select %lt3A_547, %sub3A_546, %select_n3A_539 : vector<128x128xi1>, vector<128x128xf32>
    %jit3A_549 = arith.constant 2.900000e+01 : f32
    %broadcast_in_dim3A_550 = vector.broadcast %jit3A_549 : f32 to vector<128x128xf32>
    %select_n3A_551 = arith.select %lt3A_547, %broadcast_in_dim3A_550, %select_n3A_542 : vector<128x128xi1>, vector<128x128xf32>
    %slice3A_552 = vector.extract_strided_slice %dot_general3A_5 {offsets = [128, 3840], sizes = [128, 128], strides = [1, 1]} : vector<1024x4096xf32> to vector<128x128xf32>
    %sub3A_553 = arith.constant 1.000000e+00 : f32
    %sub3A_554 = vector.broadcast %sub3A_553 : f32 to vector<128x128xf32>
    %sub3A_555 = arith.subf %sub3A_554, %slice3A_552 : vector<128x128xf32>
    %lt3A_556 = arith.cmpf olt, %sub3A_555, %select_n3A_548 : vector<128x128xf32>
    %select_n3A_557 = arith.select %lt3A_556, %sub3A_555, %select_n3A_548 : vector<128x128xi1>, vector<128x128xf32>
    %jit3A_558 = arith.constant 3.000000e+01 : f32
    %broadcast_in_dim3A_559 = vector.broadcast %jit3A_558 : f32 to vector<128x128xf32>
    %select_n3A_560 = arith.select %lt3A_556, %broadcast_in_dim3A_559, %select_n3A_551 : vector<128x128xi1>, vector<128x128xf32>
    %slice3A_561 = vector.extract_strided_slice %dot_general3A_5 {offsets = [128, 3968], sizes = [128, 128], strides = [1, 1]} : vector<1024x4096xf32> to vector<128x128xf32>
    %sub3A_562 = arith.constant 1.000000e+00 : f32
    %sub3A_563 = vector.broadcast %sub3A_562 : f32 to vector<128x128xf32>
    %sub3A_564 = arith.subf %sub3A_563, %slice3A_561 : vector<128x128xf32>
    %lt3A_565 = arith.cmpf olt, %sub3A_564, %select_n3A_557 : vector<128x128xf32>
    %select_n3A_566 = arith.select %lt3A_565, %sub3A_564, %select_n3A_557 : vector<128x128xi1>, vector<128x128xf32>
    %jit3A_567 = arith.constant 3.100000e+01 : f32
    %broadcast_in_dim3A_568 = vector.broadcast %jit3A_567 : f32 to vector<128x128xf32>
    %select_n3A_569 = arith.select %lt3A_565, %broadcast_in_dim3A_568, %select_n3A_560 : vector<128x128xi1>, vector<128x128xf32>
    %slice3A_570 = vector.extract_strided_slice %dot_general3A_5 {offsets = [256, 0], sizes = [128, 128], strides = [1, 1]} : vector<1024x4096xf32> to vector<128x128xf32>
    %sub3A_571 = arith.constant 1.000000e+00 : f32
    %sub3A_572 = vector.broadcast %sub3A_571 : f32 to vector<128x128xf32>
    %sub3A_573 = arith.subf %sub3A_572, %slice3A_570 : vector<128x128xf32>
    %broadcast_in_dim3A_574 = arith.constant 0.000000e+00 : f32
    %broadcast_in_dim3A_575 = vector.broadcast %broadcast_in_dim3A_574 : f32 to vector<128x128xf32>
    %slice3A_576 = vector.extract_strided_slice %dot_general3A_5 {offsets = [256, 128], sizes = [128, 128], strides = [1, 1]} : vector<1024x4096xf32> to vector<128x128xf32>
    %sub3A_577 = arith.constant 1.000000e+00 : f32
    %sub3A_578 = vector.broadcast %sub3A_577 : f32 to vector<128x128xf32>
    %sub3A_579 = arith.subf %sub3A_578, %slice3A_576 : vector<128x128xf32>
    %lt3A_580 = arith.cmpf olt, %sub3A_579, %sub3A_573 : vector<128x128xf32>
    %select_n3A_581 = arith.select %lt3A_580, %sub3A_579, %sub3A_573 : vector<128x128xi1>, vector<128x128xf32>
    %jit3A_582 = arith.constant 1.000000e+00 : f32
    %broadcast_in_dim3A_583 = vector.broadcast %jit3A_582 : f32 to vector<128x128xf32>
    %select_n3A_584 = arith.select %lt3A_580, %broadcast_in_dim3A_583, %broadcast_in_dim3A_575 : vector<128x128xi1>, vector<128x128xf32>
    %slice3A_585 = vector.extract_strided_slice %dot_general3A_5 {offsets = [256, 256], sizes = [128, 128], strides = [1, 1]} : vector<1024x4096xf32> to vector<128x128xf32>
    %sub3A_586 = arith.constant 1.000000e+00 : f32
    %sub3A_587 = vector.broadcast %sub3A_586 : f32 to vector<128x128xf32>
    %sub3A_588 = arith.subf %sub3A_587, %slice3A_585 : vector<128x128xf32>
    %lt3A_589 = arith.cmpf olt, %sub3A_588, %select_n3A_581 : vector<128x128xf32>
    %select_n3A_590 = arith.select %lt3A_589, %sub3A_588, %select_n3A_581 : vector<128x128xi1>, vector<128x128xf32>
    %jit3A_591 = arith.constant 2.000000e+00 : f32
    %broadcast_in_dim3A_592 = vector.broadcast %jit3A_591 : f32 to vector<128x128xf32>
    %select_n3A_593 = arith.select %lt3A_589, %broadcast_in_dim3A_592, %select_n3A_584 : vector<128x128xi1>, vector<128x128xf32>
    %slice3A_594 = vector.extract_strided_slice %dot_general3A_5 {offsets = [256, 384], sizes = [128, 128], strides = [1, 1]} : vector<1024x4096xf32> to vector<128x128xf32>
    %sub3A_595 = arith.constant 1.000000e+00 : f32
    %sub3A_596 = vector.broadcast %sub3A_595 : f32 to vector<128x128xf32>
    %sub3A_597 = arith.subf %sub3A_596, %slice3A_594 : vector<128x128xf32>
    %lt3A_598 = arith.cmpf olt, %sub3A_597, %select_n3A_590 : vector<128x128xf32>
    %select_n3A_599 = arith.select %lt3A_598, %sub3A_597, %select_n3A_590 : vector<128x128xi1>, vector<128x128xf32>
    %jit3A_600 = arith.constant 3.000000e+00 : f32
    %broadcast_in_dim3A_601 = vector.broadcast %jit3A_600 : f32 to vector<128x128xf32>
    %select_n3A_602 = arith.select %lt3A_598, %broadcast_in_dim3A_601, %select_n3A_593 : vector<128x128xi1>, vector<128x128xf32>
    %slice3A_603 = vector.extract_strided_slice %dot_general3A_5 {offsets = [256, 512], sizes = [128, 128], strides = [1, 1]} : vector<1024x4096xf32> to vector<128x128xf32>
    %sub3A_604 = arith.constant 1.000000e+00 : f32
    %sub3A_605 = vector.broadcast %sub3A_604 : f32 to vector<128x128xf32>
    %sub3A_606 = arith.subf %sub3A_605, %slice3A_603 : vector<128x128xf32>
    %lt3A_607 = arith.cmpf olt, %sub3A_606, %select_n3A_599 : vector<128x128xf32>
    %select_n3A_608 = arith.select %lt3A_607, %sub3A_606, %select_n3A_599 : vector<128x128xi1>, vector<128x128xf32>
    %jit3A_609 = arith.constant 4.000000e+00 : f32
    %broadcast_in_dim3A_610 = vector.broadcast %jit3A_609 : f32 to vector<128x128xf32>
    %select_n3A_611 = arith.select %lt3A_607, %broadcast_in_dim3A_610, %select_n3A_602 : vector<128x128xi1>, vector<128x128xf32>
    %slice3A_612 = vector.extract_strided_slice %dot_general3A_5 {offsets = [256, 640], sizes = [128, 128], strides = [1, 1]} : vector<1024x4096xf32> to vector<128x128xf32>
    %sub3A_613 = arith.constant 1.000000e+00 : f32
    %sub3A_614 = vector.broadcast %sub3A_613 : f32 to vector<128x128xf32>
    %sub3A_615 = arith.subf %sub3A_614, %slice3A_612 : vector<128x128xf32>
    %lt3A_616 = arith.cmpf olt, %sub3A_615, %select_n3A_608 : vector<128x128xf32>
    %select_n3A_617 = arith.select %lt3A_616, %sub3A_615, %select_n3A_608 : vector<128x128xi1>, vector<128x128xf32>
    %jit3A_618 = arith.constant 5.000000e+00 : f32
    %broadcast_in_dim3A_619 = vector.broadcast %jit3A_618 : f32 to vector<128x128xf32>
    %select_n3A_620 = arith.select %lt3A_616, %broadcast_in_dim3A_619, %select_n3A_611 : vector<128x128xi1>, vector<128x128xf32>
    %slice3A_621 = vector.extract_strided_slice %dot_general3A_5 {offsets = [256, 768], sizes = [128, 128], strides = [1, 1]} : vector<1024x4096xf32> to vector<128x128xf32>
    %sub3A_622 = arith.constant 1.000000e+00 : f32
    %sub3A_623 = vector.broadcast %sub3A_622 : f32 to vector<128x128xf32>
    %sub3A_624 = arith.subf %sub3A_623, %slice3A_621 : vector<128x128xf32>
    %lt3A_625 = arith.cmpf olt, %sub3A_624, %select_n3A_617 : vector<128x128xf32>
    %select_n3A_626 = arith.select %lt3A_625, %sub3A_624, %select_n3A_617 : vector<128x128xi1>, vector<128x128xf32>
    %jit3A_627 = arith.constant 6.000000e+00 : f32
    %broadcast_in_dim3A_628 = vector.broadcast %jit3A_627 : f32 to vector<128x128xf32>
    %select_n3A_629 = arith.select %lt3A_625, %broadcast_in_dim3A_628, %select_n3A_620 : vector<128x128xi1>, vector<128x128xf32>
    %slice3A_630 = vector.extract_strided_slice %dot_general3A_5 {offsets = [256, 896], sizes = [128, 128], strides = [1, 1]} : vector<1024x4096xf32> to vector<128x128xf32>
    %sub3A_631 = arith.constant 1.000000e+00 : f32
    %sub3A_632 = vector.broadcast %sub3A_631 : f32 to vector<128x128xf32>
    %sub3A_633 = arith.subf %sub3A_632, %slice3A_630 : vector<128x128xf32>
    %lt3A_634 = arith.cmpf olt, %sub3A_633, %select_n3A_626 : vector<128x128xf32>
    %select_n3A_635 = arith.select %lt3A_634, %sub3A_633, %select_n3A_626 : vector<128x128xi1>, vector<128x128xf32>
    %jit3A_636 = arith.constant 7.000000e+00 : f32
    %broadcast_in_dim3A_637 = vector.broadcast %jit3A_636 : f32 to vector<128x128xf32>
    %select_n3A_638 = arith.select %lt3A_634, %broadcast_in_dim3A_637, %select_n3A_629 : vector<128x128xi1>, vector<128x128xf32>
    %slice3A_639 = vector.extract_strided_slice %dot_general3A_5 {offsets = [256, 1024], sizes = [128, 128], strides = [1, 1]} : vector<1024x4096xf32> to vector<128x128xf32>
    %sub3A_640 = arith.constant 1.000000e+00 : f32
    %sub3A_641 = vector.broadcast %sub3A_640 : f32 to vector<128x128xf32>
    %sub3A_642 = arith.subf %sub3A_641, %slice3A_639 : vector<128x128xf32>
    %lt3A_643 = arith.cmpf olt, %sub3A_642, %select_n3A_635 : vector<128x128xf32>
    %select_n3A_644 = arith.select %lt3A_643, %sub3A_642, %select_n3A_635 : vector<128x128xi1>, vector<128x128xf32>
    %jit3A_645 = arith.constant 8.000000e+00 : f32
    %broadcast_in_dim3A_646 = vector.broadcast %jit3A_645 : f32 to vector<128x128xf32>
    %select_n3A_647 = arith.select %lt3A_643, %broadcast_in_dim3A_646, %select_n3A_638 : vector<128x128xi1>, vector<128x128xf32>
    %slice3A_648 = vector.extract_strided_slice %dot_general3A_5 {offsets = [256, 1152], sizes = [128, 128], strides = [1, 1]} : vector<1024x4096xf32> to vector<128x128xf32>
    %sub3A_649 = arith.constant 1.000000e+00 : f32
    %sub3A_650 = vector.broadcast %sub3A_649 : f32 to vector<128x128xf32>
    %sub3A_651 = arith.subf %sub3A_650, %slice3A_648 : vector<128x128xf32>
    %lt3A_652 = arith.cmpf olt, %sub3A_651, %select_n3A_644 : vector<128x128xf32>
    %select_n3A_653 = arith.select %lt3A_652, %sub3A_651, %select_n3A_644 : vector<128x128xi1>, vector<128x128xf32>
    %jit3A_654 = arith.constant 9.000000e+00 : f32
    %broadcast_in_dim3A_655 = vector.broadcast %jit3A_654 : f32 to vector<128x128xf32>
    %select_n3A_656 = arith.select %lt3A_652, %broadcast_in_dim3A_655, %select_n3A_647 : vector<128x128xi1>, vector<128x128xf32>
    %slice3A_657 = vector.extract_strided_slice %dot_general3A_5 {offsets = [256, 1280], sizes = [128, 128], strides = [1, 1]} : vector<1024x4096xf32> to vector<128x128xf32>
    %sub3A_658 = arith.constant 1.000000e+00 : f32
    %sub3A_659 = vector.broadcast %sub3A_658 : f32 to vector<128x128xf32>
    %sub3A_660 = arith.subf %sub3A_659, %slice3A_657 : vector<128x128xf32>
    %lt3A_661 = arith.cmpf olt, %sub3A_660, %select_n3A_653 : vector<128x128xf32>
    %select_n3A_662 = arith.select %lt3A_661, %sub3A_660, %select_n3A_653 : vector<128x128xi1>, vector<128x128xf32>
    %jit3A_663 = arith.constant 1.000000e+01 : f32
    %broadcast_in_dim3A_664 = vector.broadcast %jit3A_663 : f32 to vector<128x128xf32>
    %select_n3A_665 = arith.select %lt3A_661, %broadcast_in_dim3A_664, %select_n3A_656 : vector<128x128xi1>, vector<128x128xf32>
    %slice3A_666 = vector.extract_strided_slice %dot_general3A_5 {offsets = [256, 1408], sizes = [128, 128], strides = [1, 1]} : vector<1024x4096xf32> to vector<128x128xf32>
    %sub3A_667 = arith.constant 1.000000e+00 : f32
    %sub3A_668 = vector.broadcast %sub3A_667 : f32 to vector<128x128xf32>
    %sub3A_669 = arith.subf %sub3A_668, %slice3A_666 : vector<128x128xf32>
    %lt3A_670 = arith.cmpf olt, %sub3A_669, %select_n3A_662 : vector<128x128xf32>
    %select_n3A_671 = arith.select %lt3A_670, %sub3A_669, %select_n3A_662 : vector<128x128xi1>, vector<128x128xf32>
    %jit3A_672 = arith.constant 1.100000e+01 : f32
    %broadcast_in_dim3A_673 = vector.broadcast %jit3A_672 : f32 to vector<128x128xf32>
    %select_n3A_674 = arith.select %lt3A_670, %broadcast_in_dim3A_673, %select_n3A_665 : vector<128x128xi1>, vector<128x128xf32>
    %slice3A_675 = vector.extract_strided_slice %dot_general3A_5 {offsets = [256, 1536], sizes = [128, 128], strides = [1, 1]} : vector<1024x4096xf32> to vector<128x128xf32>
    %sub3A_676 = arith.constant 1.000000e+00 : f32
    %sub3A_677 = vector.broadcast %sub3A_676 : f32 to vector<128x128xf32>
    %sub3A_678 = arith.subf %sub3A_677, %slice3A_675 : vector<128x128xf32>
    %lt3A_679 = arith.cmpf olt, %sub3A_678, %select_n3A_671 : vector<128x128xf32>
    %select_n3A_680 = arith.select %lt3A_679, %sub3A_678, %select_n3A_671 : vector<128x128xi1>, vector<128x128xf32>
    %jit3A_681 = arith.constant 1.200000e+01 : f32
    %broadcast_in_dim3A_682 = vector.broadcast %jit3A_681 : f32 to vector<128x128xf32>
    %select_n3A_683 = arith.select %lt3A_679, %broadcast_in_dim3A_682, %select_n3A_674 : vector<128x128xi1>, vector<128x128xf32>
    %slice3A_684 = vector.extract_strided_slice %dot_general3A_5 {offsets = [256, 1664], sizes = [128, 128], strides = [1, 1]} : vector<1024x4096xf32> to vector<128x128xf32>
    %sub3A_685 = arith.constant 1.000000e+00 : f32
    %sub3A_686 = vector.broadcast %sub3A_685 : f32 to vector<128x128xf32>
    %sub3A_687 = arith.subf %sub3A_686, %slice3A_684 : vector<128x128xf32>
    %lt3A_688 = arith.cmpf olt, %sub3A_687, %select_n3A_680 : vector<128x128xf32>
    %select_n3A_689 = arith.select %lt3A_688, %sub3A_687, %select_n3A_680 : vector<128x128xi1>, vector<128x128xf32>
    %jit3A_690 = arith.constant 1.300000e+01 : f32
    %broadcast_in_dim3A_691 = vector.broadcast %jit3A_690 : f32 to vector<128x128xf32>
    %select_n3A_692 = arith.select %lt3A_688, %broadcast_in_dim3A_691, %select_n3A_683 : vector<128x128xi1>, vector<128x128xf32>
    %slice3A_693 = vector.extract_strided_slice %dot_general3A_5 {offsets = [256, 1792], sizes = [128, 128], strides = [1, 1]} : vector<1024x4096xf32> to vector<128x128xf32>
    %sub3A_694 = arith.constant 1.000000e+00 : f32
    %sub3A_695 = vector.broadcast %sub3A_694 : f32 to vector<128x128xf32>
    %sub3A_696 = arith.subf %sub3A_695, %slice3A_693 : vector<128x128xf32>
    %lt3A_697 = arith.cmpf olt, %sub3A_696, %select_n3A_689 : vector<128x128xf32>
    %select_n3A_698 = arith.select %lt3A_697, %sub3A_696, %select_n3A_689 : vector<128x128xi1>, vector<128x128xf32>
    %jit3A_699 = arith.constant 1.400000e+01 : f32
    %broadcast_in_dim3A_700 = vector.broadcast %jit3A_699 : f32 to vector<128x128xf32>
    %select_n3A_701 = arith.select %lt3A_697, %broadcast_in_dim3A_700, %select_n3A_692 : vector<128x128xi1>, vector<128x128xf32>
    %slice3A_702 = vector.extract_strided_slice %dot_general3A_5 {offsets = [256, 1920], sizes = [128, 128], strides = [1, 1]} : vector<1024x4096xf32> to vector<128x128xf32>
    %sub3A_703 = arith.constant 1.000000e+00 : f32
    %sub3A_704 = vector.broadcast %sub3A_703 : f32 to vector<128x128xf32>
    %sub3A_705 = arith.subf %sub3A_704, %slice3A_702 : vector<128x128xf32>
    %lt3A_706 = arith.cmpf olt, %sub3A_705, %select_n3A_698 : vector<128x128xf32>
    %select_n3A_707 = arith.select %lt3A_706, %sub3A_705, %select_n3A_698 : vector<128x128xi1>, vector<128x128xf32>
    %jit3A_708 = arith.constant 1.500000e+01 : f32
    %broadcast_in_dim3A_709 = vector.broadcast %jit3A_708 : f32 to vector<128x128xf32>
    %select_n3A_710 = arith.select %lt3A_706, %broadcast_in_dim3A_709, %select_n3A_701 : vector<128x128xi1>, vector<128x128xf32>
    %slice3A_711 = vector.extract_strided_slice %dot_general3A_5 {offsets = [256, 2048], sizes = [128, 128], strides = [1, 1]} : vector<1024x4096xf32> to vector<128x128xf32>
    %sub3A_712 = arith.constant 1.000000e+00 : f32
    %sub3A_713 = vector.broadcast %sub3A_712 : f32 to vector<128x128xf32>
    %sub3A_714 = arith.subf %sub3A_713, %slice3A_711 : vector<128x128xf32>
    %lt3A_715 = arith.cmpf olt, %sub3A_714, %select_n3A_707 : vector<128x128xf32>
    %select_n3A_716 = arith.select %lt3A_715, %sub3A_714, %select_n3A_707 : vector<128x128xi1>, vector<128x128xf32>
    %jit3A_717 = arith.constant 1.600000e+01 : f32
    %broadcast_in_dim3A_718 = vector.broadcast %jit3A_717 : f32 to vector<128x128xf32>
    %select_n3A_719 = arith.select %lt3A_715, %broadcast_in_dim3A_718, %select_n3A_710 : vector<128x128xi1>, vector<128x128xf32>
    %slice3A_720 = vector.extract_strided_slice %dot_general3A_5 {offsets = [256, 2176], sizes = [128, 128], strides = [1, 1]} : vector<1024x4096xf32> to vector<128x128xf32>
    %sub3A_721 = arith.constant 1.000000e+00 : f32
    %sub3A_722 = vector.broadcast %sub3A_721 : f32 to vector<128x128xf32>
    %sub3A_723 = arith.subf %sub3A_722, %slice3A_720 : vector<128x128xf32>
    %lt3A_724 = arith.cmpf olt, %sub3A_723, %select_n3A_716 : vector<128x128xf32>
    %select_n3A_725 = arith.select %lt3A_724, %sub3A_723, %select_n3A_716 : vector<128x128xi1>, vector<128x128xf32>
    %jit3A_726 = arith.constant 1.700000e+01 : f32
    %broadcast_in_dim3A_727 = vector.broadcast %jit3A_726 : f32 to vector<128x128xf32>
    %select_n3A_728 = arith.select %lt3A_724, %broadcast_in_dim3A_727, %select_n3A_719 : vector<128x128xi1>, vector<128x128xf32>
    %slice3A_729 = vector.extract_strided_slice %dot_general3A_5 {offsets = [256, 2304], sizes = [128, 128], strides = [1, 1]} : vector<1024x4096xf32> to vector<128x128xf32>
    %sub3A_730 = arith.constant 1.000000e+00 : f32
    %sub3A_731 = vector.broadcast %sub3A_730 : f32 to vector<128x128xf32>
    %sub3A_732 = arith.subf %sub3A_731, %slice3A_729 : vector<128x128xf32>
    %lt3A_733 = arith.cmpf olt, %sub3A_732, %select_n3A_725 : vector<128x128xf32>
    %select_n3A_734 = arith.select %lt3A_733, %sub3A_732, %select_n3A_725 : vector<128x128xi1>, vector<128x128xf32>
    %jit3A_735 = arith.constant 1.800000e+01 : f32
    %broadcast_in_dim3A_736 = vector.broadcast %jit3A_735 : f32 to vector<128x128xf32>
    %select_n3A_737 = arith.select %lt3A_733, %broadcast_in_dim3A_736, %select_n3A_728 : vector<128x128xi1>, vector<128x128xf32>
    %slice3A_738 = vector.extract_strided_slice %dot_general3A_5 {offsets = [256, 2432], sizes = [128, 128], strides = [1, 1]} : vector<1024x4096xf32> to vector<128x128xf32>
    %sub3A_739 = arith.constant 1.000000e+00 : f32
    %sub3A_740 = vector.broadcast %sub3A_739 : f32 to vector<128x128xf32>
    %sub3A_741 = arith.subf %sub3A_740, %slice3A_738 : vector<128x128xf32>
    %lt3A_742 = arith.cmpf olt, %sub3A_741, %select_n3A_734 : vector<128x128xf32>
    %select_n3A_743 = arith.select %lt3A_742, %sub3A_741, %select_n3A_734 : vector<128x128xi1>, vector<128x128xf32>
    %jit3A_744 = arith.constant 1.900000e+01 : f32
    %broadcast_in_dim3A_745 = vector.broadcast %jit3A_744 : f32 to vector<128x128xf32>
    %select_n3A_746 = arith.select %lt3A_742, %broadcast_in_dim3A_745, %select_n3A_737 : vector<128x128xi1>, vector<128x128xf32>
    %slice3A_747 = vector.extract_strided_slice %dot_general3A_5 {offsets = [256, 2560], sizes = [128, 128], strides = [1, 1]} : vector<1024x4096xf32> to vector<128x128xf32>
    %sub3A_748 = arith.constant 1.000000e+00 : f32
    %sub3A_749 = vector.broadcast %sub3A_748 : f32 to vector<128x128xf32>
    %sub3A_750 = arith.subf %sub3A_749, %slice3A_747 : vector<128x128xf32>
    %lt3A_751 = arith.cmpf olt, %sub3A_750, %select_n3A_743 : vector<128x128xf32>
    %select_n3A_752 = arith.select %lt3A_751, %sub3A_750, %select_n3A_743 : vector<128x128xi1>, vector<128x128xf32>
    %jit3A_753 = arith.constant 2.000000e+01 : f32
    %broadcast_in_dim3A_754 = vector.broadcast %jit3A_753 : f32 to vector<128x128xf32>
    %select_n3A_755 = arith.select %lt3A_751, %broadcast_in_dim3A_754, %select_n3A_746 : vector<128x128xi1>, vector<128x128xf32>
    %slice3A_756 = vector.extract_strided_slice %dot_general3A_5 {offsets = [256, 2688], sizes = [128, 128], strides = [1, 1]} : vector<1024x4096xf32> to vector<128x128xf32>
    %sub3A_757 = arith.constant 1.000000e+00 : f32
    %sub3A_758 = vector.broadcast %sub3A_757 : f32 to vector<128x128xf32>
    %sub3A_759 = arith.subf %sub3A_758, %slice3A_756 : vector<128x128xf32>
    %lt3A_760 = arith.cmpf olt, %sub3A_759, %select_n3A_752 : vector<128x128xf32>
    %select_n3A_761 = arith.select %lt3A_760, %sub3A_759, %select_n3A_752 : vector<128x128xi1>, vector<128x128xf32>
    %jit3A_762 = arith.constant 2.100000e+01 : f32
    %broadcast_in_dim3A_763 = vector.broadcast %jit3A_762 : f32 to vector<128x128xf32>
    %select_n3A_764 = arith.select %lt3A_760, %broadcast_in_dim3A_763, %select_n3A_755 : vector<128x128xi1>, vector<128x128xf32>
    %slice3A_765 = vector.extract_strided_slice %dot_general3A_5 {offsets = [256, 2816], sizes = [128, 128], strides = [1, 1]} : vector<1024x4096xf32> to vector<128x128xf32>
    %sub3A_766 = arith.constant 1.000000e+00 : f32
    %sub3A_767 = vector.broadcast %sub3A_766 : f32 to vector<128x128xf32>
    %sub3A_768 = arith.subf %sub3A_767, %slice3A_765 : vector<128x128xf32>
    %lt3A_769 = arith.cmpf olt, %sub3A_768, %select_n3A_761 : vector<128x128xf32>
    %select_n3A_770 = arith.select %lt3A_769, %sub3A_768, %select_n3A_761 : vector<128x128xi1>, vector<128x128xf32>
    %jit3A_771 = arith.constant 2.200000e+01 : f32
    %broadcast_in_dim3A_772 = vector.broadcast %jit3A_771 : f32 to vector<128x128xf32>
    %select_n3A_773 = arith.select %lt3A_769, %broadcast_in_dim3A_772, %select_n3A_764 : vector<128x128xi1>, vector<128x128xf32>
    %slice3A_774 = vector.extract_strided_slice %dot_general3A_5 {offsets = [256, 2944], sizes = [128, 128], strides = [1, 1]} : vector<1024x4096xf32> to vector<128x128xf32>
    %sub3A_775 = arith.constant 1.000000e+00 : f32
    %sub3A_776 = vector.broadcast %sub3A_775 : f32 to vector<128x128xf32>
    %sub3A_777 = arith.subf %sub3A_776, %slice3A_774 : vector<128x128xf32>
    %lt3A_778 = arith.cmpf olt, %sub3A_777, %select_n3A_770 : vector<128x128xf32>
    %select_n3A_779 = arith.select %lt3A_778, %sub3A_777, %select_n3A_770 : vector<128x128xi1>, vector<128x128xf32>
    %jit3A_780 = arith.constant 2.300000e+01 : f32
    %broadcast_in_dim3A_781 = vector.broadcast %jit3A_780 : f32 to vector<128x128xf32>
    %select_n3A_782 = arith.select %lt3A_778, %broadcast_in_dim3A_781, %select_n3A_773 : vector<128x128xi1>, vector<128x128xf32>
    %slice3A_783 = vector.extract_strided_slice %dot_general3A_5 {offsets = [256, 3072], sizes = [128, 128], strides = [1, 1]} : vector<1024x4096xf32> to vector<128x128xf32>
    %sub3A_784 = arith.constant 1.000000e+00 : f32
    %sub3A_785 = vector.broadcast %sub3A_784 : f32 to vector<128x128xf32>
    %sub3A_786 = arith.subf %sub3A_785, %slice3A_783 : vector<128x128xf32>
    %lt3A_787 = arith.cmpf olt, %sub3A_786, %select_n3A_779 : vector<128x128xf32>
    %select_n3A_788 = arith.select %lt3A_787, %sub3A_786, %select_n3A_779 : vector<128x128xi1>, vector<128x128xf32>
    %jit3A_789 = arith.constant 2.400000e+01 : f32
    %broadcast_in_dim3A_790 = vector.broadcast %jit3A_789 : f32 to vector<128x128xf32>
    %select_n3A_791 = arith.select %lt3A_787, %broadcast_in_dim3A_790, %select_n3A_782 : vector<128x128xi1>, vector<128x128xf32>
    %slice3A_792 = vector.extract_strided_slice %dot_general3A_5 {offsets = [256, 3200], sizes = [128, 128], strides = [1, 1]} : vector<1024x4096xf32> to vector<128x128xf32>
    %sub3A_793 = arith.constant 1.000000e+00 : f32
    %sub3A_794 = vector.broadcast %sub3A_793 : f32 to vector<128x128xf32>
    %sub3A_795 = arith.subf %sub3A_794, %slice3A_792 : vector<128x128xf32>
    %lt3A_796 = arith.cmpf olt, %sub3A_795, %select_n3A_788 : vector<128x128xf32>
    %select_n3A_797 = arith.select %lt3A_796, %sub3A_795, %select_n3A_788 : vector<128x128xi1>, vector<128x128xf32>
    %jit3A_798 = arith.constant 2.500000e+01 : f32
    %broadcast_in_dim3A_799 = vector.broadcast %jit3A_798 : f32 to vector<128x128xf32>
    %select_n3A_800 = arith.select %lt3A_796, %broadcast_in_dim3A_799, %select_n3A_791 : vector<128x128xi1>, vector<128x128xf32>
    %slice3A_801 = vector.extract_strided_slice %dot_general3A_5 {offsets = [256, 3328], sizes = [128, 128], strides = [1, 1]} : vector<1024x4096xf32> to vector<128x128xf32>
    %sub3A_802 = arith.constant 1.000000e+00 : f32
    %sub3A_803 = vector.broadcast %sub3A_802 : f32 to vector<128x128xf32>
    %sub3A_804 = arith.subf %sub3A_803, %slice3A_801 : vector<128x128xf32>
    %lt3A_805 = arith.cmpf olt, %sub3A_804, %select_n3A_797 : vector<128x128xf32>
    %select_n3A_806 = arith.select %lt3A_805, %sub3A_804, %select_n3A_797 : vector<128x128xi1>, vector<128x128xf32>
    %jit3A_807 = arith.constant 2.600000e+01 : f32
    %broadcast_in_dim3A_808 = vector.broadcast %jit3A_807 : f32 to vector<128x128xf32>
    %select_n3A_809 = arith.select %lt3A_805, %broadcast_in_dim3A_808, %select_n3A_800 : vector<128x128xi1>, vector<128x128xf32>
    %slice3A_810 = vector.extract_strided_slice %dot_general3A_5 {offsets = [256, 3456], sizes = [128, 128], strides = [1, 1]} : vector<1024x4096xf32> to vector<128x128xf32>
    %sub3A_811 = arith.constant 1.000000e+00 : f32
    %sub3A_812 = vector.broadcast %sub3A_811 : f32 to vector<128x128xf32>
    %sub3A_813 = arith.subf %sub3A_812, %slice3A_810 : vector<128x128xf32>
    %lt3A_814 = arith.cmpf olt, %sub3A_813, %select_n3A_806 : vector<128x128xf32>
    %select_n3A_815 = arith.select %lt3A_814, %sub3A_813, %select_n3A_806 : vector<128x128xi1>, vector<128x128xf32>
    %jit3A_816 = arith.constant 2.700000e+01 : f32
    %broadcast_in_dim3A_817 = vector.broadcast %jit3A_816 : f32 to vector<128x128xf32>
    %select_n3A_818 = arith.select %lt3A_814, %broadcast_in_dim3A_817, %select_n3A_809 : vector<128x128xi1>, vector<128x128xf32>
    %slice3A_819 = vector.extract_strided_slice %dot_general3A_5 {offsets = [256, 3584], sizes = [128, 128], strides = [1, 1]} : vector<1024x4096xf32> to vector<128x128xf32>
    %sub3A_820 = arith.constant 1.000000e+00 : f32
    %sub3A_821 = vector.broadcast %sub3A_820 : f32 to vector<128x128xf32>
    %sub3A_822 = arith.subf %sub3A_821, %slice3A_819 : vector<128x128xf32>
    %lt3A_823 = arith.cmpf olt, %sub3A_822, %select_n3A_815 : vector<128x128xf32>
    %select_n3A_824 = arith.select %lt3A_823, %sub3A_822, %select_n3A_815 : vector<128x128xi1>, vector<128x128xf32>
    %jit3A_825 = arith.constant 2.800000e+01 : f32
    %broadcast_in_dim3A_826 = vector.broadcast %jit3A_825 : f32 to vector<128x128xf32>
    %select_n3A_827 = arith.select %lt3A_823, %broadcast_in_dim3A_826, %select_n3A_818 : vector<128x128xi1>, vector<128x128xf32>
    %slice3A_828 = vector.extract_strided_slice %dot_general3A_5 {offsets = [256, 3712], sizes = [128, 128], strides = [1, 1]} : vector<1024x4096xf32> to vector<128x128xf32>
    %sub3A_829 = arith.constant 1.000000e+00 : f32
    %sub3A_830 = vector.broadcast %sub3A_829 : f32 to vector<128x128xf32>
    %sub3A_831 = arith.subf %sub3A_830, %slice3A_828 : vector<128x128xf32>
    %lt3A_832 = arith.cmpf olt, %sub3A_831, %select_n3A_824 : vector<128x128xf32>
    %select_n3A_833 = arith.select %lt3A_832, %sub3A_831, %select_n3A_824 : vector<128x128xi1>, vector<128x128xf32>
    %jit3A_834 = arith.constant 2.900000e+01 : f32
    %broadcast_in_dim3A_835 = vector.broadcast %jit3A_834 : f32 to vector<128x128xf32>
    %select_n3A_836 = arith.select %lt3A_832, %broadcast_in_dim3A_835, %select_n3A_827 : vector<128x128xi1>, vector<128x128xf32>
    %slice3A_837 = vector.extract_strided_slice %dot_general3A_5 {offsets = [256, 3840], sizes = [128, 128], strides = [1, 1]} : vector<1024x4096xf32> to vector<128x128xf32>
    %sub3A_838 = arith.constant 1.000000e+00 : f32
    %sub3A_839 = vector.broadcast %sub3A_838 : f32 to vector<128x128xf32>
    %sub3A_840 = arith.subf %sub3A_839, %slice3A_837 : vector<128x128xf32>
    %lt3A_841 = arith.cmpf olt, %sub3A_840, %select_n3A_833 : vector<128x128xf32>
    %select_n3A_842 = arith.select %lt3A_841, %sub3A_840, %select_n3A_833 : vector<128x128xi1>, vector<128x128xf32>
    %jit3A_843 = arith.constant 3.000000e+01 : f32
    %broadcast_in_dim3A_844 = vector.broadcast %jit3A_843 : f32 to vector<128x128xf32>
    %select_n3A_845 = arith.select %lt3A_841, %broadcast_in_dim3A_844, %select_n3A_836 : vector<128x128xi1>, vector<128x128xf32>
    %slice3A_846 = vector.extract_strided_slice %dot_general3A_5 {offsets = [256, 3968], sizes = [128, 128], strides = [1, 1]} : vector<1024x4096xf32> to vector<128x128xf32>
    %sub3A_847 = arith.constant 1.000000e+00 : f32
    %sub3A_848 = vector.broadcast %sub3A_847 : f32 to vector<128x128xf32>
    %sub3A_849 = arith.subf %sub3A_848, %slice3A_846 : vector<128x128xf32>
    %lt3A_850 = arith.cmpf olt, %sub3A_849, %select_n3A_842 : vector<128x128xf32>
    %select_n3A_851 = arith.select %lt3A_850, %sub3A_849, %select_n3A_842 : vector<128x128xi1>, vector<128x128xf32>
    %jit3A_852 = arith.constant 3.100000e+01 : f32
    %broadcast_in_dim3A_853 = vector.broadcast %jit3A_852 : f32 to vector<128x128xf32>
    %select_n3A_854 = arith.select %lt3A_850, %broadcast_in_dim3A_853, %select_n3A_845 : vector<128x128xi1>, vector<128x128xf32>
    %slice3A_855 = vector.extract_strided_slice %dot_general3A_5 {offsets = [384, 0], sizes = [128, 128], strides = [1, 1]} : vector<1024x4096xf32> to vector<128x128xf32>
    %sub3A_856 = arith.constant 1.000000e+00 : f32
    %sub3A_857 = vector.broadcast %sub3A_856 : f32 to vector<128x128xf32>
    %sub3A_858 = arith.subf %sub3A_857, %slice3A_855 : vector<128x128xf32>
    %broadcast_in_dim3A_859 = arith.constant 0.000000e+00 : f32
    %broadcast_in_dim3A_860 = vector.broadcast %broadcast_in_dim3A_859 : f32 to vector<128x128xf32>
    %slice3A_861 = vector.extract_strided_slice %dot_general3A_5 {offsets = [384, 128], sizes = [128, 128], strides = [1, 1]} : vector<1024x4096xf32> to vector<128x128xf32>
    %sub3A_862 = arith.constant 1.000000e+00 : f32
    %sub3A_863 = vector.broadcast %sub3A_862 : f32 to vector<128x128xf32>
    %sub3A_864 = arith.subf %sub3A_863, %slice3A_861 : vector<128x128xf32>
    %lt3A_865 = arith.cmpf olt, %sub3A_864, %sub3A_858 : vector<128x128xf32>
    %select_n3A_866 = arith.select %lt3A_865, %sub3A_864, %sub3A_858 : vector<128x128xi1>, vector<128x128xf32>
    %jit3A_867 = arith.constant 1.000000e+00 : f32
    %broadcast_in_dim3A_868 = vector.broadcast %jit3A_867 : f32 to vector<128x128xf32>
    %select_n3A_869 = arith.select %lt3A_865, %broadcast_in_dim3A_868, %broadcast_in_dim3A_860 : vector<128x128xi1>, vector<128x128xf32>
    %slice3A_870 = vector.extract_strided_slice %dot_general3A_5 {offsets = [384, 256], sizes = [128, 128], strides = [1, 1]} : vector<1024x4096xf32> to vector<128x128xf32>
    %sub3A_871 = arith.constant 1.000000e+00 : f32
    %sub3A_872 = vector.broadcast %sub3A_871 : f32 to vector<128x128xf32>
    %sub3A_873 = arith.subf %sub3A_872, %slice3A_870 : vector<128x128xf32>
    %lt3A_874 = arith.cmpf olt, %sub3A_873, %select_n3A_866 : vector<128x128xf32>
    %select_n3A_875 = arith.select %lt3A_874, %sub3A_873, %select_n3A_866 : vector<128x128xi1>, vector<128x128xf32>
    %jit3A_876 = arith.constant 2.000000e+00 : f32
    %broadcast_in_dim3A_877 = vector.broadcast %jit3A_876 : f32 to vector<128x128xf32>
    %select_n3A_878 = arith.select %lt3A_874, %broadcast_in_dim3A_877, %select_n3A_869 : vector<128x128xi1>, vector<128x128xf32>
    %slice3A_879 = vector.extract_strided_slice %dot_general3A_5 {offsets = [384, 384], sizes = [128, 128], strides = [1, 1]} : vector<1024x4096xf32> to vector<128x128xf32>
    %sub3A_880 = arith.constant 1.000000e+00 : f32
    %sub3A_881 = vector.broadcast %sub3A_880 : f32 to vector<128x128xf32>
    %sub3A_882 = arith.subf %sub3A_881, %slice3A_879 : vector<128x128xf32>
    %lt3A_883 = arith.cmpf olt, %sub3A_882, %select_n3A_875 : vector<128x128xf32>
    %select_n3A_884 = arith.select %lt3A_883, %sub3A_882, %select_n3A_875 : vector<128x128xi1>, vector<128x128xf32>
    %jit3A_885 = arith.constant 3.000000e+00 : f32
    %broadcast_in_dim3A_886 = vector.broadcast %jit3A_885 : f32 to vector<128x128xf32>
    %select_n3A_887 = arith.select %lt3A_883, %broadcast_in_dim3A_886, %select_n3A_878 : vector<128x128xi1>, vector<128x128xf32>
    %slice3A_888 = vector.extract_strided_slice %dot_general3A_5 {offsets = [384, 512], sizes = [128, 128], strides = [1, 1]} : vector<1024x4096xf32> to vector<128x128xf32>
    %sub3A_889 = arith.constant 1.000000e+00 : f32
    %sub3A_890 = vector.broadcast %sub3A_889 : f32 to vector<128x128xf32>
    %sub3A_891 = arith.subf %sub3A_890, %slice3A_888 : vector<128x128xf32>
    %lt3A_892 = arith.cmpf olt, %sub3A_891, %select_n3A_884 : vector<128x128xf32>
    %select_n3A_893 = arith.select %lt3A_892, %sub3A_891, %select_n3A_884 : vector<128x128xi1>, vector<128x128xf32>
    %jit3A_894 = arith.constant 4.000000e+00 : f32
    %broadcast_in_dim3A_895 = vector.broadcast %jit3A_894 : f32 to vector<128x128xf32>
    %select_n3A_896 = arith.select %lt3A_892, %broadcast_in_dim3A_895, %select_n3A_887 : vector<128x128xi1>, vector<128x128xf32>
    %slice3A_897 = vector.extract_strided_slice %dot_general3A_5 {offsets = [384, 640], sizes = [128, 128], strides = [1, 1]} : vector<1024x4096xf32> to vector<128x128xf32>
    %sub3A_898 = arith.constant 1.000000e+00 : f32
    %sub3A_899 = vector.broadcast %sub3A_898 : f32 to vector<128x128xf32>
    %sub3A_900 = arith.subf %sub3A_899, %slice3A_897 : vector<128x128xf32>
    %lt3A_901 = arith.cmpf olt, %sub3A_900, %select_n3A_893 : vector<128x128xf32>
    %select_n3A_902 = arith.select %lt3A_901, %sub3A_900, %select_n3A_893 : vector<128x128xi1>, vector<128x128xf32>
    %jit3A_903 = arith.constant 5.000000e+00 : f32
    %broadcast_in_dim3A_904 = vector.broadcast %jit3A_903 : f32 to vector<128x128xf32>
    %select_n3A_905 = arith.select %lt3A_901, %broadcast_in_dim3A_904, %select_n3A_896 : vector<128x128xi1>, vector<128x128xf32>
    %slice3A_906 = vector.extract_strided_slice %dot_general3A_5 {offsets = [384, 768], sizes = [128, 128], strides = [1, 1]} : vector<1024x4096xf32> to vector<128x128xf32>
    %sub3A_907 = arith.constant 1.000000e+00 : f32
    %sub3A_908 = vector.broadcast %sub3A_907 : f32 to vector<128x128xf32>
    %sub3A_909 = arith.subf %sub3A_908, %slice3A_906 : vector<128x128xf32>
    %lt3A_910 = arith.cmpf olt, %sub3A_909, %select_n3A_902 : vector<128x128xf32>
    %select_n3A_911 = arith.select %lt3A_910, %sub3A_909, %select_n3A_902 : vector<128x128xi1>, vector<128x128xf32>
    %jit3A_912 = arith.constant 6.000000e+00 : f32
    %broadcast_in_dim3A_913 = vector.broadcast %jit3A_912 : f32 to vector<128x128xf32>
    %select_n3A_914 = arith.select %lt3A_910, %broadcast_in_dim3A_913, %select_n3A_905 : vector<128x128xi1>, vector<128x128xf32>
    %slice3A_915 = vector.extract_strided_slice %dot_general3A_5 {offsets = [384, 896], sizes = [128, 128], strides = [1, 1]} : vector<1024x4096xf32> to vector<128x128xf32>
    %sub3A_916 = arith.constant 1.000000e+00 : f32
    %sub3A_917 = vector.broadcast %sub3A_916 : f32 to vector<128x128xf32>
    %sub3A_918 = arith.subf %sub3A_917, %slice3A_915 : vector<128x128xf32>
    %lt3A_919 = arith.cmpf olt, %sub3A_918, %select_n3A_911 : vector<128x128xf32>
    %select_n3A_920 = arith.select %lt3A_919, %sub3A_918, %select_n3A_911 : vector<128x128xi1>, vector<128x128xf32>
    %jit3A_921 = arith.constant 7.000000e+00 : f32
    %broadcast_in_dim3A_922 = vector.broadcast %jit3A_921 : f32 to vector<128x128xf32>
    %select_n3A_923 = arith.select %lt3A_919, %broadcast_in_dim3A_922, %select_n3A_914 : vector<128x128xi1>, vector<128x128xf32>
    %slice3A_924 = vector.extract_strided_slice %dot_general3A_5 {offsets = [384, 1024], sizes = [128, 128], strides = [1, 1]} : vector<1024x4096xf32> to vector<128x128xf32>
    %sub3A_925 = arith.constant 1.000000e+00 : f32
    %sub3A_926 = vector.broadcast %sub3A_925 : f32 to vector<128x128xf32>
    %sub3A_927 = arith.subf %sub3A_926, %slice3A_924 : vector<128x128xf32>
    %lt3A_928 = arith.cmpf olt, %sub3A_927, %select_n3A_920 : vector<128x128xf32>
    %select_n3A_929 = arith.select %lt3A_928, %sub3A_927, %select_n3A_920 : vector<128x128xi1>, vector<128x128xf32>
    %jit3A_930 = arith.constant 8.000000e+00 : f32
    %broadcast_in_dim3A_931 = vector.broadcast %jit3A_930 : f32 to vector<128x128xf32>
    %select_n3A_932 = arith.select %lt3A_928, %broadcast_in_dim3A_931, %select_n3A_923 : vector<128x128xi1>, vector<128x128xf32>
    %slice3A_933 = vector.extract_strided_slice %dot_general3A_5 {offsets = [384, 1152], sizes = [128, 128], strides = [1, 1]} : vector<1024x4096xf32> to vector<128x128xf32>
    %sub3A_934 = arith.constant 1.000000e+00 : f32
    %sub3A_935 = vector.broadcast %sub3A_934 : f32 to vector<128x128xf32>
    %sub3A_936 = arith.subf %sub3A_935, %slice3A_933 : vector<128x128xf32>
    %lt3A_937 = arith.cmpf olt, %sub3A_936, %select_n3A_929 : vector<128x128xf32>
    %select_n3A_938 = arith.select %lt3A_937, %sub3A_936, %select_n3A_929 : vector<128x128xi1>, vector<128x128xf32>
    %jit3A_939 = arith.constant 9.000000e+00 : f32
    %broadcast_in_dim3A_940 = vector.broadcast %jit3A_939 : f32 to vector<128x128xf32>
    %select_n3A_941 = arith.select %lt3A_937, %broadcast_in_dim3A_940, %select_n3A_932 : vector<128x128xi1>, vector<128x128xf32>
    %slice3A_942 = vector.extract_strided_slice %dot_general3A_5 {offsets = [384, 1280], sizes = [128, 128], strides = [1, 1]} : vector<1024x4096xf32> to vector<128x128xf32>
    %sub3A_943 = arith.constant 1.000000e+00 : f32
    %sub3A_944 = vector.broadcast %sub3A_943 : f32 to vector<128x128xf32>
    %sub3A_945 = arith.subf %sub3A_944, %slice3A_942 : vector<128x128xf32>
    %lt3A_946 = arith.cmpf olt, %sub3A_945, %select_n3A_938 : vector<128x128xf32>
    %select_n3A_947 = arith.select %lt3A_946, %sub3A_945, %select_n3A_938 : vector<128x128xi1>, vector<128x128xf32>
    %jit3A_948 = arith.constant 1.000000e+01 : f32
    %broadcast_in_dim3A_949 = vector.broadcast %jit3A_948 : f32 to vector<128x128xf32>
    %select_n3A_950 = arith.select %lt3A_946, %broadcast_in_dim3A_949, %select_n3A_941 : vector<128x128xi1>, vector<128x128xf32>
    %slice3A_951 = vector.extract_strided_slice %dot_general3A_5 {offsets = [384, 1408], sizes = [128, 128], strides = [1, 1]} : vector<1024x4096xf32> to vector<128x128xf32>
    %sub3A_952 = arith.constant 1.000000e+00 : f32
    %sub3A_953 = vector.broadcast %sub3A_952 : f32 to vector<128x128xf32>
    %sub3A_954 = arith.subf %sub3A_953, %slice3A_951 : vector<128x128xf32>
    %lt3A_955 = arith.cmpf olt, %sub3A_954, %select_n3A_947 : vector<128x128xf32>
    %select_n3A_956 = arith.select %lt3A_955, %sub3A_954, %select_n3A_947 : vector<128x128xi1>, vector<128x128xf32>
    %jit3A_957 = arith.constant 1.100000e+01 : f32
    %broadcast_in_dim3A_958 = vector.broadcast %jit3A_957 : f32 to vector<128x128xf32>
    %select_n3A_959 = arith.select %lt3A_955, %broadcast_in_dim3A_958, %select_n3A_950 : vector<128x128xi1>, vector<128x128xf32>
    %slice3A_960 = vector.extract_strided_slice %dot_general3A_5 {offsets = [384, 1536], sizes = [128, 128], strides = [1, 1]} : vector<1024x4096xf32> to vector<128x128xf32>
    %sub3A_961 = arith.constant 1.000000e+00 : f32
    %sub3A_962 = vector.broadcast %sub3A_961 : f32 to vector<128x128xf32>
    %sub3A_963 = arith.subf %sub3A_962, %slice3A_960 : vector<128x128xf32>
    %lt3A_964 = arith.cmpf olt, %sub3A_963, %select_n3A_956 : vector<128x128xf32>
    %select_n3A_965 = arith.select %lt3A_964, %sub3A_963, %select_n3A_956 : vector<128x128xi1>, vector<128x128xf32>
    %jit3A_966 = arith.constant 1.200000e+01 : f32
    %broadcast_in_dim3A_967 = vector.broadcast %jit3A_966 : f32 to vector<128x128xf32>
    %select_n3A_968 = arith.select %lt3A_964, %broadcast_in_dim3A_967, %select_n3A_959 : vector<128x128xi1>, vector<128x128xf32>
    %slice3A_969 = vector.extract_strided_slice %dot_general3A_5 {offsets = [384, 1664], sizes = [128, 128], strides = [1, 1]} : vector<1024x4096xf32> to vector<128x128xf32>
    %sub3A_970 = arith.constant 1.000000e+00 : f32
    %sub3A_971 = vector.broadcast %sub3A_970 : f32 to vector<128x128xf32>
    %sub3A_972 = arith.subf %sub3A_971, %slice3A_969 : vector<128x128xf32>
    %lt3A_973 = arith.cmpf olt, %sub3A_972, %select_n3A_965 : vector<128x128xf32>
    %select_n3A_974 = arith.select %lt3A_973, %sub3A_972, %select_n3A_965 : vector<128x128xi1>, vector<128x128xf32>
    %jit3A_975 = arith.constant 1.300000e+01 : f32
    %broadcast_in_dim3A_976 = vector.broadcast %jit3A_975 : f32 to vector<128x128xf32>
    %select_n3A_977 = arith.select %lt3A_973, %broadcast_in_dim3A_976, %select_n3A_968 : vector<128x128xi1>, vector<128x128xf32>
    %slice3A_978 = vector.extract_strided_slice %dot_general3A_5 {offsets = [384, 1792], sizes = [128, 128], strides = [1, 1]} : vector<1024x4096xf32> to vector<128x128xf32>
    %sub3A_979 = arith.constant 1.000000e+00 : f32
    %sub3A_980 = vector.broadcast %sub3A_979 : f32 to vector<128x128xf32>
    %sub3A_981 = arith.subf %sub3A_980, %slice3A_978 : vector<128x128xf32>
    %lt3A_982 = arith.cmpf olt, %sub3A_981, %select_n3A_974 : vector<128x128xf32>
    %select_n3A_983 = arith.select %lt3A_982, %sub3A_981, %select_n3A_974 : vector<128x128xi1>, vector<128x128xf32>
    %jit3A_984 = arith.constant 1.400000e+01 : f32
    %broadcast_in_dim3A_985 = vector.broadcast %jit3A_984 : f32 to vector<128x128xf32>
    %select_n3A_986 = arith.select %lt3A_982, %broadcast_in_dim3A_985, %select_n3A_977 : vector<128x128xi1>, vector<128x128xf32>
    %slice3A_987 = vector.extract_strided_slice %dot_general3A_5 {offsets = [384, 1920], sizes = [128, 128], strides = [1, 1]} : vector<1024x4096xf32> to vector<128x128xf32>
    %sub3A_988 = arith.constant 1.000000e+00 : f32
    %sub3A_989 = vector.broadcast %sub3A_988 : f32 to vector<128x128xf32>
    %sub3A_990 = arith.subf %sub3A_989, %slice3A_987 : vector<128x128xf32>
    %lt3A_991 = arith.cmpf olt, %sub3A_990, %select_n3A_983 : vector<128x128xf32>
    %select_n3A_992 = arith.select %lt3A_991, %sub3A_990, %select_n3A_983 : vector<128x128xi1>, vector<128x128xf32>
    %jit3A_993 = arith.constant 1.500000e+01 : f32
    %broadcast_in_dim3A_994 = vector.broadcast %jit3A_993 : f32 to vector<128x128xf32>
    %select_n3A_995 = arith.select %lt3A_991, %broadcast_in_dim3A_994, %select_n3A_986 : vector<128x128xi1>, vector<128x128xf32>
    %slice3A_996 = vector.extract_strided_slice %dot_general3A_5 {offsets = [384, 2048], sizes = [128, 128], strides = [1, 1]} : vector<1024x4096xf32> to vector<128x128xf32>
    %sub3A_997 = arith.constant 1.000000e+00 : f32
    %sub3A_998 = vector.broadcast %sub3A_997 : f32 to vector<128x128xf32>
    %sub3A_999 = arith.subf %sub3A_998, %slice3A_996 : vector<128x128xf32>
    %lt3A_1000 = arith.cmpf olt, %sub3A_999, %select_n3A_992 : vector<128x128xf32>
    %select_n3A_1001 = arith.select %lt3A_1000, %sub3A_999, %select_n3A_992 : vector<128x128xi1>, vector<128x128xf32>
    %jit3A_1002 = arith.constant 1.600000e+01 : f32
    %broadcast_in_dim3A_1003 = vector.broadcast %jit3A_1002 : f32 to vector<128x128xf32>
    %select_n3A_1004 = arith.select %lt3A_1000, %broadcast_in_dim3A_1003, %select_n3A_995 : vector<128x128xi1>, vector<128x128xf32>
    %slice3A_1005 = vector.extract_strided_slice %dot_general3A_5 {offsets = [384, 2176], sizes = [128, 128], strides = [1, 1]} : vector<1024x4096xf32> to vector<128x128xf32>
    %sub3A_1006 = arith.constant 1.000000e+00 : f32
    %sub3A_1007 = vector.broadcast %sub3A_1006 : f32 to vector<128x128xf32>
    %sub3A_1008 = arith.subf %sub3A_1007, %slice3A_1005 : vector<128x128xf32>
    %lt3A_1009 = arith.cmpf olt, %sub3A_1008, %select_n3A_1001 : vector<128x128xf32>
    %select_n3A_1010 = arith.select %lt3A_1009, %sub3A_1008, %select_n3A_1001 : vector<128x128xi1>, vector<128x128xf32>
    %jit3A_1011 = arith.constant 1.700000e+01 : f32
    %broadcast_in_dim3A_1012 = vector.broadcast %jit3A_1011 : f32 to vector<128x128xf32>
    %select_n3A_1013 = arith.select %lt3A_1009, %broadcast_in_dim3A_1012, %select_n3A_1004 : vector<128x128xi1>, vector<128x128xf32>
    %slice3A_1014 = vector.extract_strided_slice %dot_general3A_5 {offsets = [384, 2304], sizes = [128, 128], strides = [1, 1]} : vector<1024x4096xf32> to vector<128x128xf32>
    %sub3A_1015 = arith.constant 1.000000e+00 : f32
    %sub3A_1016 = vector.broadcast %sub3A_1015 : f32 to vector<128x128xf32>
    %sub3A_1017 = arith.subf %sub3A_1016, %slice3A_1014 : vector<128x128xf32>
    %lt3A_1018 = arith.cmpf olt, %sub3A_1017, %select_n3A_1010 : vector<128x128xf32>
    %select_n3A_1019 = arith.select %lt3A_1018, %sub3A_1017, %select_n3A_1010 : vector<128x128xi1>, vector<128x128xf32>
    %jit3A_1020 = arith.constant 1.800000e+01 : f32
    %broadcast_in_dim3A_1021 = vector.broadcast %jit3A_1020 : f32 to vector<128x128xf32>
    %select_n3A_1022 = arith.select %lt3A_1018, %broadcast_in_dim3A_1021, %select_n3A_1013 : vector<128x128xi1>, vector<128x128xf32>
    %slice3A_1023 = vector.extract_strided_slice %dot_general3A_5 {offsets = [384, 2432], sizes = [128, 128], strides = [1, 1]} : vector<1024x4096xf32> to vector<128x128xf32>
    %sub3A_1024 = arith.constant 1.000000e+00 : f32
    %sub3A_1025 = vector.broadcast %sub3A_1024 : f32 to vector<128x128xf32>
    %sub3A_1026 = arith.subf %sub3A_1025, %slice3A_1023 : vector<128x128xf32>
    %lt3A_1027 = arith.cmpf olt, %sub3A_1026, %select_n3A_1019 : vector<128x128xf32>
    %select_n3A_1028 = arith.select %lt3A_1027, %sub3A_1026, %select_n3A_1019 : vector<128x128xi1>, vector<128x128xf32>
    %jit3A_1029 = arith.constant 1.900000e+01 : f32
    %broadcast_in_dim3A_1030 = vector.broadcast %jit3A_1029 : f32 to vector<128x128xf32>
    %select_n3A_1031 = arith.select %lt3A_1027, %broadcast_in_dim3A_1030, %select_n3A_1022 : vector<128x128xi1>, vector<128x128xf32>
    %slice3A_1032 = vector.extract_strided_slice %dot_general3A_5 {offsets = [384, 2560], sizes = [128, 128], strides = [1, 1]} : vector<1024x4096xf32> to vector<128x128xf32>
    %sub3A_1033 = arith.constant 1.000000e+00 : f32
    %sub3A_1034 = vector.broadcast %sub3A_1033 : f32 to vector<128x128xf32>
    %sub3A_1035 = arith.subf %sub3A_1034, %slice3A_1032 : vector<128x128xf32>
    %lt3A_1036 = arith.cmpf olt, %sub3A_1035, %select_n3A_1028 : vector<128x128xf32>
    %select_n3A_1037 = arith.select %lt3A_1036, %sub3A_1035, %select_n3A_1028 : vector<128x128xi1>, vector<128x128xf32>
    %jit3A_1038 = arith.constant 2.000000e+01 : f32
    %broadcast_in_dim3A_1039 = vector.broadcast %jit3A_1038 : f32 to vector<128x128xf32>
    %select_n3A_1040 = arith.select %lt3A_1036, %broadcast_in_dim3A_1039, %select_n3A_1031 : vector<128x128xi1>, vector<128x128xf32>
    %slice3A_1041 = vector.extract_strided_slice %dot_general3A_5 {offsets = [384, 2688], sizes = [128, 128], strides = [1, 1]} : vector<1024x4096xf32> to vector<128x128xf32>
    %sub3A_1042 = arith.constant 1.000000e+00 : f32
    %sub3A_1043 = vector.broadcast %sub3A_1042 : f32 to vector<128x128xf32>
    %sub3A_1044 = arith.subf %sub3A_1043, %slice3A_1041 : vector<128x128xf32>
    %lt3A_1045 = arith.cmpf olt, %sub3A_1044, %select_n3A_1037 : vector<128x128xf32>
    %select_n3A_1046 = arith.select %lt3A_1045, %sub3A_1044, %select_n3A_1037 : vector<128x128xi1>, vector<128x128xf32>
    %jit3A_1047 = arith.constant 2.100000e+01 : f32
    %broadcast_in_dim3A_1048 = vector.broadcast %jit3A_1047 : f32 to vector<128x128xf32>
    %select_n3A_1049 = arith.select %lt3A_1045, %broadcast_in_dim3A_1048, %select_n3A_1040 : vector<128x128xi1>, vector<128x128xf32>
    %slice3A_1050 = vector.extract_strided_slice %dot_general3A_5 {offsets = [384, 2816], sizes = [128, 128], strides = [1, 1]} : vector<1024x4096xf32> to vector<128x128xf32>
    %sub3A_1051 = arith.constant 1.000000e+00 : f32
    %sub3A_1052 = vector.broadcast %sub3A_1051 : f32 to vector<128x128xf32>
    %sub3A_1053 = arith.subf %sub3A_1052, %slice3A_1050 : vector<128x128xf32>
    %lt3A_1054 = arith.cmpf olt, %sub3A_1053, %select_n3A_1046 : vector<128x128xf32>
    %select_n3A_1055 = arith.select %lt3A_1054, %sub3A_1053, %select_n3A_1046 : vector<128x128xi1>, vector<128x128xf32>
    %jit3A_1056 = arith.constant 2.200000e+01 : f32
    %broadcast_in_dim3A_1057 = vector.broadcast %jit3A_1056 : f32 to vector<128x128xf32>
    %select_n3A_1058 = arith.select %lt3A_1054, %broadcast_in_dim3A_1057, %select_n3A_1049 : vector<128x128xi1>, vector<128x128xf32>
    %slice3A_1059 = vector.extract_strided_slice %dot_general3A_5 {offsets = [384, 2944], sizes = [128, 128], strides = [1, 1]} : vector<1024x4096xf32> to vector<128x128xf32>
    %sub3A_1060 = arith.constant 1.000000e+00 : f32
    %sub3A_1061 = vector.broadcast %sub3A_1060 : f32 to vector<128x128xf32>
    %sub3A_1062 = arith.subf %sub3A_1061, %slice3A_1059 : vector<128x128xf32>
    %lt3A_1063 = arith.cmpf olt, %sub3A_1062, %select_n3A_1055 : vector<128x128xf32>
    %select_n3A_1064 = arith.select %lt3A_1063, %sub3A_1062, %select_n3A_1055 : vector<128x128xi1>, vector<128x128xf32>
    %jit3A_1065 = arith.constant 2.300000e+01 : f32
    %broadcast_in_dim3A_1066 = vector.broadcast %jit3A_1065 : f32 to vector<128x128xf32>
    %select_n3A_1067 = arith.select %lt3A_1063, %broadcast_in_dim3A_1066, %select_n3A_1058 : vector<128x128xi1>, vector<128x128xf32>
    %slice3A_1068 = vector.extract_strided_slice %dot_general3A_5 {offsets = [384, 3072], sizes = [128, 128], strides = [1, 1]} : vector<1024x4096xf32> to vector<128x128xf32>
    %sub3A_1069 = arith.constant 1.000000e+00 : f32
    %sub3A_1070 = vector.broadcast %sub3A_1069 : f32 to vector<128x128xf32>
    %sub3A_1071 = arith.subf %sub3A_1070, %slice3A_1068 : vector<128x128xf32>
    %lt3A_1072 = arith.cmpf olt, %sub3A_1071, %select_n3A_1064 : vector<128x128xf32>
    %select_n3A_1073 = arith.select %lt3A_1072, %sub3A_1071, %select_n3A_1064 : vector<128x128xi1>, vector<128x128xf32>
    %jit3A_1074 = arith.constant 2.400000e+01 : f32
    %broadcast_in_dim3A_1075 = vector.broadcast %jit3A_1074 : f32 to vector<128x128xf32>
    %select_n3A_1076 = arith.select %lt3A_1072, %broadcast_in_dim3A_1075, %select_n3A_1067 : vector<128x128xi1>, vector<128x128xf32>
    %slice3A_1077 = vector.extract_strided_slice %dot_general3A_5 {offsets = [384, 3200], sizes = [128, 128], strides = [1, 1]} : vector<1024x4096xf32> to vector<128x128xf32>
    %sub3A_1078 = arith.constant 1.000000e+00 : f32
    %sub3A_1079 = vector.broadcast %sub3A_1078 : f32 to vector<128x128xf32>
    %sub3A_1080 = arith.subf %sub3A_1079, %slice3A_1077 : vector<128x128xf32>
    %lt3A_1081 = arith.cmpf olt, %sub3A_1080, %select_n3A_1073 : vector<128x128xf32>
    %select_n3A_1082 = arith.select %lt3A_1081, %sub3A_1080, %select_n3A_1073 : vector<128x128xi1>, vector<128x128xf32>
    %jit3A_1083 = arith.constant 2.500000e+01 : f32
    %broadcast_in_dim3A_1084 = vector.broadcast %jit3A_1083 : f32 to vector<128x128xf32>
    %select_n3A_1085 = arith.select %lt3A_1081, %broadcast_in_dim3A_1084, %select_n3A_1076 : vector<128x128xi1>, vector<128x128xf32>
    %slice3A_1086 = vector.extract_strided_slice %dot_general3A_5 {offsets = [384, 3328], sizes = [128, 128], strides = [1, 1]} : vector<1024x4096xf32> to vector<128x128xf32>
    %sub3A_1087 = arith.constant 1.000000e+00 : f32
    %sub3A_1088 = vector.broadcast %sub3A_1087 : f32 to vector<128x128xf32>
    %sub3A_1089 = arith.subf %sub3A_1088, %slice3A_1086 : vector<128x128xf32>
    %lt3A_1090 = arith.cmpf olt, %sub3A_1089, %select_n3A_1082 : vector<128x128xf32>
    %select_n3A_1091 = arith.select %lt3A_1090, %sub3A_1089, %select_n3A_1082 : vector<128x128xi1>, vector<128x128xf32>
    %jit3A_1092 = arith.constant 2.600000e+01 : f32
    %broadcast_in_dim3A_1093 = vector.broadcast %jit3A_1092 : f32 to vector<128x128xf32>
    %select_n3A_1094 = arith.select %lt3A_1090, %broadcast_in_dim3A_1093, %select_n3A_1085 : vector<128x128xi1>, vector<128x128xf32>
    %slice3A_1095 = vector.extract_strided_slice %dot_general3A_5 {offsets = [384, 3456], sizes = [128, 128], strides = [1, 1]} : vector<1024x4096xf32> to vector<128x128xf32>
    %sub3A_1096 = arith.constant 1.000000e+00 : f32
    %sub3A_1097 = vector.broadcast %sub3A_1096 : f32 to vector<128x128xf32>
    %sub3A_1098 = arith.subf %sub3A_1097, %slice3A_1095 : vector<128x128xf32>
    %lt3A_1099 = arith.cmpf olt, %sub3A_1098, %select_n3A_1091 : vector<128x128xf32>
    %select_n3A_1100 = arith.select %lt3A_1099, %sub3A_1098, %select_n3A_1091 : vector<128x128xi1>, vector<128x128xf32>
    %jit3A_1101 = arith.constant 2.700000e+01 : f32
    %broadcast_in_dim3A_1102 = vector.broadcast %jit3A_1101 : f32 to vector<128x128xf32>
    %select_n3A_1103 = arith.select %lt3A_1099, %broadcast_in_dim3A_1102, %select_n3A_1094 : vector<128x128xi1>, vector<128x128xf32>
    %slice3A_1104 = vector.extract_strided_slice %dot_general3A_5 {offsets = [384, 3584], sizes = [128, 128], strides = [1, 1]} : vector<1024x4096xf32> to vector<128x128xf32>
    %sub3A_1105 = arith.constant 1.000000e+00 : f32
    %sub3A_1106 = vector.broadcast %sub3A_1105 : f32 to vector<128x128xf32>
    %sub3A_1107 = arith.subf %sub3A_1106, %slice3A_1104 : vector<128x128xf32>
    %lt3A_1108 = arith.cmpf olt, %sub3A_1107, %select_n3A_1100 : vector<128x128xf32>
    %select_n3A_1109 = arith.select %lt3A_1108, %sub3A_1107, %select_n3A_1100 : vector<128x128xi1>, vector<128x128xf32>
    %jit3A_1110 = arith.constant 2.800000e+01 : f32
    %broadcast_in_dim3A_1111 = vector.broadcast %jit3A_1110 : f32 to vector<128x128xf32>
    %select_n3A_1112 = arith.select %lt3A_1108, %broadcast_in_dim3A_1111, %select_n3A_1103 : vector<128x128xi1>, vector<128x128xf32>
    %slice3A_1113 = vector.extract_strided_slice %dot_general3A_5 {offsets = [384, 3712], sizes = [128, 128], strides = [1, 1]} : vector<1024x4096xf32> to vector<128x128xf32>
    %sub3A_1114 = arith.constant 1.000000e+00 : f32
    %sub3A_1115 = vector.broadcast %sub3A_1114 : f32 to vector<128x128xf32>
    %sub3A_1116 = arith.subf %sub3A_1115, %slice3A_1113 : vector<128x128xf32>
    %lt3A_1117 = arith.cmpf olt, %sub3A_1116, %select_n3A_1109 : vector<128x128xf32>
    %select_n3A_1118 = arith.select %lt3A_1117, %sub3A_1116, %select_n3A_1109 : vector<128x128xi1>, vector<128x128xf32>
    %jit3A_1119 = arith.constant 2.900000e+01 : f32
    %broadcast_in_dim3A_1120 = vector.broadcast %jit3A_1119 : f32 to vector<128x128xf32>
    %select_n3A_1121 = arith.select %lt3A_1117, %broadcast_in_dim3A_1120, %select_n3A_1112 : vector<128x128xi1>, vector<128x128xf32>
    %slice3A_1122 = vector.extract_strided_slice %dot_general3A_5 {offsets = [384, 3840], sizes = [128, 128], strides = [1, 1]} : vector<1024x4096xf32> to vector<128x128xf32>
    %sub3A_1123 = arith.constant 1.000000e+00 : f32
    %sub3A_1124 = vector.broadcast %sub3A_1123 : f32 to vector<128x128xf32>
    %sub3A_1125 = arith.subf %sub3A_1124, %slice3A_1122 : vector<128x128xf32>
    %lt3A_1126 = arith.cmpf olt, %sub3A_1125, %select_n3A_1118 : vector<128x128xf32>
    %select_n3A_1127 = arith.select %lt3A_1126, %sub3A_1125, %select_n3A_1118 : vector<128x128xi1>, vector<128x128xf32>
    %jit3A_1128 = arith.constant 3.000000e+01 : f32
    %broadcast_in_dim3A_1129 = vector.broadcast %jit3A_1128 : f32 to vector<128x128xf32>
    %select_n3A_1130 = arith.select %lt3A_1126, %broadcast_in_dim3A_1129, %select_n3A_1121 : vector<128x128xi1>, vector<128x128xf32>
    %slice3A_1131 = vector.extract_strided_slice %dot_general3A_5 {offsets = [384, 3968], sizes = [128, 128], strides = [1, 1]} : vector<1024x4096xf32> to vector<128x128xf32>
    %sub3A_1132 = arith.constant 1.000000e+00 : f32
    %sub3A_1133 = vector.broadcast %sub3A_1132 : f32 to vector<128x128xf32>
    %sub3A_1134 = arith.subf %sub3A_1133, %slice3A_1131 : vector<128x128xf32>
    %lt3A_1135 = arith.cmpf olt, %sub3A_1134, %select_n3A_1127 : vector<128x128xf32>
    %select_n3A_1136 = arith.select %lt3A_1135, %sub3A_1134, %select_n3A_1127 : vector<128x128xi1>, vector<128x128xf32>
    %jit3A_1137 = arith.constant 3.100000e+01 : f32
    %broadcast_in_dim3A_1138 = vector.broadcast %jit3A_1137 : f32 to vector<128x128xf32>
    %select_n3A_1139 = arith.select %lt3A_1135, %broadcast_in_dim3A_1138, %select_n3A_1130 : vector<128x128xi1>, vector<128x128xf32>
    %slice3A_1140 = vector.extract_strided_slice %dot_general3A_5 {offsets = [512, 0], sizes = [128, 128], strides = [1, 1]} : vector<1024x4096xf32> to vector<128x128xf32>
    %sub3A_1141 = arith.constant 1.000000e+00 : f32
    %sub3A_1142 = vector.broadcast %sub3A_1141 : f32 to vector<128x128xf32>
    %sub3A_1143 = arith.subf %sub3A_1142, %slice3A_1140 : vector<128x128xf32>
    %broadcast_in_dim3A_1144 = arith.constant 0.000000e+00 : f32
    %broadcast_in_dim3A_1145 = vector.broadcast %broadcast_in_dim3A_1144 : f32 to vector<128x128xf32>
    %slice3A_1146 = vector.extract_strided_slice %dot_general3A_5 {offsets = [512, 128], sizes = [128, 128], strides = [1, 1]} : vector<1024x4096xf32> to vector<128x128xf32>
    %sub3A_1147 = arith.constant 1.000000e+00 : f32
    %sub3A_1148 = vector.broadcast %sub3A_1147 : f32 to vector<128x128xf32>
    %sub3A_1149 = arith.subf %sub3A_1148, %slice3A_1146 : vector<128x128xf32>
    %lt3A_1150 = arith.cmpf olt, %sub3A_1149, %sub3A_1143 : vector<128x128xf32>
    %select_n3A_1151 = arith.select %lt3A_1150, %sub3A_1149, %sub3A_1143 : vector<128x128xi1>, vector<128x128xf32>
    %jit3A_1152 = arith.constant 1.000000e+00 : f32
    %broadcast_in_dim3A_1153 = vector.broadcast %jit3A_1152 : f32 to vector<128x128xf32>
    %select_n3A_1154 = arith.select %lt3A_1150, %broadcast_in_dim3A_1153, %broadcast_in_dim3A_1145 : vector<128x128xi1>, vector<128x128xf32>
    %slice3A_1155 = vector.extract_strided_slice %dot_general3A_5 {offsets = [512, 256], sizes = [128, 128], strides = [1, 1]} : vector<1024x4096xf32> to vector<128x128xf32>
    %sub3A_1156 = arith.constant 1.000000e+00 : f32
    %sub3A_1157 = vector.broadcast %sub3A_1156 : f32 to vector<128x128xf32>
    %sub3A_1158 = arith.subf %sub3A_1157, %slice3A_1155 : vector<128x128xf32>
    %lt3A_1159 = arith.cmpf olt, %sub3A_1158, %select_n3A_1151 : vector<128x128xf32>
    %select_n3A_1160 = arith.select %lt3A_1159, %sub3A_1158, %select_n3A_1151 : vector<128x128xi1>, vector<128x128xf32>
    %jit3A_1161 = arith.constant 2.000000e+00 : f32
    %broadcast_in_dim3A_1162 = vector.broadcast %jit3A_1161 : f32 to vector<128x128xf32>
    %select_n3A_1163 = arith.select %lt3A_1159, %broadcast_in_dim3A_1162, %select_n3A_1154 : vector<128x128xi1>, vector<128x128xf32>
    %slice3A_1164 = vector.extract_strided_slice %dot_general3A_5 {offsets = [512, 384], sizes = [128, 128], strides = [1, 1]} : vector<1024x4096xf32> to vector<128x128xf32>
    %sub3A_1165 = arith.constant 1.000000e+00 : f32
    %sub3A_1166 = vector.broadcast %sub3A_1165 : f32 to vector<128x128xf32>
    %sub3A_1167 = arith.subf %sub3A_1166, %slice3A_1164 : vector<128x128xf32>
    %lt3A_1168 = arith.cmpf olt, %sub3A_1167, %select_n3A_1160 : vector<128x128xf32>
    %select_n3A_1169 = arith.select %lt3A_1168, %sub3A_1167, %select_n3A_1160 : vector<128x128xi1>, vector<128x128xf32>
    %jit3A_1170 = arith.constant 3.000000e+00 : f32
    %broadcast_in_dim3A_1171 = vector.broadcast %jit3A_1170 : f32 to vector<128x128xf32>
    %select_n3A_1172 = arith.select %lt3A_1168, %broadcast_in_dim3A_1171, %select_n3A_1163 : vector<128x128xi1>, vector<128x128xf32>
    %slice3A_1173 = vector.extract_strided_slice %dot_general3A_5 {offsets = [512, 512], sizes = [128, 128], strides = [1, 1]} : vector<1024x4096xf32> to vector<128x128xf32>
    %sub3A_1174 = arith.constant 1.000000e+00 : f32
    %sub3A_1175 = vector.broadcast %sub3A_1174 : f32 to vector<128x128xf32>
    %sub3A_1176 = arith.subf %sub3A_1175, %slice3A_1173 : vector<128x128xf32>
    %lt3A_1177 = arith.cmpf olt, %sub3A_1176, %select_n3A_1169 : vector<128x128xf32>
    %select_n3A_1178 = arith.select %lt3A_1177, %sub3A_1176, %select_n3A_1169 : vector<128x128xi1>, vector<128x128xf32>
    %jit3A_1179 = arith.constant 4.000000e+00 : f32
    %broadcast_in_dim3A_1180 = vector.broadcast %jit3A_1179 : f32 to vector<128x128xf32>
    %select_n3A_1181 = arith.select %lt3A_1177, %broadcast_in_dim3A_1180, %select_n3A_1172 : vector<128x128xi1>, vector<128x128xf32>
    %slice3A_1182 = vector.extract_strided_slice %dot_general3A_5 {offsets = [512, 640], sizes = [128, 128], strides = [1, 1]} : vector<1024x4096xf32> to vector<128x128xf32>
    %sub3A_1183 = arith.constant 1.000000e+00 : f32
    %sub3A_1184 = vector.broadcast %sub3A_1183 : f32 to vector<128x128xf32>
    %sub3A_1185 = arith.subf %sub3A_1184, %slice3A_1182 : vector<128x128xf32>
    %lt3A_1186 = arith.cmpf olt, %sub3A_1185, %select_n3A_1178 : vector<128x128xf32>
    %select_n3A_1187 = arith.select %lt3A_1186, %sub3A_1185, %select_n3A_1178 : vector<128x128xi1>, vector<128x128xf32>
    %jit3A_1188 = arith.constant 5.000000e+00 : f32
    %broadcast_in_dim3A_1189 = vector.broadcast %jit3A_1188 : f32 to vector<128x128xf32>
    %select_n3A_1190 = arith.select %lt3A_1186, %broadcast_in_dim3A_1189, %select_n3A_1181 : vector<128x128xi1>, vector<128x128xf32>
    %slice3A_1191 = vector.extract_strided_slice %dot_general3A_5 {offsets = [512, 768], sizes = [128, 128], strides = [1, 1]} : vector<1024x4096xf32> to vector<128x128xf32>
    %sub3A_1192 = arith.constant 1.000000e+00 : f32
    %sub3A_1193 = vector.broadcast %sub3A_1192 : f32 to vector<128x128xf32>
    %sub3A_1194 = arith.subf %sub3A_1193, %slice3A_1191 : vector<128x128xf32>
    %lt3A_1195 = arith.cmpf olt, %sub3A_1194, %select_n3A_1187 : vector<128x128xf32>
    %select_n3A_1196 = arith.select %lt3A_1195, %sub3A_1194, %select_n3A_1187 : vector<128x128xi1>, vector<128x128xf32>
    %jit3A_1197 = arith.constant 6.000000e+00 : f32
    %broadcast_in_dim3A_1198 = vector.broadcast %jit3A_1197 : f32 to vector<128x128xf32>
    %select_n3A_1199 = arith.select %lt3A_1195, %broadcast_in_dim3A_1198, %select_n3A_1190 : vector<128x128xi1>, vector<128x128xf32>
    %slice3A_1200 = vector.extract_strided_slice %dot_general3A_5 {offsets = [512, 896], sizes = [128, 128], strides = [1, 1]} : vector<1024x4096xf32> to vector<128x128xf32>
    %sub3A_1201 = arith.constant 1.000000e+00 : f32
    %sub3A_1202 = vector.broadcast %sub3A_1201 : f32 to vector<128x128xf32>
    %sub3A_1203 = arith.subf %sub3A_1202, %slice3A_1200 : vector<128x128xf32>
    %lt3A_1204 = arith.cmpf olt, %sub3A_1203, %select_n3A_1196 : vector<128x128xf32>
    %select_n3A_1205 = arith.select %lt3A_1204, %sub3A_1203, %select_n3A_1196 : vector<128x128xi1>, vector<128x128xf32>
    %jit3A_1206 = arith.constant 7.000000e+00 : f32
    %broadcast_in_dim3A_1207 = vector.broadcast %jit3A_1206 : f32 to vector<128x128xf32>
    %select_n3A_1208 = arith.select %lt3A_1204, %broadcast_in_dim3A_1207, %select_n3A_1199 : vector<128x128xi1>, vector<128x128xf32>
    %slice3A_1209 = vector.extract_strided_slice %dot_general3A_5 {offsets = [512, 1024], sizes = [128, 128], strides = [1, 1]} : vector<1024x4096xf32> to vector<128x128xf32>
    %sub3A_1210 = arith.constant 1.000000e+00 : f32
    %sub3A_1211 = vector.broadcast %sub3A_1210 : f32 to vector<128x128xf32>
    %sub3A_1212 = arith.subf %sub3A_1211, %slice3A_1209 : vector<128x128xf32>
    %lt3A_1213 = arith.cmpf olt, %sub3A_1212, %select_n3A_1205 : vector<128x128xf32>
    %select_n3A_1214 = arith.select %lt3A_1213, %sub3A_1212, %select_n3A_1205 : vector<128x128xi1>, vector<128x128xf32>
    %jit3A_1215 = arith.constant 8.000000e+00 : f32
    %broadcast_in_dim3A_1216 = vector.broadcast %jit3A_1215 : f32 to vector<128x128xf32>
    %select_n3A_1217 = arith.select %lt3A_1213, %broadcast_in_dim3A_1216, %select_n3A_1208 : vector<128x128xi1>, vector<128x128xf32>
    %slice3A_1218 = vector.extract_strided_slice %dot_general3A_5 {offsets = [512, 1152], sizes = [128, 128], strides = [1, 1]} : vector<1024x4096xf32> to vector<128x128xf32>
    %sub3A_1219 = arith.constant 1.000000e+00 : f32
    %sub3A_1220 = vector.broadcast %sub3A_1219 : f32 to vector<128x128xf32>
    %sub3A_1221 = arith.subf %sub3A_1220, %slice3A_1218 : vector<128x128xf32>
    %lt3A_1222 = arith.cmpf olt, %sub3A_1221, %select_n3A_1214 : vector<128x128xf32>
    %select_n3A_1223 = arith.select %lt3A_1222, %sub3A_1221, %select_n3A_1214 : vector<128x128xi1>, vector<128x128xf32>
    %jit3A_1224 = arith.constant 9.000000e+00 : f32
    %broadcast_in_dim3A_1225 = vector.broadcast %jit3A_1224 : f32 to vector<128x128xf32>
    %select_n3A_1226 = arith.select %lt3A_1222, %broadcast_in_dim3A_1225, %select_n3A_1217 : vector<128x128xi1>, vector<128x128xf32>
    %slice3A_1227 = vector.extract_strided_slice %dot_general3A_5 {offsets = [512, 1280], sizes = [128, 128], strides = [1, 1]} : vector<1024x4096xf32> to vector<128x128xf32>
    %sub3A_1228 = arith.constant 1.000000e+00 : f32
    %sub3A_1229 = vector.broadcast %sub3A_1228 : f32 to vector<128x128xf32>
    %sub3A_1230 = arith.subf %sub3A_1229, %slice3A_1227 : vector<128x128xf32>
    %lt3A_1231 = arith.cmpf olt, %sub3A_1230, %select_n3A_1223 : vector<128x128xf32>
    %select_n3A_1232 = arith.select %lt3A_1231, %sub3A_1230, %select_n3A_1223 : vector<128x128xi1>, vector<128x128xf32>
    %jit3A_1233 = arith.constant 1.000000e+01 : f32
    %broadcast_in_dim3A_1234 = vector.broadcast %jit3A_1233 : f32 to vector<128x128xf32>
    %select_n3A_1235 = arith.select %lt3A_1231, %broadcast_in_dim3A_1234, %select_n3A_1226 : vector<128x128xi1>, vector<128x128xf32>
    %slice3A_1236 = vector.extract_strided_slice %dot_general3A_5 {offsets = [512, 1408], sizes = [128, 128], strides = [1, 1]} : vector<1024x4096xf32> to vector<128x128xf32>
    %sub3A_1237 = arith.constant 1.000000e+00 : f32
    %sub3A_1238 = vector.broadcast %sub3A_1237 : f32 to vector<128x128xf32>
    %sub3A_1239 = arith.subf %sub3A_1238, %slice3A_1236 : vector<128x128xf32>
    %lt3A_1240 = arith.cmpf olt, %sub3A_1239, %select_n3A_1232 : vector<128x128xf32>
    %select_n3A_1241 = arith.select %lt3A_1240, %sub3A_1239, %select_n3A_1232 : vector<128x128xi1>, vector<128x128xf32>
    %jit3A_1242 = arith.constant 1.100000e+01 : f32
    %broadcast_in_dim3A_1243 = vector.broadcast %jit3A_1242 : f32 to vector<128x128xf32>
    %select_n3A_1244 = arith.select %lt3A_1240, %broadcast_in_dim3A_1243, %select_n3A_1235 : vector<128x128xi1>, vector<128x128xf32>
    %slice3A_1245 = vector.extract_strided_slice %dot_general3A_5 {offsets = [512, 1536], sizes = [128, 128], strides = [1, 1]} : vector<1024x4096xf32> to vector<128x128xf32>
    %sub3A_1246 = arith.constant 1.000000e+00 : f32
    %sub3A_1247 = vector.broadcast %sub3A_1246 : f32 to vector<128x128xf32>
    %sub3A_1248 = arith.subf %sub3A_1247, %slice3A_1245 : vector<128x128xf32>
    %lt3A_1249 = arith.cmpf olt, %sub3A_1248, %select_n3A_1241 : vector<128x128xf32>
    %select_n3A_1250 = arith.select %lt3A_1249, %sub3A_1248, %select_n3A_1241 : vector<128x128xi1>, vector<128x128xf32>
    %jit3A_1251 = arith.constant 1.200000e+01 : f32
    %broadcast_in_dim3A_1252 = vector.broadcast %jit3A_1251 : f32 to vector<128x128xf32>
    %select_n3A_1253 = arith.select %lt3A_1249, %broadcast_in_dim3A_1252, %select_n3A_1244 : vector<128x128xi1>, vector<128x128xf32>
    %slice3A_1254 = vector.extract_strided_slice %dot_general3A_5 {offsets = [512, 1664], sizes = [128, 128], strides = [1, 1]} : vector<1024x4096xf32> to vector<128x128xf32>
    %sub3A_1255 = arith.constant 1.000000e+00 : f32
    %sub3A_1256 = vector.broadcast %sub3A_1255 : f32 to vector<128x128xf32>
    %sub3A_1257 = arith.subf %sub3A_1256, %slice3A_1254 : vector<128x128xf32>
    %lt3A_1258 = arith.cmpf olt, %sub3A_1257, %select_n3A_1250 : vector<128x128xf32>
    %select_n3A_1259 = arith.select %lt3A_1258, %sub3A_1257, %select_n3A_1250 : vector<128x128xi1>, vector<128x128xf32>
    %jit3A_1260 = arith.constant 1.300000e+01 : f32
    %broadcast_in_dim3A_1261 = vector.broadcast %jit3A_1260 : f32 to vector<128x128xf32>
    %select_n3A_1262 = arith.select %lt3A_1258, %broadcast_in_dim3A_1261, %select_n3A_1253 : vector<128x128xi1>, vector<128x128xf32>
    %slice3A_1263 = vector.extract_strided_slice %dot_general3A_5 {offsets = [512, 1792], sizes = [128, 128], strides = [1, 1]} : vector<1024x4096xf32> to vector<128x128xf32>
    %sub3A_1264 = arith.constant 1.000000e+00 : f32
    %sub3A_1265 = vector.broadcast %sub3A_1264 : f32 to vector<128x128xf32>
    %sub3A_1266 = arith.subf %sub3A_1265, %slice3A_1263 : vector<128x128xf32>
    %lt3A_1267 = arith.cmpf olt, %sub3A_1266, %select_n3A_1259 : vector<128x128xf32>
    %select_n3A_1268 = arith.select %lt3A_1267, %sub3A_1266, %select_n3A_1259 : vector<128x128xi1>, vector<128x128xf32>
    %jit3A_1269 = arith.constant 1.400000e+01 : f32
    %broadcast_in_dim3A_1270 = vector.broadcast %jit3A_1269 : f32 to vector<128x128xf32>
    %select_n3A_1271 = arith.select %lt3A_1267, %broadcast_in_dim3A_1270, %select_n3A_1262 : vector<128x128xi1>, vector<128x128xf32>
    %slice3A_1272 = vector.extract_strided_slice %dot_general3A_5 {offsets = [512, 1920], sizes = [128, 128], strides = [1, 1]} : vector<1024x4096xf32> to vector<128x128xf32>
    %sub3A_1273 = arith.constant 1.000000e+00 : f32
    %sub3A_1274 = vector.broadcast %sub3A_1273 : f32 to vector<128x128xf32>
    %sub3A_1275 = arith.subf %sub3A_1274, %slice3A_1272 : vector<128x128xf32>
    %lt3A_1276 = arith.cmpf olt, %sub3A_1275, %select_n3A_1268 : vector<128x128xf32>
    %select_n3A_1277 = arith.select %lt3A_1276, %sub3A_1275, %select_n3A_1268 : vector<128x128xi1>, vector<128x128xf32>
    %jit3A_1278 = arith.constant 1.500000e+01 : f32
    %broadcast_in_dim3A_1279 = vector.broadcast %jit3A_1278 : f32 to vector<128x128xf32>
    %select_n3A_1280 = arith.select %lt3A_1276, %broadcast_in_dim3A_1279, %select_n3A_1271 : vector<128x128xi1>, vector<128x128xf32>
    %slice3A_1281 = vector.extract_strided_slice %dot_general3A_5 {offsets = [512, 2048], sizes = [128, 128], strides = [1, 1]} : vector<1024x4096xf32> to vector<128x128xf32>
    %sub3A_1282 = arith.constant 1.000000e+00 : f32
    %sub3A_1283 = vector.broadcast %sub3A_1282 : f32 to vector<128x128xf32>
    %sub3A_1284 = arith.subf %sub3A_1283, %slice3A_1281 : vector<128x128xf32>
    %lt3A_1285 = arith.cmpf olt, %sub3A_1284, %select_n3A_1277 : vector<128x128xf32>
    %select_n3A_1286 = arith.select %lt3A_1285, %sub3A_1284, %select_n3A_1277 : vector<128x128xi1>, vector<128x128xf32>
    %jit3A_1287 = arith.constant 1.600000e+01 : f32
    %broadcast_in_dim3A_1288 = vector.broadcast %jit3A_1287 : f32 to vector<128x128xf32>
    %select_n3A_1289 = arith.select %lt3A_1285, %broadcast_in_dim3A_1288, %select_n3A_1280 : vector<128x128xi1>, vector<128x128xf32>
    %slice3A_1290 = vector.extract_strided_slice %dot_general3A_5 {offsets = [512, 2176], sizes = [128, 128], strides = [1, 1]} : vector<1024x4096xf32> to vector<128x128xf32>
    %sub3A_1291 = arith.constant 1.000000e+00 : f32
    %sub3A_1292 = vector.broadcast %sub3A_1291 : f32 to vector<128x128xf32>
    %sub3A_1293 = arith.subf %sub3A_1292, %slice3A_1290 : vector<128x128xf32>
    %lt3A_1294 = arith.cmpf olt, %sub3A_1293, %select_n3A_1286 : vector<128x128xf32>
    %select_n3A_1295 = arith.select %lt3A_1294, %sub3A_1293, %select_n3A_1286 : vector<128x128xi1>, vector<128x128xf32>
    %jit3A_1296 = arith.constant 1.700000e+01 : f32
    %broadcast_in_dim3A_1297 = vector.broadcast %jit3A_1296 : f32 to vector<128x128xf32>
    %select_n3A_1298 = arith.select %lt3A_1294, %broadcast_in_dim3A_1297, %select_n3A_1289 : vector<128x128xi1>, vector<128x128xf32>
    %slice3A_1299 = vector.extract_strided_slice %dot_general3A_5 {offsets = [512, 2304], sizes = [128, 128], strides = [1, 1]} : vector<1024x4096xf32> to vector<128x128xf32>
    %sub3A_1300 = arith.constant 1.000000e+00 : f32
    %sub3A_1301 = vector.broadcast %sub3A_1300 : f32 to vector<128x128xf32>
    %sub3A_1302 = arith.subf %sub3A_1301, %slice3A_1299 : vector<128x128xf32>
    %lt3A_1303 = arith.cmpf olt, %sub3A_1302, %select_n3A_1295 : vector<128x128xf32>
    %select_n3A_1304 = arith.select %lt3A_1303, %sub3A_1302, %select_n3A_1295 : vector<128x128xi1>, vector<128x128xf32>
    %jit3A_1305 = arith.constant 1.800000e+01 : f32
    %broadcast_in_dim3A_1306 = vector.broadcast %jit3A_1305 : f32 to vector<128x128xf32>
    %select_n3A_1307 = arith.select %lt3A_1303, %broadcast_in_dim3A_1306, %select_n3A_1298 : vector<128x128xi1>, vector<128x128xf32>
    %slice3A_1308 = vector.extract_strided_slice %dot_general3A_5 {offsets = [512, 2432], sizes = [128, 128], strides = [1, 1]} : vector<1024x4096xf32> to vector<128x128xf32>
    %sub3A_1309 = arith.constant 1.000000e+00 : f32
    %sub3A_1310 = vector.broadcast %sub3A_1309 : f32 to vector<128x128xf32>
    %sub3A_1311 = arith.subf %sub3A_1310, %slice3A_1308 : vector<128x128xf32>
    %lt3A_1312 = arith.cmpf olt, %sub3A_1311, %select_n3A_1304 : vector<128x128xf32>
    %select_n3A_1313 = arith.select %lt3A_1312, %sub3A_1311, %select_n3A_1304 : vector<128x128xi1>, vector<128x128xf32>
    %jit3A_1314 = arith.constant 1.900000e+01 : f32
    %broadcast_in_dim3A_1315 = vector.broadcast %jit3A_1314 : f32 to vector<128x128xf32>
    %select_n3A_1316 = arith.select %lt3A_1312, %broadcast_in_dim3A_1315, %select_n3A_1307 : vector<128x128xi1>, vector<128x128xf32>
    %slice3A_1317 = vector.extract_strided_slice %dot_general3A_5 {offsets = [512, 2560], sizes = [128, 128], strides = [1, 1]} : vector<1024x4096xf32> to vector<128x128xf32>
    %sub3A_1318 = arith.constant 1.000000e+00 : f32
    %sub3A_1319 = vector.broadcast %sub3A_1318 : f32 to vector<128x128xf32>
    %sub3A_1320 = arith.subf %sub3A_1319, %slice3A_1317 : vector<128x128xf32>
    %lt3A_1321 = arith.cmpf olt, %sub3A_1320, %select_n3A_1313 : vector<128x128xf32>
    %select_n3A_1322 = arith.select %lt3A_1321, %sub3A_1320, %select_n3A_1313 : vector<128x128xi1>, vector<128x128xf32>
    %jit3A_1323 = arith.constant 2.000000e+01 : f32
    %broadcast_in_dim3A_1324 = vector.broadcast %jit3A_1323 : f32 to vector<128x128xf32>
    %select_n3A_1325 = arith.select %lt3A_1321, %broadcast_in_dim3A_1324, %select_n3A_1316 : vector<128x128xi1>, vector<128x128xf32>
    %slice3A_1326 = vector.extract_strided_slice %dot_general3A_5 {offsets = [512, 2688], sizes = [128, 128], strides = [1, 1]} : vector<1024x4096xf32> to vector<128x128xf32>
    %sub3A_1327 = arith.constant 1.000000e+00 : f32
    %sub3A_1328 = vector.broadcast %sub3A_1327 : f32 to vector<128x128xf32>
    %sub3A_1329 = arith.subf %sub3A_1328, %slice3A_1326 : vector<128x128xf32>
    %lt3A_1330 = arith.cmpf olt, %sub3A_1329, %select_n3A_1322 : vector<128x128xf32>
    %select_n3A_1331 = arith.select %lt3A_1330, %sub3A_1329, %select_n3A_1322 : vector<128x128xi1>, vector<128x128xf32>
    %jit3A_1332 = arith.constant 2.100000e+01 : f32
    %broadcast_in_dim3A_1333 = vector.broadcast %jit3A_1332 : f32 to vector<128x128xf32>
    %select_n3A_1334 = arith.select %lt3A_1330, %broadcast_in_dim3A_1333, %select_n3A_1325 : vector<128x128xi1>, vector<128x128xf32>
    %slice3A_1335 = vector.extract_strided_slice %dot_general3A_5 {offsets = [512, 2816], sizes = [128, 128], strides = [1, 1]} : vector<1024x4096xf32> to vector<128x128xf32>
    %sub3A_1336 = arith.constant 1.000000e+00 : f32
    %sub3A_1337 = vector.broadcast %sub3A_1336 : f32 to vector<128x128xf32>
    %sub3A_1338 = arith.subf %sub3A_1337, %slice3A_1335 : vector<128x128xf32>
    %lt3A_1339 = arith.cmpf olt, %sub3A_1338, %select_n3A_1331 : vector<128x128xf32>
    %select_n3A_1340 = arith.select %lt3A_1339, %sub3A_1338, %select_n3A_1331 : vector<128x128xi1>, vector<128x128xf32>
    %jit3A_1341 = arith.constant 2.200000e+01 : f32
    %broadcast_in_dim3A_1342 = vector.broadcast %jit3A_1341 : f32 to vector<128x128xf32>
    %select_n3A_1343 = arith.select %lt3A_1339, %broadcast_in_dim3A_1342, %select_n3A_1334 : vector<128x128xi1>, vector<128x128xf32>
    %slice3A_1344 = vector.extract_strided_slice %dot_general3A_5 {offsets = [512, 2944], sizes = [128, 128], strides = [1, 1]} : vector<1024x4096xf32> to vector<128x128xf32>
    %sub3A_1345 = arith.constant 1.000000e+00 : f32
    %sub3A_1346 = vector.broadcast %sub3A_1345 : f32 to vector<128x128xf32>
    %sub3A_1347 = arith.subf %sub3A_1346, %slice3A_1344 : vector<128x128xf32>
    %lt3A_1348 = arith.cmpf olt, %sub3A_1347, %select_n3A_1340 : vector<128x128xf32>
    %select_n3A_1349 = arith.select %lt3A_1348, %sub3A_1347, %select_n3A_1340 : vector<128x128xi1>, vector<128x128xf32>
    %jit3A_1350 = arith.constant 2.300000e+01 : f32
    %broadcast_in_dim3A_1351 = vector.broadcast %jit3A_1350 : f32 to vector<128x128xf32>
    %select_n3A_1352 = arith.select %lt3A_1348, %broadcast_in_dim3A_1351, %select_n3A_1343 : vector<128x128xi1>, vector<128x128xf32>
    %slice3A_1353 = vector.extract_strided_slice %dot_general3A_5 {offsets = [512, 3072], sizes = [128, 128], strides = [1, 1]} : vector<1024x4096xf32> to vector<128x128xf32>
    %sub3A_1354 = arith.constant 1.000000e+00 : f32
    %sub3A_1355 = vector.broadcast %sub3A_1354 : f32 to vector<128x128xf32>
    %sub3A_1356 = arith.subf %sub3A_1355, %slice3A_1353 : vector<128x128xf32>
    %lt3A_1357 = arith.cmpf olt, %sub3A_1356, %select_n3A_1349 : vector<128x128xf32>
    %select_n3A_1358 = arith.select %lt3A_1357, %sub3A_1356, %select_n3A_1349 : vector<128x128xi1>, vector<128x128xf32>
    %jit3A_1359 = arith.constant 2.400000e+01 : f32
    %broadcast_in_dim3A_1360 = vector.broadcast %jit3A_1359 : f32 to vector<128x128xf32>
    %select_n3A_1361 = arith.select %lt3A_1357, %broadcast_in_dim3A_1360, %select_n3A_1352 : vector<128x128xi1>, vector<128x128xf32>
    %slice3A_1362 = vector.extract_strided_slice %dot_general3A_5 {offsets = [512, 3200], sizes = [128, 128], strides = [1, 1]} : vector<1024x4096xf32> to vector<128x128xf32>
    %sub3A_1363 = arith.constant 1.000000e+00 : f32
    %sub3A_1364 = vector.broadcast %sub3A_1363 : f32 to vector<128x128xf32>
    %sub3A_1365 = arith.subf %sub3A_1364, %slice3A_1362 : vector<128x128xf32>
    %lt3A_1366 = arith.cmpf olt, %sub3A_1365, %select_n3A_1358 : vector<128x128xf32>
    %select_n3A_1367 = arith.select %lt3A_1366, %sub3A_1365, %select_n3A_1358 : vector<128x128xi1>, vector<128x128xf32>
    %jit3A_1368 = arith.constant 2.500000e+01 : f32
    %broadcast_in_dim3A_1369 = vector.broadcast %jit3A_1368 : f32 to vector<128x128xf32>
    %select_n3A_1370 = arith.select %lt3A_1366, %broadcast_in_dim3A_1369, %select_n3A_1361 : vector<128x128xi1>, vector<128x128xf32>
    %slice3A_1371 = vector.extract_strided_slice %dot_general3A_5 {offsets = [512, 3328], sizes = [128, 128], strides = [1, 1]} : vector<1024x4096xf32> to vector<128x128xf32>
    %sub3A_1372 = arith.constant 1.000000e+00 : f32
    %sub3A_1373 = vector.broadcast %sub3A_1372 : f32 to vector<128x128xf32>
    %sub3A_1374 = arith.subf %sub3A_1373, %slice3A_1371 : vector<128x128xf32>
    %lt3A_1375 = arith.cmpf olt, %sub3A_1374, %select_n3A_1367 : vector<128x128xf32>
    %select_n3A_1376 = arith.select %lt3A_1375, %sub3A_1374, %select_n3A_1367 : vector<128x128xi1>, vector<128x128xf32>
    %jit3A_1377 = arith.constant 2.600000e+01 : f32
    %broadcast_in_dim3A_1378 = vector.broadcast %jit3A_1377 : f32 to vector<128x128xf32>
    %select_n3A_1379 = arith.select %lt3A_1375, %broadcast_in_dim3A_1378, %select_n3A_1370 : vector<128x128xi1>, vector<128x128xf32>
    %slice3A_1380 = vector.extract_strided_slice %dot_general3A_5 {offsets = [512, 3456], sizes = [128, 128], strides = [1, 1]} : vector<1024x4096xf32> to vector<128x128xf32>
    %sub3A_1381 = arith.constant 1.000000e+00 : f32
    %sub3A_1382 = vector.broadcast %sub3A_1381 : f32 to vector<128x128xf32>
    %sub3A_1383 = arith.subf %sub3A_1382, %slice3A_1380 : vector<128x128xf32>
    %lt3A_1384 = arith.cmpf olt, %sub3A_1383, %select_n3A_1376 : vector<128x128xf32>
    %select_n3A_1385 = arith.select %lt3A_1384, %sub3A_1383, %select_n3A_1376 : vector<128x128xi1>, vector<128x128xf32>
    %jit3A_1386 = arith.constant 2.700000e+01 : f32
    %broadcast_in_dim3A_1387 = vector.broadcast %jit3A_1386 : f32 to vector<128x128xf32>
    %select_n3A_1388 = arith.select %lt3A_1384, %broadcast_in_dim3A_1387, %select_n3A_1379 : vector<128x128xi1>, vector<128x128xf32>
    %slice3A_1389 = vector.extract_strided_slice %dot_general3A_5 {offsets = [512, 3584], sizes = [128, 128], strides = [1, 1]} : vector<1024x4096xf32> to vector<128x128xf32>
    %sub3A_1390 = arith.constant 1.000000e+00 : f32
    %sub3A_1391 = vector.broadcast %sub3A_1390 : f32 to vector<128x128xf32>
    %sub3A_1392 = arith.subf %sub3A_1391, %slice3A_1389 : vector<128x128xf32>
    %lt3A_1393 = arith.cmpf olt, %sub3A_1392, %select_n3A_1385 : vector<128x128xf32>
    %select_n3A_1394 = arith.select %lt3A_1393, %sub3A_1392, %select_n3A_1385 : vector<128x128xi1>, vector<128x128xf32>
    %jit3A_1395 = arith.constant 2.800000e+01 : f32
    %broadcast_in_dim3A_1396 = vector.broadcast %jit3A_1395 : f32 to vector<128x128xf32>
    %select_n3A_1397 = arith.select %lt3A_1393, %broadcast_in_dim3A_1396, %select_n3A_1388 : vector<128x128xi1>, vector<128x128xf32>
    %slice3A_1398 = vector.extract_strided_slice %dot_general3A_5 {offsets = [512, 3712], sizes = [128, 128], strides = [1, 1]} : vector<1024x4096xf32> to vector<128x128xf32>
    %sub3A_1399 = arith.constant 1.000000e+00 : f32
    %sub3A_1400 = vector.broadcast %sub3A_1399 : f32 to vector<128x128xf32>
    %sub3A_1401 = arith.subf %sub3A_1400, %slice3A_1398 : vector<128x128xf32>
    %lt3A_1402 = arith.cmpf olt, %sub3A_1401, %select_n3A_1394 : vector<128x128xf32>
    %select_n3A_1403 = arith.select %lt3A_1402, %sub3A_1401, %select_n3A_1394 : vector<128x128xi1>, vector<128x128xf32>
    %jit3A_1404 = arith.constant 2.900000e+01 : f32
    %broadcast_in_dim3A_1405 = vector.broadcast %jit3A_1404 : f32 to vector<128x128xf32>
    %select_n3A_1406 = arith.select %lt3A_1402, %broadcast_in_dim3A_1405, %select_n3A_1397 : vector<128x128xi1>, vector<128x128xf32>
    %slice3A_1407 = vector.extract_strided_slice %dot_general3A_5 {offsets = [512, 3840], sizes = [128, 128], strides = [1, 1]} : vector<1024x4096xf32> to vector<128x128xf32>
    %sub3A_1408 = arith.constant 1.000000e+00 : f32
    %sub3A_1409 = vector.broadcast %sub3A_1408 : f32 to vector<128x128xf32>
    %sub3A_1410 = arith.subf %sub3A_1409, %slice3A_1407 : vector<128x128xf32>
    %lt3A_1411 = arith.cmpf olt, %sub3A_1410, %select_n3A_1403 : vector<128x128xf32>
    %select_n3A_1412 = arith.select %lt3A_1411, %sub3A_1410, %select_n3A_1403 : vector<128x128xi1>, vector<128x128xf32>
    %jit3A_1413 = arith.constant 3.000000e+01 : f32
    %broadcast_in_dim3A_1414 = vector.broadcast %jit3A_1413 : f32 to vector<128x128xf32>
    %select_n3A_1415 = arith.select %lt3A_1411, %broadcast_in_dim3A_1414, %select_n3A_1406 : vector<128x128xi1>, vector<128x128xf32>
    %slice3A_1416 = vector.extract_strided_slice %dot_general3A_5 {offsets = [512, 3968], sizes = [128, 128], strides = [1, 1]} : vector<1024x4096xf32> to vector<128x128xf32>
    %sub3A_1417 = arith.constant 1.000000e+00 : f32
    %sub3A_1418 = vector.broadcast %sub3A_1417 : f32 to vector<128x128xf32>
    %sub3A_1419 = arith.subf %sub3A_1418, %slice3A_1416 : vector<128x128xf32>
    %lt3A_1420 = arith.cmpf olt, %sub3A_1419, %select_n3A_1412 : vector<128x128xf32>
    %select_n3A_1421 = arith.select %lt3A_1420, %sub3A_1419, %select_n3A_1412 : vector<128x128xi1>, vector<128x128xf32>
    %jit3A_1422 = arith.constant 3.100000e+01 : f32
    %broadcast_in_dim3A_1423 = vector.broadcast %jit3A_1422 : f32 to vector<128x128xf32>
    %select_n3A_1424 = arith.select %lt3A_1420, %broadcast_in_dim3A_1423, %select_n3A_1415 : vector<128x128xi1>, vector<128x128xf32>
    %slice3A_1425 = vector.extract_strided_slice %dot_general3A_5 {offsets = [640, 0], sizes = [128, 128], strides = [1, 1]} : vector<1024x4096xf32> to vector<128x128xf32>
    %sub3A_1426 = arith.constant 1.000000e+00 : f32
    %sub3A_1427 = vector.broadcast %sub3A_1426 : f32 to vector<128x128xf32>
    %sub3A_1428 = arith.subf %sub3A_1427, %slice3A_1425 : vector<128x128xf32>
    %broadcast_in_dim3A_1429 = arith.constant 0.000000e+00 : f32
    %broadcast_in_dim3A_1430 = vector.broadcast %broadcast_in_dim3A_1429 : f32 to vector<128x128xf32>
    %slice3A_1431 = vector.extract_strided_slice %dot_general3A_5 {offsets = [640, 128], sizes = [128, 128], strides = [1, 1]} : vector<1024x4096xf32> to vector<128x128xf32>
    %sub3A_1432 = arith.constant 1.000000e+00 : f32
    %sub3A_1433 = vector.broadcast %sub3A_1432 : f32 to vector<128x128xf32>
    %sub3A_1434 = arith.subf %sub3A_1433, %slice3A_1431 : vector<128x128xf32>
    %lt3A_1435 = arith.cmpf olt, %sub3A_1434, %sub3A_1428 : vector<128x128xf32>
    %select_n3A_1436 = arith.select %lt3A_1435, %sub3A_1434, %sub3A_1428 : vector<128x128xi1>, vector<128x128xf32>
    %jit3A_1437 = arith.constant 1.000000e+00 : f32
    %broadcast_in_dim3A_1438 = vector.broadcast %jit3A_1437 : f32 to vector<128x128xf32>
    %select_n3A_1439 = arith.select %lt3A_1435, %broadcast_in_dim3A_1438, %broadcast_in_dim3A_1430 : vector<128x128xi1>, vector<128x128xf32>
    %slice3A_1440 = vector.extract_strided_slice %dot_general3A_5 {offsets = [640, 256], sizes = [128, 128], strides = [1, 1]} : vector<1024x4096xf32> to vector<128x128xf32>
    %sub3A_1441 = arith.constant 1.000000e+00 : f32
    %sub3A_1442 = vector.broadcast %sub3A_1441 : f32 to vector<128x128xf32>
    %sub3A_1443 = arith.subf %sub3A_1442, %slice3A_1440 : vector<128x128xf32>
    %lt3A_1444 = arith.cmpf olt, %sub3A_1443, %select_n3A_1436 : vector<128x128xf32>
    %select_n3A_1445 = arith.select %lt3A_1444, %sub3A_1443, %select_n3A_1436 : vector<128x128xi1>, vector<128x128xf32>
    %jit3A_1446 = arith.constant 2.000000e+00 : f32
    %broadcast_in_dim3A_1447 = vector.broadcast %jit3A_1446 : f32 to vector<128x128xf32>
    %select_n3A_1448 = arith.select %lt3A_1444, %broadcast_in_dim3A_1447, %select_n3A_1439 : vector<128x128xi1>, vector<128x128xf32>
    %slice3A_1449 = vector.extract_strided_slice %dot_general3A_5 {offsets = [640, 384], sizes = [128, 128], strides = [1, 1]} : vector<1024x4096xf32> to vector<128x128xf32>
    %sub3A_1450 = arith.constant 1.000000e+00 : f32
    %sub3A_1451 = vector.broadcast %sub3A_1450 : f32 to vector<128x128xf32>
    %sub3A_1452 = arith.subf %sub3A_1451, %slice3A_1449 : vector<128x128xf32>
    %lt3A_1453 = arith.cmpf olt, %sub3A_1452, %select_n3A_1445 : vector<128x128xf32>
    %select_n3A_1454 = arith.select %lt3A_1453, %sub3A_1452, %select_n3A_1445 : vector<128x128xi1>, vector<128x128xf32>
    %jit3A_1455 = arith.constant 3.000000e+00 : f32
    %broadcast_in_dim3A_1456 = vector.broadcast %jit3A_1455 : f32 to vector<128x128xf32>
    %select_n3A_1457 = arith.select %lt3A_1453, %broadcast_in_dim3A_1456, %select_n3A_1448 : vector<128x128xi1>, vector<128x128xf32>
    %slice3A_1458 = vector.extract_strided_slice %dot_general3A_5 {offsets = [640, 512], sizes = [128, 128], strides = [1, 1]} : vector<1024x4096xf32> to vector<128x128xf32>
    %sub3A_1459 = arith.constant 1.000000e+00 : f32
    %sub3A_1460 = vector.broadcast %sub3A_1459 : f32 to vector<128x128xf32>
    %sub3A_1461 = arith.subf %sub3A_1460, %slice3A_1458 : vector<128x128xf32>
    %lt3A_1462 = arith.cmpf olt, %sub3A_1461, %select_n3A_1454 : vector<128x128xf32>
    %select_n3A_1463 = arith.select %lt3A_1462, %sub3A_1461, %select_n3A_1454 : vector<128x128xi1>, vector<128x128xf32>
    %jit3A_1464 = arith.constant 4.000000e+00 : f32
    %broadcast_in_dim3A_1465 = vector.broadcast %jit3A_1464 : f32 to vector<128x128xf32>
    %select_n3A_1466 = arith.select %lt3A_1462, %broadcast_in_dim3A_1465, %select_n3A_1457 : vector<128x128xi1>, vector<128x128xf32>
    %slice3A_1467 = vector.extract_strided_slice %dot_general3A_5 {offsets = [640, 640], sizes = [128, 128], strides = [1, 1]} : vector<1024x4096xf32> to vector<128x128xf32>
    %sub3A_1468 = arith.constant 1.000000e+00 : f32
    %sub3A_1469 = vector.broadcast %sub3A_1468 : f32 to vector<128x128xf32>
    %sub3A_1470 = arith.subf %sub3A_1469, %slice3A_1467 : vector<128x128xf32>
    %lt3A_1471 = arith.cmpf olt, %sub3A_1470, %select_n3A_1463 : vector<128x128xf32>
    %select_n3A_1472 = arith.select %lt3A_1471, %sub3A_1470, %select_n3A_1463 : vector<128x128xi1>, vector<128x128xf32>
    %jit3A_1473 = arith.constant 5.000000e+00 : f32
    %broadcast_in_dim3A_1474 = vector.broadcast %jit3A_1473 : f32 to vector<128x128xf32>
    %select_n3A_1475 = arith.select %lt3A_1471, %broadcast_in_dim3A_1474, %select_n3A_1466 : vector<128x128xi1>, vector<128x128xf32>
    %slice3A_1476 = vector.extract_strided_slice %dot_general3A_5 {offsets = [640, 768], sizes = [128, 128], strides = [1, 1]} : vector<1024x4096xf32> to vector<128x128xf32>
    %sub3A_1477 = arith.constant 1.000000e+00 : f32
    %sub3A_1478 = vector.broadcast %sub3A_1477 : f32 to vector<128x128xf32>
    %sub3A_1479 = arith.subf %sub3A_1478, %slice3A_1476 : vector<128x128xf32>
    %lt3A_1480 = arith.cmpf olt, %sub3A_1479, %select_n3A_1472 : vector<128x128xf32>
    %select_n3A_1481 = arith.select %lt3A_1480, %sub3A_1479, %select_n3A_1472 : vector<128x128xi1>, vector<128x128xf32>
    %jit3A_1482 = arith.constant 6.000000e+00 : f32
    %broadcast_in_dim3A_1483 = vector.broadcast %jit3A_1482 : f32 to vector<128x128xf32>
    %select_n3A_1484 = arith.select %lt3A_1480, %broadcast_in_dim3A_1483, %select_n3A_1475 : vector<128x128xi1>, vector<128x128xf32>
    %slice3A_1485 = vector.extract_strided_slice %dot_general3A_5 {offsets = [640, 896], sizes = [128, 128], strides = [1, 1]} : vector<1024x4096xf32> to vector<128x128xf32>
    %sub3A_1486 = arith.constant 1.000000e+00 : f32
    %sub3A_1487 = vector.broadcast %sub3A_1486 : f32 to vector<128x128xf32>
    %sub3A_1488 = arith.subf %sub3A_1487, %slice3A_1485 : vector<128x128xf32>
    %lt3A_1489 = arith.cmpf olt, %sub3A_1488, %select_n3A_1481 : vector<128x128xf32>
    %select_n3A_1490 = arith.select %lt3A_1489, %sub3A_1488, %select_n3A_1481 : vector<128x128xi1>, vector<128x128xf32>
    %jit3A_1491 = arith.constant 7.000000e+00 : f32
    %broadcast_in_dim3A_1492 = vector.broadcast %jit3A_1491 : f32 to vector<128x128xf32>
    %select_n3A_1493 = arith.select %lt3A_1489, %broadcast_in_dim3A_1492, %select_n3A_1484 : vector<128x128xi1>, vector<128x128xf32>
    %slice3A_1494 = vector.extract_strided_slice %dot_general3A_5 {offsets = [640, 1024], sizes = [128, 128], strides = [1, 1]} : vector<1024x4096xf32> to vector<128x128xf32>
    %sub3A_1495 = arith.constant 1.000000e+00 : f32
    %sub3A_1496 = vector.broadcast %sub3A_1495 : f32 to vector<128x128xf32>
    %sub3A_1497 = arith.subf %sub3A_1496, %slice3A_1494 : vector<128x128xf32>
    %lt3A_1498 = arith.cmpf olt, %sub3A_1497, %select_n3A_1490 : vector<128x128xf32>
    %select_n3A_1499 = arith.select %lt3A_1498, %sub3A_1497, %select_n3A_1490 : vector<128x128xi1>, vector<128x128xf32>
    %jit3A_1500 = arith.constant 8.000000e+00 : f32
    %broadcast_in_dim3A_1501 = vector.broadcast %jit3A_1500 : f32 to vector<128x128xf32>
    %select_n3A_1502 = arith.select %lt3A_1498, %broadcast_in_dim3A_1501, %select_n3A_1493 : vector<128x128xi1>, vector<128x128xf32>
    %slice3A_1503 = vector.extract_strided_slice %dot_general3A_5 {offsets = [640, 1152], sizes = [128, 128], strides = [1, 1]} : vector<1024x4096xf32> to vector<128x128xf32>
    %sub3A_1504 = arith.constant 1.000000e+00 : f32
    %sub3A_1505 = vector.broadcast %sub3A_1504 : f32 to vector<128x128xf32>
    %sub3A_1506 = arith.subf %sub3A_1505, %slice3A_1503 : vector<128x128xf32>
    %lt3A_1507 = arith.cmpf olt, %sub3A_1506, %select_n3A_1499 : vector<128x128xf32>
    %select_n3A_1508 = arith.select %lt3A_1507, %sub3A_1506, %select_n3A_1499 : vector<128x128xi1>, vector<128x128xf32>
    %jit3A_1509 = arith.constant 9.000000e+00 : f32
    %broadcast_in_dim3A_1510 = vector.broadcast %jit3A_1509 : f32 to vector<128x128xf32>
    %select_n3A_1511 = arith.select %lt3A_1507, %broadcast_in_dim3A_1510, %select_n3A_1502 : vector<128x128xi1>, vector<128x128xf32>
    %slice3A_1512 = vector.extract_strided_slice %dot_general3A_5 {offsets = [640, 1280], sizes = [128, 128], strides = [1, 1]} : vector<1024x4096xf32> to vector<128x128xf32>
    %sub3A_1513 = arith.constant 1.000000e+00 : f32
    %sub3A_1514 = vector.broadcast %sub3A_1513 : f32 to vector<128x128xf32>
    %sub3A_1515 = arith.subf %sub3A_1514, %slice3A_1512 : vector<128x128xf32>
    %lt3A_1516 = arith.cmpf olt, %sub3A_1515, %select_n3A_1508 : vector<128x128xf32>
    %select_n3A_1517 = arith.select %lt3A_1516, %sub3A_1515, %select_n3A_1508 : vector<128x128xi1>, vector<128x128xf32>
    %jit3A_1518 = arith.constant 1.000000e+01 : f32
    %broadcast_in_dim3A_1519 = vector.broadcast %jit3A_1518 : f32 to vector<128x128xf32>
    %select_n3A_1520 = arith.select %lt3A_1516, %broadcast_in_dim3A_1519, %select_n3A_1511 : vector<128x128xi1>, vector<128x128xf32>
    %slice3A_1521 = vector.extract_strided_slice %dot_general3A_5 {offsets = [640, 1408], sizes = [128, 128], strides = [1, 1]} : vector<1024x4096xf32> to vector<128x128xf32>
    %sub3A_1522 = arith.constant 1.000000e+00 : f32
    %sub3A_1523 = vector.broadcast %sub3A_1522 : f32 to vector<128x128xf32>
    %sub3A_1524 = arith.subf %sub3A_1523, %slice3A_1521 : vector<128x128xf32>
    %lt3A_1525 = arith.cmpf olt, %sub3A_1524, %select_n3A_1517 : vector<128x128xf32>
    %select_n3A_1526 = arith.select %lt3A_1525, %sub3A_1524, %select_n3A_1517 : vector<128x128xi1>, vector<128x128xf32>
    %jit3A_1527 = arith.constant 1.100000e+01 : f32
    %broadcast_in_dim3A_1528 = vector.broadcast %jit3A_1527 : f32 to vector<128x128xf32>
    %select_n3A_1529 = arith.select %lt3A_1525, %broadcast_in_dim3A_1528, %select_n3A_1520 : vector<128x128xi1>, vector<128x128xf32>
    %slice3A_1530 = vector.extract_strided_slice %dot_general3A_5 {offsets = [640, 1536], sizes = [128, 128], strides = [1, 1]} : vector<1024x4096xf32> to vector<128x128xf32>
    %sub3A_1531 = arith.constant 1.000000e+00 : f32
    %sub3A_1532 = vector.broadcast %sub3A_1531 : f32 to vector<128x128xf32>
    %sub3A_1533 = arith.subf %sub3A_1532, %slice3A_1530 : vector<128x128xf32>
    %lt3A_1534 = arith.cmpf olt, %sub3A_1533, %select_n3A_1526 : vector<128x128xf32>
    %select_n3A_1535 = arith.select %lt3A_1534, %sub3A_1533, %select_n3A_1526 : vector<128x128xi1>, vector<128x128xf32>
    %jit3A_1536 = arith.constant 1.200000e+01 : f32
    %broadcast_in_dim3A_1537 = vector.broadcast %jit3A_1536 : f32 to vector<128x128xf32>
    %select_n3A_1538 = arith.select %lt3A_1534, %broadcast_in_dim3A_1537, %select_n3A_1529 : vector<128x128xi1>, vector<128x128xf32>
    %slice3A_1539 = vector.extract_strided_slice %dot_general3A_5 {offsets = [640, 1664], sizes = [128, 128], strides = [1, 1]} : vector<1024x4096xf32> to vector<128x128xf32>
    %sub3A_1540 = arith.constant 1.000000e+00 : f32
    %sub3A_1541 = vector.broadcast %sub3A_1540 : f32 to vector<128x128xf32>
    %sub3A_1542 = arith.subf %sub3A_1541, %slice3A_1539 : vector<128x128xf32>
    %lt3A_1543 = arith.cmpf olt, %sub3A_1542, %select_n3A_1535 : vector<128x128xf32>
    %select_n3A_1544 = arith.select %lt3A_1543, %sub3A_1542, %select_n3A_1535 : vector<128x128xi1>, vector<128x128xf32>
    %jit3A_1545 = arith.constant 1.300000e+01 : f32
    %broadcast_in_dim3A_1546 = vector.broadcast %jit3A_1545 : f32 to vector<128x128xf32>
    %select_n3A_1547 = arith.select %lt3A_1543, %broadcast_in_dim3A_1546, %select_n3A_1538 : vector<128x128xi1>, vector<128x128xf32>
    %slice3A_1548 = vector.extract_strided_slice %dot_general3A_5 {offsets = [640, 1792], sizes = [128, 128], strides = [1, 1]} : vector<1024x4096xf32> to vector<128x128xf32>
    %sub3A_1549 = arith.constant 1.000000e+00 : f32
    %sub3A_1550 = vector.broadcast %sub3A_1549 : f32 to vector<128x128xf32>
    %sub3A_1551 = arith.subf %sub3A_1550, %slice3A_1548 : vector<128x128xf32>
    %lt3A_1552 = arith.cmpf olt, %sub3A_1551, %select_n3A_1544 : vector<128x128xf32>
    %select_n3A_1553 = arith.select %lt3A_1552, %sub3A_1551, %select_n3A_1544 : vector<128x128xi1>, vector<128x128xf32>
    %jit3A_1554 = arith.constant 1.400000e+01 : f32
    %broadcast_in_dim3A_1555 = vector.broadcast %jit3A_1554 : f32 to vector<128x128xf32>
    %select_n3A_1556 = arith.select %lt3A_1552, %broadcast_in_dim3A_1555, %select_n3A_1547 : vector<128x128xi1>, vector<128x128xf32>
    %slice3A_1557 = vector.extract_strided_slice %dot_general3A_5 {offsets = [640, 1920], sizes = [128, 128], strides = [1, 1]} : vector<1024x4096xf32> to vector<128x128xf32>
    %sub3A_1558 = arith.constant 1.000000e+00 : f32
    %sub3A_1559 = vector.broadcast %sub3A_1558 : f32 to vector<128x128xf32>
    %sub3A_1560 = arith.subf %sub3A_1559, %slice3A_1557 : vector<128x128xf32>
    %lt3A_1561 = arith.cmpf olt, %sub3A_1560, %select_n3A_1553 : vector<128x128xf32>
    %select_n3A_1562 = arith.select %lt3A_1561, %sub3A_1560, %select_n3A_1553 : vector<128x128xi1>, vector<128x128xf32>
    %jit3A_1563 = arith.constant 1.500000e+01 : f32
    %broadcast_in_dim3A_1564 = vector.broadcast %jit3A_1563 : f32 to vector<128x128xf32>
    %select_n3A_1565 = arith.select %lt3A_1561, %broadcast_in_dim3A_1564, %select_n3A_1556 : vector<128x128xi1>, vector<128x128xf32>
    %slice3A_1566 = vector.extract_strided_slice %dot_general3A_5 {offsets = [640, 2048], sizes = [128, 128], strides = [1, 1]} : vector<1024x4096xf32> to vector<128x128xf32>
    %sub3A_1567 = arith.constant 1.000000e+00 : f32
    %sub3A_1568 = vector.broadcast %sub3A_1567 : f32 to vector<128x128xf32>
    %sub3A_1569 = arith.subf %sub3A_1568, %slice3A_1566 : vector<128x128xf32>
    %lt3A_1570 = arith.cmpf olt, %sub3A_1569, %select_n3A_1562 : vector<128x128xf32>
    %select_n3A_1571 = arith.select %lt3A_1570, %sub3A_1569, %select_n3A_1562 : vector<128x128xi1>, vector<128x128xf32>
    %jit3A_1572 = arith.constant 1.600000e+01 : f32
    %broadcast_in_dim3A_1573 = vector.broadcast %jit3A_1572 : f32 to vector<128x128xf32>
    %select_n3A_1574 = arith.select %lt3A_1570, %broadcast_in_dim3A_1573, %select_n3A_1565 : vector<128x128xi1>, vector<128x128xf32>
    %slice3A_1575 = vector.extract_strided_slice %dot_general3A_5 {offsets = [640, 2176], sizes = [128, 128], strides = [1, 1]} : vector<1024x4096xf32> to vector<128x128xf32>
    %sub3A_1576 = arith.constant 1.000000e+00 : f32
    %sub3A_1577 = vector.broadcast %sub3A_1576 : f32 to vector<128x128xf32>
    %sub3A_1578 = arith.subf %sub3A_1577, %slice3A_1575 : vector<128x128xf32>
    %lt3A_1579 = arith.cmpf olt, %sub3A_1578, %select_n3A_1571 : vector<128x128xf32>
    %select_n3A_1580 = arith.select %lt3A_1579, %sub3A_1578, %select_n3A_1571 : vector<128x128xi1>, vector<128x128xf32>
    %jit3A_1581 = arith.constant 1.700000e+01 : f32
    %broadcast_in_dim3A_1582 = vector.broadcast %jit3A_1581 : f32 to vector<128x128xf32>
    %select_n3A_1583 = arith.select %lt3A_1579, %broadcast_in_dim3A_1582, %select_n3A_1574 : vector<128x128xi1>, vector<128x128xf32>
    %slice3A_1584 = vector.extract_strided_slice %dot_general3A_5 {offsets = [640, 2304], sizes = [128, 128], strides = [1, 1]} : vector<1024x4096xf32> to vector<128x128xf32>
    %sub3A_1585 = arith.constant 1.000000e+00 : f32
    %sub3A_1586 = vector.broadcast %sub3A_1585 : f32 to vector<128x128xf32>
    %sub3A_1587 = arith.subf %sub3A_1586, %slice3A_1584 : vector<128x128xf32>
    %lt3A_1588 = arith.cmpf olt, %sub3A_1587, %select_n3A_1580 : vector<128x128xf32>
    %select_n3A_1589 = arith.select %lt3A_1588, %sub3A_1587, %select_n3A_1580 : vector<128x128xi1>, vector<128x128xf32>
    %jit3A_1590 = arith.constant 1.800000e+01 : f32
    %broadcast_in_dim3A_1591 = vector.broadcast %jit3A_1590 : f32 to vector<128x128xf32>
    %select_n3A_1592 = arith.select %lt3A_1588, %broadcast_in_dim3A_1591, %select_n3A_1583 : vector<128x128xi1>, vector<128x128xf32>
    %slice3A_1593 = vector.extract_strided_slice %dot_general3A_5 {offsets = [640, 2432], sizes = [128, 128], strides = [1, 1]} : vector<1024x4096xf32> to vector<128x128xf32>
    %sub3A_1594 = arith.constant 1.000000e+00 : f32
    %sub3A_1595 = vector.broadcast %sub3A_1594 : f32 to vector<128x128xf32>
    %sub3A_1596 = arith.subf %sub3A_1595, %slice3A_1593 : vector<128x128xf32>
    %lt3A_1597 = arith.cmpf olt, %sub3A_1596, %select_n3A_1589 : vector<128x128xf32>
    %select_n3A_1598 = arith.select %lt3A_1597, %sub3A_1596, %select_n3A_1589 : vector<128x128xi1>, vector<128x128xf32>
    %jit3A_1599 = arith.constant 1.900000e+01 : f32
    %broadcast_in_dim3A_1600 = vector.broadcast %jit3A_1599 : f32 to vector<128x128xf32>
    %select_n3A_1601 = arith.select %lt3A_1597, %broadcast_in_dim3A_1600, %select_n3A_1592 : vector<128x128xi1>, vector<128x128xf32>
    %slice3A_1602 = vector.extract_strided_slice %dot_general3A_5 {offsets = [640, 2560], sizes = [128, 128], strides = [1, 1]} : vector<1024x4096xf32> to vector<128x128xf32>
    %sub3A_1603 = arith.constant 1.000000e+00 : f32
    %sub3A_1604 = vector.broadcast %sub3A_1603 : f32 to vector<128x128xf32>
    %sub3A_1605 = arith.subf %sub3A_1604, %slice3A_1602 : vector<128x128xf32>
    %lt3A_1606 = arith.cmpf olt, %sub3A_1605, %select_n3A_1598 : vector<128x128xf32>
    %select_n3A_1607 = arith.select %lt3A_1606, %sub3A_1605, %select_n3A_1598 : vector<128x128xi1>, vector<128x128xf32>
    %jit3A_1608 = arith.constant 2.000000e+01 : f32
    %broadcast_in_dim3A_1609 = vector.broadcast %jit3A_1608 : f32 to vector<128x128xf32>
    %select_n3A_1610 = arith.select %lt3A_1606, %broadcast_in_dim3A_1609, %select_n3A_1601 : vector<128x128xi1>, vector<128x128xf32>
    %slice3A_1611 = vector.extract_strided_slice %dot_general3A_5 {offsets = [640, 2688], sizes = [128, 128], strides = [1, 1]} : vector<1024x4096xf32> to vector<128x128xf32>
    %sub3A_1612 = arith.constant 1.000000e+00 : f32
    %sub3A_1613 = vector.broadcast %sub3A_1612 : f32 to vector<128x128xf32>
    %sub3A_1614 = arith.subf %sub3A_1613, %slice3A_1611 : vector<128x128xf32>
    %lt3A_1615 = arith.cmpf olt, %sub3A_1614, %select_n3A_1607 : vector<128x128xf32>
    %select_n3A_1616 = arith.select %lt3A_1615, %sub3A_1614, %select_n3A_1607 : vector<128x128xi1>, vector<128x128xf32>
    %jit3A_1617 = arith.constant 2.100000e+01 : f32
    %broadcast_in_dim3A_1618 = vector.broadcast %jit3A_1617 : f32 to vector<128x128xf32>
    %select_n3A_1619 = arith.select %lt3A_1615, %broadcast_in_dim3A_1618, %select_n3A_1610 : vector<128x128xi1>, vector<128x128xf32>
    %slice3A_1620 = vector.extract_strided_slice %dot_general3A_5 {offsets = [640, 2816], sizes = [128, 128], strides = [1, 1]} : vector<1024x4096xf32> to vector<128x128xf32>
    %sub3A_1621 = arith.constant 1.000000e+00 : f32
    %sub3A_1622 = vector.broadcast %sub3A_1621 : f32 to vector<128x128xf32>
    %sub3A_1623 = arith.subf %sub3A_1622, %slice3A_1620 : vector<128x128xf32>
    %lt3A_1624 = arith.cmpf olt, %sub3A_1623, %select_n3A_1616 : vector<128x128xf32>
    %select_n3A_1625 = arith.select %lt3A_1624, %sub3A_1623, %select_n3A_1616 : vector<128x128xi1>, vector<128x128xf32>
    %jit3A_1626 = arith.constant 2.200000e+01 : f32
    %broadcast_in_dim3A_1627 = vector.broadcast %jit3A_1626 : f32 to vector<128x128xf32>
    %select_n3A_1628 = arith.select %lt3A_1624, %broadcast_in_dim3A_1627, %select_n3A_1619 : vector<128x128xi1>, vector<128x128xf32>
    %slice3A_1629 = vector.extract_strided_slice %dot_general3A_5 {offsets = [640, 2944], sizes = [128, 128], strides = [1, 1]} : vector<1024x4096xf32> to vector<128x128xf32>
    %sub3A_1630 = arith.constant 1.000000e+00 : f32
    %sub3A_1631 = vector.broadcast %sub3A_1630 : f32 to vector<128x128xf32>
    %sub3A_1632 = arith.subf %sub3A_1631, %slice3A_1629 : vector<128x128xf32>
    %lt3A_1633 = arith.cmpf olt, %sub3A_1632, %select_n3A_1625 : vector<128x128xf32>
    %select_n3A_1634 = arith.select %lt3A_1633, %sub3A_1632, %select_n3A_1625 : vector<128x128xi1>, vector<128x128xf32>
    %jit3A_1635 = arith.constant 2.300000e+01 : f32
    %broadcast_in_dim3A_1636 = vector.broadcast %jit3A_1635 : f32 to vector<128x128xf32>
    %select_n3A_1637 = arith.select %lt3A_1633, %broadcast_in_dim3A_1636, %select_n3A_1628 : vector<128x128xi1>, vector<128x128xf32>
    %slice3A_1638 = vector.extract_strided_slice %dot_general3A_5 {offsets = [640, 3072], sizes = [128, 128], strides = [1, 1]} : vector<1024x4096xf32> to vector<128x128xf32>
    %sub3A_1639 = arith.constant 1.000000e+00 : f32
    %sub3A_1640 = vector.broadcast %sub3A_1639 : f32 to vector<128x128xf32>
    %sub3A_1641 = arith.subf %sub3A_1640, %slice3A_1638 : vector<128x128xf32>
    %lt3A_1642 = arith.cmpf olt, %sub3A_1641, %select_n3A_1634 : vector<128x128xf32>
    %select_n3A_1643 = arith.select %lt3A_1642, %sub3A_1641, %select_n3A_1634 : vector<128x128xi1>, vector<128x128xf32>
    %jit3A_1644 = arith.constant 2.400000e+01 : f32
    %broadcast_in_dim3A_1645 = vector.broadcast %jit3A_1644 : f32 to vector<128x128xf32>
    %select_n3A_1646 = arith.select %lt3A_1642, %broadcast_in_dim3A_1645, %select_n3A_1637 : vector<128x128xi1>, vector<128x128xf32>
    %slice3A_1647 = vector.extract_strided_slice %dot_general3A_5 {offsets = [640, 3200], sizes = [128, 128], strides = [1, 1]} : vector<1024x4096xf32> to vector<128x128xf32>
    %sub3A_1648 = arith.constant 1.000000e+00 : f32
    %sub3A_1649 = vector.broadcast %sub3A_1648 : f32 to vector<128x128xf32>
    %sub3A_1650 = arith.subf %sub3A_1649, %slice3A_1647 : vector<128x128xf32>
    %lt3A_1651 = arith.cmpf olt, %sub3A_1650, %select_n3A_1643 : vector<128x128xf32>
    %select_n3A_1652 = arith.select %lt3A_1651, %sub3A_1650, %select_n3A_1643 : vector<128x128xi1>, vector<128x128xf32>
    %jit3A_1653 = arith.constant 2.500000e+01 : f32
    %broadcast_in_dim3A_1654 = vector.broadcast %jit3A_1653 : f32 to vector<128x128xf32>
    %select_n3A_1655 = arith.select %lt3A_1651, %broadcast_in_dim3A_1654, %select_n3A_1646 : vector<128x128xi1>, vector<128x128xf32>
    %slice3A_1656 = vector.extract_strided_slice %dot_general3A_5 {offsets = [640, 3328], sizes = [128, 128], strides = [1, 1]} : vector<1024x4096xf32> to vector<128x128xf32>
    %sub3A_1657 = arith.constant 1.000000e+00 : f32
    %sub3A_1658 = vector.broadcast %sub3A_1657 : f32 to vector<128x128xf32>
    %sub3A_1659 = arith.subf %sub3A_1658, %slice3A_1656 : vector<128x128xf32>
    %lt3A_1660 = arith.cmpf olt, %sub3A_1659, %select_n3A_1652 : vector<128x128xf32>
    %select_n3A_1661 = arith.select %lt3A_1660, %sub3A_1659, %select_n3A_1652 : vector<128x128xi1>, vector<128x128xf32>
    %jit3A_1662 = arith.constant 2.600000e+01 : f32
    %broadcast_in_dim3A_1663 = vector.broadcast %jit3A_1662 : f32 to vector<128x128xf32>
    %select_n3A_1664 = arith.select %lt3A_1660, %broadcast_in_dim3A_1663, %select_n3A_1655 : vector<128x128xi1>, vector<128x128xf32>
    %slice3A_1665 = vector.extract_strided_slice %dot_general3A_5 {offsets = [640, 3456], sizes = [128, 128], strides = [1, 1]} : vector<1024x4096xf32> to vector<128x128xf32>
    %sub3A_1666 = arith.constant 1.000000e+00 : f32
    %sub3A_1667 = vector.broadcast %sub3A_1666 : f32 to vector<128x128xf32>
    %sub3A_1668 = arith.subf %sub3A_1667, %slice3A_1665 : vector<128x128xf32>
    %lt3A_1669 = arith.cmpf olt, %sub3A_1668, %select_n3A_1661 : vector<128x128xf32>
    %select_n3A_1670 = arith.select %lt3A_1669, %sub3A_1668, %select_n3A_1661 : vector<128x128xi1>, vector<128x128xf32>
    %jit3A_1671 = arith.constant 2.700000e+01 : f32
    %broadcast_in_dim3A_1672 = vector.broadcast %jit3A_1671 : f32 to vector<128x128xf32>
    %select_n3A_1673 = arith.select %lt3A_1669, %broadcast_in_dim3A_1672, %select_n3A_1664 : vector<128x128xi1>, vector<128x128xf32>
    %slice3A_1674 = vector.extract_strided_slice %dot_general3A_5 {offsets = [640, 3584], sizes = [128, 128], strides = [1, 1]} : vector<1024x4096xf32> to vector<128x128xf32>
    %sub3A_1675 = arith.constant 1.000000e+00 : f32
    %sub3A_1676 = vector.broadcast %sub3A_1675 : f32 to vector<128x128xf32>
    %sub3A_1677 = arith.subf %sub3A_1676, %slice3A_1674 : vector<128x128xf32>
    %lt3A_1678 = arith.cmpf olt, %sub3A_1677, %select_n3A_1670 : vector<128x128xf32>
    %select_n3A_1679 = arith.select %lt3A_1678, %sub3A_1677, %select_n3A_1670 : vector<128x128xi1>, vector<128x128xf32>
    %jit3A_1680 = arith.constant 2.800000e+01 : f32
    %broadcast_in_dim3A_1681 = vector.broadcast %jit3A_1680 : f32 to vector<128x128xf32>
    %select_n3A_1682 = arith.select %lt3A_1678, %broadcast_in_dim3A_1681, %select_n3A_1673 : vector<128x128xi1>, vector<128x128xf32>
    %slice3A_1683 = vector.extract_strided_slice %dot_general3A_5 {offsets = [640, 3712], sizes = [128, 128], strides = [1, 1]} : vector<1024x4096xf32> to vector<128x128xf32>
    %sub3A_1684 = arith.constant 1.000000e+00 : f32
    %sub3A_1685 = vector.broadcast %sub3A_1684 : f32 to vector<128x128xf32>
    %sub3A_1686 = arith.subf %sub3A_1685, %slice3A_1683 : vector<128x128xf32>
    %lt3A_1687 = arith.cmpf olt, %sub3A_1686, %select_n3A_1679 : vector<128x128xf32>
    %select_n3A_1688 = arith.select %lt3A_1687, %sub3A_1686, %select_n3A_1679 : vector<128x128xi1>, vector<128x128xf32>
    %jit3A_1689 = arith.constant 2.900000e+01 : f32
    %broadcast_in_dim3A_1690 = vector.broadcast %jit3A_1689 : f32 to vector<128x128xf32>
    %select_n3A_1691 = arith.select %lt3A_1687, %broadcast_in_dim3A_1690, %select_n3A_1682 : vector<128x128xi1>, vector<128x128xf32>
    %slice3A_1692 = vector.extract_strided_slice %dot_general3A_5 {offsets = [640, 3840], sizes = [128, 128], strides = [1, 1]} : vector<1024x4096xf32> to vector<128x128xf32>
    %sub3A_1693 = arith.constant 1.000000e+00 : f32
    %sub3A_1694 = vector.broadcast %sub3A_1693 : f32 to vector<128x128xf32>
    %sub3A_1695 = arith.subf %sub3A_1694, %slice3A_1692 : vector<128x128xf32>
    %lt3A_1696 = arith.cmpf olt, %sub3A_1695, %select_n3A_1688 : vector<128x128xf32>
    %select_n3A_1697 = arith.select %lt3A_1696, %sub3A_1695, %select_n3A_1688 : vector<128x128xi1>, vector<128x128xf32>
    %jit3A_1698 = arith.constant 3.000000e+01 : f32
    %broadcast_in_dim3A_1699 = vector.broadcast %jit3A_1698 : f32 to vector<128x128xf32>
    %select_n3A_1700 = arith.select %lt3A_1696, %broadcast_in_dim3A_1699, %select_n3A_1691 : vector<128x128xi1>, vector<128x128xf32>
    %slice3A_1701 = vector.extract_strided_slice %dot_general3A_5 {offsets = [640, 3968], sizes = [128, 128], strides = [1, 1]} : vector<1024x4096xf32> to vector<128x128xf32>
    %sub3A_1702 = arith.constant 1.000000e+00 : f32
    %sub3A_1703 = vector.broadcast %sub3A_1702 : f32 to vector<128x128xf32>
    %sub3A_1704 = arith.subf %sub3A_1703, %slice3A_1701 : vector<128x128xf32>
    %lt3A_1705 = arith.cmpf olt, %sub3A_1704, %select_n3A_1697 : vector<128x128xf32>
    %select_n3A_1706 = arith.select %lt3A_1705, %sub3A_1704, %select_n3A_1697 : vector<128x128xi1>, vector<128x128xf32>
    %jit3A_1707 = arith.constant 3.100000e+01 : f32
    %broadcast_in_dim3A_1708 = vector.broadcast %jit3A_1707 : f32 to vector<128x128xf32>
    %select_n3A_1709 = arith.select %lt3A_1705, %broadcast_in_dim3A_1708, %select_n3A_1700 : vector<128x128xi1>, vector<128x128xf32>
    %slice3A_1710 = vector.extract_strided_slice %dot_general3A_5 {offsets = [768, 0], sizes = [128, 128], strides = [1, 1]} : vector<1024x4096xf32> to vector<128x128xf32>
    %sub3A_1711 = arith.constant 1.000000e+00 : f32
    %sub3A_1712 = vector.broadcast %sub3A_1711 : f32 to vector<128x128xf32>
    %sub3A_1713 = arith.subf %sub3A_1712, %slice3A_1710 : vector<128x128xf32>
    %broadcast_in_dim3A_1714 = arith.constant 0.000000e+00 : f32
    %broadcast_in_dim3A_1715 = vector.broadcast %broadcast_in_dim3A_1714 : f32 to vector<128x128xf32>
    %slice3A_1716 = vector.extract_strided_slice %dot_general3A_5 {offsets = [768, 128], sizes = [128, 128], strides = [1, 1]} : vector<1024x4096xf32> to vector<128x128xf32>
    %sub3A_1717 = arith.constant 1.000000e+00 : f32
    %sub3A_1718 = vector.broadcast %sub3A_1717 : f32 to vector<128x128xf32>
    %sub3A_1719 = arith.subf %sub3A_1718, %slice3A_1716 : vector<128x128xf32>
    %lt3A_1720 = arith.cmpf olt, %sub3A_1719, %sub3A_1713 : vector<128x128xf32>
    %select_n3A_1721 = arith.select %lt3A_1720, %sub3A_1719, %sub3A_1713 : vector<128x128xi1>, vector<128x128xf32>
    %jit3A_1722 = arith.constant 1.000000e+00 : f32
    %broadcast_in_dim3A_1723 = vector.broadcast %jit3A_1722 : f32 to vector<128x128xf32>
    %select_n3A_1724 = arith.select %lt3A_1720, %broadcast_in_dim3A_1723, %broadcast_in_dim3A_1715 : vector<128x128xi1>, vector<128x128xf32>
    %slice3A_1725 = vector.extract_strided_slice %dot_general3A_5 {offsets = [768, 256], sizes = [128, 128], strides = [1, 1]} : vector<1024x4096xf32> to vector<128x128xf32>
    %sub3A_1726 = arith.constant 1.000000e+00 : f32
    %sub3A_1727 = vector.broadcast %sub3A_1726 : f32 to vector<128x128xf32>
    %sub3A_1728 = arith.subf %sub3A_1727, %slice3A_1725 : vector<128x128xf32>
    %lt3A_1729 = arith.cmpf olt, %sub3A_1728, %select_n3A_1721 : vector<128x128xf32>
    %select_n3A_1730 = arith.select %lt3A_1729, %sub3A_1728, %select_n3A_1721 : vector<128x128xi1>, vector<128x128xf32>
    %jit3A_1731 = arith.constant 2.000000e+00 : f32
    %broadcast_in_dim3A_1732 = vector.broadcast %jit3A_1731 : f32 to vector<128x128xf32>
    %select_n3A_1733 = arith.select %lt3A_1729, %broadcast_in_dim3A_1732, %select_n3A_1724 : vector<128x128xi1>, vector<128x128xf32>
    %slice3A_1734 = vector.extract_strided_slice %dot_general3A_5 {offsets = [768, 384], sizes = [128, 128], strides = [1, 1]} : vector<1024x4096xf32> to vector<128x128xf32>
    %sub3A_1735 = arith.constant 1.000000e+00 : f32
    %sub3A_1736 = vector.broadcast %sub3A_1735 : f32 to vector<128x128xf32>
    %sub3A_1737 = arith.subf %sub3A_1736, %slice3A_1734 : vector<128x128xf32>
    %lt3A_1738 = arith.cmpf olt, %sub3A_1737, %select_n3A_1730 : vector<128x128xf32>
    %select_n3A_1739 = arith.select %lt3A_1738, %sub3A_1737, %select_n3A_1730 : vector<128x128xi1>, vector<128x128xf32>
    %jit3A_1740 = arith.constant 3.000000e+00 : f32
    %broadcast_in_dim3A_1741 = vector.broadcast %jit3A_1740 : f32 to vector<128x128xf32>
    %select_n3A_1742 = arith.select %lt3A_1738, %broadcast_in_dim3A_1741, %select_n3A_1733 : vector<128x128xi1>, vector<128x128xf32>
    %slice3A_1743 = vector.extract_strided_slice %dot_general3A_5 {offsets = [768, 512], sizes = [128, 128], strides = [1, 1]} : vector<1024x4096xf32> to vector<128x128xf32>
    %sub3A_1744 = arith.constant 1.000000e+00 : f32
    %sub3A_1745 = vector.broadcast %sub3A_1744 : f32 to vector<128x128xf32>
    %sub3A_1746 = arith.subf %sub3A_1745, %slice3A_1743 : vector<128x128xf32>
    %lt3A_1747 = arith.cmpf olt, %sub3A_1746, %select_n3A_1739 : vector<128x128xf32>
    %select_n3A_1748 = arith.select %lt3A_1747, %sub3A_1746, %select_n3A_1739 : vector<128x128xi1>, vector<128x128xf32>
    %jit3A_1749 = arith.constant 4.000000e+00 : f32
    %broadcast_in_dim3A_1750 = vector.broadcast %jit3A_1749 : f32 to vector<128x128xf32>
    %select_n3A_1751 = arith.select %lt3A_1747, %broadcast_in_dim3A_1750, %select_n3A_1742 : vector<128x128xi1>, vector<128x128xf32>
    %slice3A_1752 = vector.extract_strided_slice %dot_general3A_5 {offsets = [768, 640], sizes = [128, 128], strides = [1, 1]} : vector<1024x4096xf32> to vector<128x128xf32>
    %sub3A_1753 = arith.constant 1.000000e+00 : f32
    %sub3A_1754 = vector.broadcast %sub3A_1753 : f32 to vector<128x128xf32>
    %sub3A_1755 = arith.subf %sub3A_1754, %slice3A_1752 : vector<128x128xf32>
    %lt3A_1756 = arith.cmpf olt, %sub3A_1755, %select_n3A_1748 : vector<128x128xf32>
    %select_n3A_1757 = arith.select %lt3A_1756, %sub3A_1755, %select_n3A_1748 : vector<128x128xi1>, vector<128x128xf32>
    %jit3A_1758 = arith.constant 5.000000e+00 : f32
    %broadcast_in_dim3A_1759 = vector.broadcast %jit3A_1758 : f32 to vector<128x128xf32>
    %select_n3A_1760 = arith.select %lt3A_1756, %broadcast_in_dim3A_1759, %select_n3A_1751 : vector<128x128xi1>, vector<128x128xf32>
    %slice3A_1761 = vector.extract_strided_slice %dot_general3A_5 {offsets = [768, 768], sizes = [128, 128], strides = [1, 1]} : vector<1024x4096xf32> to vector<128x128xf32>
    %sub3A_1762 = arith.constant 1.000000e+00 : f32
    %sub3A_1763 = vector.broadcast %sub3A_1762 : f32 to vector<128x128xf32>
    %sub3A_1764 = arith.subf %sub3A_1763, %slice3A_1761 : vector<128x128xf32>
    %lt3A_1765 = arith.cmpf olt, %sub3A_1764, %select_n3A_1757 : vector<128x128xf32>
    %select_n3A_1766 = arith.select %lt3A_1765, %sub3A_1764, %select_n3A_1757 : vector<128x128xi1>, vector<128x128xf32>
    %jit3A_1767 = arith.constant 6.000000e+00 : f32
    %broadcast_in_dim3A_1768 = vector.broadcast %jit3A_1767 : f32 to vector<128x128xf32>
    %select_n3A_1769 = arith.select %lt3A_1765, %broadcast_in_dim3A_1768, %select_n3A_1760 : vector<128x128xi1>, vector<128x128xf32>
    %slice3A_1770 = vector.extract_strided_slice %dot_general3A_5 {offsets = [768, 896], sizes = [128, 128], strides = [1, 1]} : vector<1024x4096xf32> to vector<128x128xf32>
    %sub3A_1771 = arith.constant 1.000000e+00 : f32
    %sub3A_1772 = vector.broadcast %sub3A_1771 : f32 to vector<128x128xf32>
    %sub3A_1773 = arith.subf %sub3A_1772, %slice3A_1770 : vector<128x128xf32>
    %lt3A_1774 = arith.cmpf olt, %sub3A_1773, %select_n3A_1766 : vector<128x128xf32>
    %select_n3A_1775 = arith.select %lt3A_1774, %sub3A_1773, %select_n3A_1766 : vector<128x128xi1>, vector<128x128xf32>
    %jit3A_1776 = arith.constant 7.000000e+00 : f32
    %broadcast_in_dim3A_1777 = vector.broadcast %jit3A_1776 : f32 to vector<128x128xf32>
    %select_n3A_1778 = arith.select %lt3A_1774, %broadcast_in_dim3A_1777, %select_n3A_1769 : vector<128x128xi1>, vector<128x128xf32>
    %slice3A_1779 = vector.extract_strided_slice %dot_general3A_5 {offsets = [768, 1024], sizes = [128, 128], strides = [1, 1]} : vector<1024x4096xf32> to vector<128x128xf32>
    %sub3A_1780 = arith.constant 1.000000e+00 : f32
    %sub3A_1781 = vector.broadcast %sub3A_1780 : f32 to vector<128x128xf32>
    %sub3A_1782 = arith.subf %sub3A_1781, %slice3A_1779 : vector<128x128xf32>
    %lt3A_1783 = arith.cmpf olt, %sub3A_1782, %select_n3A_1775 : vector<128x128xf32>
    %select_n3A_1784 = arith.select %lt3A_1783, %sub3A_1782, %select_n3A_1775 : vector<128x128xi1>, vector<128x128xf32>
    %jit3A_1785 = arith.constant 8.000000e+00 : f32
    %broadcast_in_dim3A_1786 = vector.broadcast %jit3A_1785 : f32 to vector<128x128xf32>
    %select_n3A_1787 = arith.select %lt3A_1783, %broadcast_in_dim3A_1786, %select_n3A_1778 : vector<128x128xi1>, vector<128x128xf32>
    %slice3A_1788 = vector.extract_strided_slice %dot_general3A_5 {offsets = [768, 1152], sizes = [128, 128], strides = [1, 1]} : vector<1024x4096xf32> to vector<128x128xf32>
    %sub3A_1789 = arith.constant 1.000000e+00 : f32
    %sub3A_1790 = vector.broadcast %sub3A_1789 : f32 to vector<128x128xf32>
    %sub3A_1791 = arith.subf %sub3A_1790, %slice3A_1788 : vector<128x128xf32>
    %lt3A_1792 = arith.cmpf olt, %sub3A_1791, %select_n3A_1784 : vector<128x128xf32>
    %select_n3A_1793 = arith.select %lt3A_1792, %sub3A_1791, %select_n3A_1784 : vector<128x128xi1>, vector<128x128xf32>
    %jit3A_1794 = arith.constant 9.000000e+00 : f32
    %broadcast_in_dim3A_1795 = vector.broadcast %jit3A_1794 : f32 to vector<128x128xf32>
    %select_n3A_1796 = arith.select %lt3A_1792, %broadcast_in_dim3A_1795, %select_n3A_1787 : vector<128x128xi1>, vector<128x128xf32>
    %slice3A_1797 = vector.extract_strided_slice %dot_general3A_5 {offsets = [768, 1280], sizes = [128, 128], strides = [1, 1]} : vector<1024x4096xf32> to vector<128x128xf32>
    %sub3A_1798 = arith.constant 1.000000e+00 : f32
    %sub3A_1799 = vector.broadcast %sub3A_1798 : f32 to vector<128x128xf32>
    %sub3A_1800 = arith.subf %sub3A_1799, %slice3A_1797 : vector<128x128xf32>
    %lt3A_1801 = arith.cmpf olt, %sub3A_1800, %select_n3A_1793 : vector<128x128xf32>
    %select_n3A_1802 = arith.select %lt3A_1801, %sub3A_1800, %select_n3A_1793 : vector<128x128xi1>, vector<128x128xf32>
    %jit3A_1803 = arith.constant 1.000000e+01 : f32
    %broadcast_in_dim3A_1804 = vector.broadcast %jit3A_1803 : f32 to vector<128x128xf32>
    %select_n3A_1805 = arith.select %lt3A_1801, %broadcast_in_dim3A_1804, %select_n3A_1796 : vector<128x128xi1>, vector<128x128xf32>
    %slice3A_1806 = vector.extract_strided_slice %dot_general3A_5 {offsets = [768, 1408], sizes = [128, 128], strides = [1, 1]} : vector<1024x4096xf32> to vector<128x128xf32>
    %sub3A_1807 = arith.constant 1.000000e+00 : f32
    %sub3A_1808 = vector.broadcast %sub3A_1807 : f32 to vector<128x128xf32>
    %sub3A_1809 = arith.subf %sub3A_1808, %slice3A_1806 : vector<128x128xf32>
    %lt3A_1810 = arith.cmpf olt, %sub3A_1809, %select_n3A_1802 : vector<128x128xf32>
    %select_n3A_1811 = arith.select %lt3A_1810, %sub3A_1809, %select_n3A_1802 : vector<128x128xi1>, vector<128x128xf32>
    %jit3A_1812 = arith.constant 1.100000e+01 : f32
    %broadcast_in_dim3A_1813 = vector.broadcast %jit3A_1812 : f32 to vector<128x128xf32>
    %select_n3A_1814 = arith.select %lt3A_1810, %broadcast_in_dim3A_1813, %select_n3A_1805 : vector<128x128xi1>, vector<128x128xf32>
    %slice3A_1815 = vector.extract_strided_slice %dot_general3A_5 {offsets = [768, 1536], sizes = [128, 128], strides = [1, 1]} : vector<1024x4096xf32> to vector<128x128xf32>
    %sub3A_1816 = arith.constant 1.000000e+00 : f32
    %sub3A_1817 = vector.broadcast %sub3A_1816 : f32 to vector<128x128xf32>
    %sub3A_1818 = arith.subf %sub3A_1817, %slice3A_1815 : vector<128x128xf32>
    %lt3A_1819 = arith.cmpf olt, %sub3A_1818, %select_n3A_1811 : vector<128x128xf32>
    %select_n3A_1820 = arith.select %lt3A_1819, %sub3A_1818, %select_n3A_1811 : vector<128x128xi1>, vector<128x128xf32>
    %jit3A_1821 = arith.constant 1.200000e+01 : f32
    %broadcast_in_dim3A_1822 = vector.broadcast %jit3A_1821 : f32 to vector<128x128xf32>
    %select_n3A_1823 = arith.select %lt3A_1819, %broadcast_in_dim3A_1822, %select_n3A_1814 : vector<128x128xi1>, vector<128x128xf32>
    %slice3A_1824 = vector.extract_strided_slice %dot_general3A_5 {offsets = [768, 1664], sizes = [128, 128], strides = [1, 1]} : vector<1024x4096xf32> to vector<128x128xf32>
    %sub3A_1825 = arith.constant 1.000000e+00 : f32
    %sub3A_1826 = vector.broadcast %sub3A_1825 : f32 to vector<128x128xf32>
    %sub3A_1827 = arith.subf %sub3A_1826, %slice3A_1824 : vector<128x128xf32>
    %lt3A_1828 = arith.cmpf olt, %sub3A_1827, %select_n3A_1820 : vector<128x128xf32>
    %select_n3A_1829 = arith.select %lt3A_1828, %sub3A_1827, %select_n3A_1820 : vector<128x128xi1>, vector<128x128xf32>
    %jit3A_1830 = arith.constant 1.300000e+01 : f32
    %broadcast_in_dim3A_1831 = vector.broadcast %jit3A_1830 : f32 to vector<128x128xf32>
    %select_n3A_1832 = arith.select %lt3A_1828, %broadcast_in_dim3A_1831, %select_n3A_1823 : vector<128x128xi1>, vector<128x128xf32>
    %slice3A_1833 = vector.extract_strided_slice %dot_general3A_5 {offsets = [768, 1792], sizes = [128, 128], strides = [1, 1]} : vector<1024x4096xf32> to vector<128x128xf32>
    %sub3A_1834 = arith.constant 1.000000e+00 : f32
    %sub3A_1835 = vector.broadcast %sub3A_1834 : f32 to vector<128x128xf32>
    %sub3A_1836 = arith.subf %sub3A_1835, %slice3A_1833 : vector<128x128xf32>
    %lt3A_1837 = arith.cmpf olt, %sub3A_1836, %select_n3A_1829 : vector<128x128xf32>
    %select_n3A_1838 = arith.select %lt3A_1837, %sub3A_1836, %select_n3A_1829 : vector<128x128xi1>, vector<128x128xf32>
    %jit3A_1839 = arith.constant 1.400000e+01 : f32
    %broadcast_in_dim3A_1840 = vector.broadcast %jit3A_1839 : f32 to vector<128x128xf32>
    %select_n3A_1841 = arith.select %lt3A_1837, %broadcast_in_dim3A_1840, %select_n3A_1832 : vector<128x128xi1>, vector<128x128xf32>
    %slice3A_1842 = vector.extract_strided_slice %dot_general3A_5 {offsets = [768, 1920], sizes = [128, 128], strides = [1, 1]} : vector<1024x4096xf32> to vector<128x128xf32>
    %sub3A_1843 = arith.constant 1.000000e+00 : f32
    %sub3A_1844 = vector.broadcast %sub3A_1843 : f32 to vector<128x128xf32>
    %sub3A_1845 = arith.subf %sub3A_1844, %slice3A_1842 : vector<128x128xf32>
    %lt3A_1846 = arith.cmpf olt, %sub3A_1845, %select_n3A_1838 : vector<128x128xf32>
    %select_n3A_1847 = arith.select %lt3A_1846, %sub3A_1845, %select_n3A_1838 : vector<128x128xi1>, vector<128x128xf32>
    %jit3A_1848 = arith.constant 1.500000e+01 : f32
    %broadcast_in_dim3A_1849 = vector.broadcast %jit3A_1848 : f32 to vector<128x128xf32>
    %select_n3A_1850 = arith.select %lt3A_1846, %broadcast_in_dim3A_1849, %select_n3A_1841 : vector<128x128xi1>, vector<128x128xf32>
    %slice3A_1851 = vector.extract_strided_slice %dot_general3A_5 {offsets = [768, 2048], sizes = [128, 128], strides = [1, 1]} : vector<1024x4096xf32> to vector<128x128xf32>
    %sub3A_1852 = arith.constant 1.000000e+00 : f32
    %sub3A_1853 = vector.broadcast %sub3A_1852 : f32 to vector<128x128xf32>
    %sub3A_1854 = arith.subf %sub3A_1853, %slice3A_1851 : vector<128x128xf32>
    %lt3A_1855 = arith.cmpf olt, %sub3A_1854, %select_n3A_1847 : vector<128x128xf32>
    %select_n3A_1856 = arith.select %lt3A_1855, %sub3A_1854, %select_n3A_1847 : vector<128x128xi1>, vector<128x128xf32>
    %jit3A_1857 = arith.constant 1.600000e+01 : f32
    %broadcast_in_dim3A_1858 = vector.broadcast %jit3A_1857 : f32 to vector<128x128xf32>
    %select_n3A_1859 = arith.select %lt3A_1855, %broadcast_in_dim3A_1858, %select_n3A_1850 : vector<128x128xi1>, vector<128x128xf32>
    %slice3A_1860 = vector.extract_strided_slice %dot_general3A_5 {offsets = [768, 2176], sizes = [128, 128], strides = [1, 1]} : vector<1024x4096xf32> to vector<128x128xf32>
    %sub3A_1861 = arith.constant 1.000000e+00 : f32
    %sub3A_1862 = vector.broadcast %sub3A_1861 : f32 to vector<128x128xf32>
    %sub3A_1863 = arith.subf %sub3A_1862, %slice3A_1860 : vector<128x128xf32>
    %lt3A_1864 = arith.cmpf olt, %sub3A_1863, %select_n3A_1856 : vector<128x128xf32>
    %select_n3A_1865 = arith.select %lt3A_1864, %sub3A_1863, %select_n3A_1856 : vector<128x128xi1>, vector<128x128xf32>
    %jit3A_1866 = arith.constant 1.700000e+01 : f32
    %broadcast_in_dim3A_1867 = vector.broadcast %jit3A_1866 : f32 to vector<128x128xf32>
    %select_n3A_1868 = arith.select %lt3A_1864, %broadcast_in_dim3A_1867, %select_n3A_1859 : vector<128x128xi1>, vector<128x128xf32>
    %slice3A_1869 = vector.extract_strided_slice %dot_general3A_5 {offsets = [768, 2304], sizes = [128, 128], strides = [1, 1]} : vector<1024x4096xf32> to vector<128x128xf32>
    %sub3A_1870 = arith.constant 1.000000e+00 : f32
    %sub3A_1871 = vector.broadcast %sub3A_1870 : f32 to vector<128x128xf32>
    %sub3A_1872 = arith.subf %sub3A_1871, %slice3A_1869 : vector<128x128xf32>
    %lt3A_1873 = arith.cmpf olt, %sub3A_1872, %select_n3A_1865 : vector<128x128xf32>
    %select_n3A_1874 = arith.select %lt3A_1873, %sub3A_1872, %select_n3A_1865 : vector<128x128xi1>, vector<128x128xf32>
    %jit3A_1875 = arith.constant 1.800000e+01 : f32
    %broadcast_in_dim3A_1876 = vector.broadcast %jit3A_1875 : f32 to vector<128x128xf32>
    %select_n3A_1877 = arith.select %lt3A_1873, %broadcast_in_dim3A_1876, %select_n3A_1868 : vector<128x128xi1>, vector<128x128xf32>
    %slice3A_1878 = vector.extract_strided_slice %dot_general3A_5 {offsets = [768, 2432], sizes = [128, 128], strides = [1, 1]} : vector<1024x4096xf32> to vector<128x128xf32>
    %sub3A_1879 = arith.constant 1.000000e+00 : f32
    %sub3A_1880 = vector.broadcast %sub3A_1879 : f32 to vector<128x128xf32>
    %sub3A_1881 = arith.subf %sub3A_1880, %slice3A_1878 : vector<128x128xf32>
    %lt3A_1882 = arith.cmpf olt, %sub3A_1881, %select_n3A_1874 : vector<128x128xf32>
    %select_n3A_1883 = arith.select %lt3A_1882, %sub3A_1881, %select_n3A_1874 : vector<128x128xi1>, vector<128x128xf32>
    %jit3A_1884 = arith.constant 1.900000e+01 : f32
    %broadcast_in_dim3A_1885 = vector.broadcast %jit3A_1884 : f32 to vector<128x128xf32>
    %select_n3A_1886 = arith.select %lt3A_1882, %broadcast_in_dim3A_1885, %select_n3A_1877 : vector<128x128xi1>, vector<128x128xf32>
    %slice3A_1887 = vector.extract_strided_slice %dot_general3A_5 {offsets = [768, 2560], sizes = [128, 128], strides = [1, 1]} : vector<1024x4096xf32> to vector<128x128xf32>
    %sub3A_1888 = arith.constant 1.000000e+00 : f32
    %sub3A_1889 = vector.broadcast %sub3A_1888 : f32 to vector<128x128xf32>
    %sub3A_1890 = arith.subf %sub3A_1889, %slice3A_1887 : vector<128x128xf32>
    %lt3A_1891 = arith.cmpf olt, %sub3A_1890, %select_n3A_1883 : vector<128x128xf32>
    %select_n3A_1892 = arith.select %lt3A_1891, %sub3A_1890, %select_n3A_1883 : vector<128x128xi1>, vector<128x128xf32>
    %jit3A_1893 = arith.constant 2.000000e+01 : f32
    %broadcast_in_dim3A_1894 = vector.broadcast %jit3A_1893 : f32 to vector<128x128xf32>
    %select_n3A_1895 = arith.select %lt3A_1891, %broadcast_in_dim3A_1894, %select_n3A_1886 : vector<128x128xi1>, vector<128x128xf32>
    %slice3A_1896 = vector.extract_strided_slice %dot_general3A_5 {offsets = [768, 2688], sizes = [128, 128], strides = [1, 1]} : vector<1024x4096xf32> to vector<128x128xf32>
    %sub3A_1897 = arith.constant 1.000000e+00 : f32
    %sub3A_1898 = vector.broadcast %sub3A_1897 : f32 to vector<128x128xf32>
    %sub3A_1899 = arith.subf %sub3A_1898, %slice3A_1896 : vector<128x128xf32>
    %lt3A_1900 = arith.cmpf olt, %sub3A_1899, %select_n3A_1892 : vector<128x128xf32>
    %select_n3A_1901 = arith.select %lt3A_1900, %sub3A_1899, %select_n3A_1892 : vector<128x128xi1>, vector<128x128xf32>
    %jit3A_1902 = arith.constant 2.100000e+01 : f32
    %broadcast_in_dim3A_1903 = vector.broadcast %jit3A_1902 : f32 to vector<128x128xf32>
    %select_n3A_1904 = arith.select %lt3A_1900, %broadcast_in_dim3A_1903, %select_n3A_1895 : vector<128x128xi1>, vector<128x128xf32>
    %slice3A_1905 = vector.extract_strided_slice %dot_general3A_5 {offsets = [768, 2816], sizes = [128, 128], strides = [1, 1]} : vector<1024x4096xf32> to vector<128x128xf32>
    %sub3A_1906 = arith.constant 1.000000e+00 : f32
    %sub3A_1907 = vector.broadcast %sub3A_1906 : f32 to vector<128x128xf32>
    %sub3A_1908 = arith.subf %sub3A_1907, %slice3A_1905 : vector<128x128xf32>
    %lt3A_1909 = arith.cmpf olt, %sub3A_1908, %select_n3A_1901 : vector<128x128xf32>
    %select_n3A_1910 = arith.select %lt3A_1909, %sub3A_1908, %select_n3A_1901 : vector<128x128xi1>, vector<128x128xf32>
    %jit3A_1911 = arith.constant 2.200000e+01 : f32
    %broadcast_in_dim3A_1912 = vector.broadcast %jit3A_1911 : f32 to vector<128x128xf32>
    %select_n3A_1913 = arith.select %lt3A_1909, %broadcast_in_dim3A_1912, %select_n3A_1904 : vector<128x128xi1>, vector<128x128xf32>
    %slice3A_1914 = vector.extract_strided_slice %dot_general3A_5 {offsets = [768, 2944], sizes = [128, 128], strides = [1, 1]} : vector<1024x4096xf32> to vector<128x128xf32>
    %sub3A_1915 = arith.constant 1.000000e+00 : f32
    %sub3A_1916 = vector.broadcast %sub3A_1915 : f32 to vector<128x128xf32>
    %sub3A_1917 = arith.subf %sub3A_1916, %slice3A_1914 : vector<128x128xf32>
    %lt3A_1918 = arith.cmpf olt, %sub3A_1917, %select_n3A_1910 : vector<128x128xf32>
    %select_n3A_1919 = arith.select %lt3A_1918, %sub3A_1917, %select_n3A_1910 : vector<128x128xi1>, vector<128x128xf32>
    %jit3A_1920 = arith.constant 2.300000e+01 : f32
    %broadcast_in_dim3A_1921 = vector.broadcast %jit3A_1920 : f32 to vector<128x128xf32>
    %select_n3A_1922 = arith.select %lt3A_1918, %broadcast_in_dim3A_1921, %select_n3A_1913 : vector<128x128xi1>, vector<128x128xf32>
    %slice3A_1923 = vector.extract_strided_slice %dot_general3A_5 {offsets = [768, 3072], sizes = [128, 128], strides = [1, 1]} : vector<1024x4096xf32> to vector<128x128xf32>
    %sub3A_1924 = arith.constant 1.000000e+00 : f32
    %sub3A_1925 = vector.broadcast %sub3A_1924 : f32 to vector<128x128xf32>
    %sub3A_1926 = arith.subf %sub3A_1925, %slice3A_1923 : vector<128x128xf32>
    %lt3A_1927 = arith.cmpf olt, %sub3A_1926, %select_n3A_1919 : vector<128x128xf32>
    %select_n3A_1928 = arith.select %lt3A_1927, %sub3A_1926, %select_n3A_1919 : vector<128x128xi1>, vector<128x128xf32>
    %jit3A_1929 = arith.constant 2.400000e+01 : f32
    %broadcast_in_dim3A_1930 = vector.broadcast %jit3A_1929 : f32 to vector<128x128xf32>
    %select_n3A_1931 = arith.select %lt3A_1927, %broadcast_in_dim3A_1930, %select_n3A_1922 : vector<128x128xi1>, vector<128x128xf32>
    %slice3A_1932 = vector.extract_strided_slice %dot_general3A_5 {offsets = [768, 3200], sizes = [128, 128], strides = [1, 1]} : vector<1024x4096xf32> to vector<128x128xf32>
    %sub3A_1933 = arith.constant 1.000000e+00 : f32
    %sub3A_1934 = vector.broadcast %sub3A_1933 : f32 to vector<128x128xf32>
    %sub3A_1935 = arith.subf %sub3A_1934, %slice3A_1932 : vector<128x128xf32>
    %lt3A_1936 = arith.cmpf olt, %sub3A_1935, %select_n3A_1928 : vector<128x128xf32>
    %select_n3A_1937 = arith.select %lt3A_1936, %sub3A_1935, %select_n3A_1928 : vector<128x128xi1>, vector<128x128xf32>
    %jit3A_1938 = arith.constant 2.500000e+01 : f32
    %broadcast_in_dim3A_1939 = vector.broadcast %jit3A_1938 : f32 to vector<128x128xf32>
    %select_n3A_1940 = arith.select %lt3A_1936, %broadcast_in_dim3A_1939, %select_n3A_1931 : vector<128x128xi1>, vector<128x128xf32>
    %slice3A_1941 = vector.extract_strided_slice %dot_general3A_5 {offsets = [768, 3328], sizes = [128, 128], strides = [1, 1]} : vector<1024x4096xf32> to vector<128x128xf32>
    %sub3A_1942 = arith.constant 1.000000e+00 : f32
    %sub3A_1943 = vector.broadcast %sub3A_1942 : f32 to vector<128x128xf32>
    %sub3A_1944 = arith.subf %sub3A_1943, %slice3A_1941 : vector<128x128xf32>
    %lt3A_1945 = arith.cmpf olt, %sub3A_1944, %select_n3A_1937 : vector<128x128xf32>
    %select_n3A_1946 = arith.select %lt3A_1945, %sub3A_1944, %select_n3A_1937 : vector<128x128xi1>, vector<128x128xf32>
    %jit3A_1947 = arith.constant 2.600000e+01 : f32
    %broadcast_in_dim3A_1948 = vector.broadcast %jit3A_1947 : f32 to vector<128x128xf32>
    %select_n3A_1949 = arith.select %lt3A_1945, %broadcast_in_dim3A_1948, %select_n3A_1940 : vector<128x128xi1>, vector<128x128xf32>
    %slice3A_1950 = vector.extract_strided_slice %dot_general3A_5 {offsets = [768, 3456], sizes = [128, 128], strides = [1, 1]} : vector<1024x4096xf32> to vector<128x128xf32>
    %sub3A_1951 = arith.constant 1.000000e+00 : f32
    %sub3A_1952 = vector.broadcast %sub3A_1951 : f32 to vector<128x128xf32>
    %sub3A_1953 = arith.subf %sub3A_1952, %slice3A_1950 : vector<128x128xf32>
    %lt3A_1954 = arith.cmpf olt, %sub3A_1953, %select_n3A_1946 : vector<128x128xf32>
    %select_n3A_1955 = arith.select %lt3A_1954, %sub3A_1953, %select_n3A_1946 : vector<128x128xi1>, vector<128x128xf32>
    %jit3A_1956 = arith.constant 2.700000e+01 : f32
    %broadcast_in_dim3A_1957 = vector.broadcast %jit3A_1956 : f32 to vector<128x128xf32>
    %select_n3A_1958 = arith.select %lt3A_1954, %broadcast_in_dim3A_1957, %select_n3A_1949 : vector<128x128xi1>, vector<128x128xf32>
    %slice3A_1959 = vector.extract_strided_slice %dot_general3A_5 {offsets = [768, 3584], sizes = [128, 128], strides = [1, 1]} : vector<1024x4096xf32> to vector<128x128xf32>
    %sub3A_1960 = arith.constant 1.000000e+00 : f32
    %sub3A_1961 = vector.broadcast %sub3A_1960 : f32 to vector<128x128xf32>
    %sub3A_1962 = arith.subf %sub3A_1961, %slice3A_1959 : vector<128x128xf32>
    %lt3A_1963 = arith.cmpf olt, %sub3A_1962, %select_n3A_1955 : vector<128x128xf32>
    %select_n3A_1964 = arith.select %lt3A_1963, %sub3A_1962, %select_n3A_1955 : vector<128x128xi1>, vector<128x128xf32>
    %jit3A_1965 = arith.constant 2.800000e+01 : f32
    %broadcast_in_dim3A_1966 = vector.broadcast %jit3A_1965 : f32 to vector<128x128xf32>
    %select_n3A_1967 = arith.select %lt3A_1963, %broadcast_in_dim3A_1966, %select_n3A_1958 : vector<128x128xi1>, vector<128x128xf32>
    %slice3A_1968 = vector.extract_strided_slice %dot_general3A_5 {offsets = [768, 3712], sizes = [128, 128], strides = [1, 1]} : vector<1024x4096xf32> to vector<128x128xf32>
    %sub3A_1969 = arith.constant 1.000000e+00 : f32
    %sub3A_1970 = vector.broadcast %sub3A_1969 : f32 to vector<128x128xf32>
    %sub3A_1971 = arith.subf %sub3A_1970, %slice3A_1968 : vector<128x128xf32>
    %lt3A_1972 = arith.cmpf olt, %sub3A_1971, %select_n3A_1964 : vector<128x128xf32>
    %select_n3A_1973 = arith.select %lt3A_1972, %sub3A_1971, %select_n3A_1964 : vector<128x128xi1>, vector<128x128xf32>
    %jit3A_1974 = arith.constant 2.900000e+01 : f32
    %broadcast_in_dim3A_1975 = vector.broadcast %jit3A_1974 : f32 to vector<128x128xf32>
    %select_n3A_1976 = arith.select %lt3A_1972, %broadcast_in_dim3A_1975, %select_n3A_1967 : vector<128x128xi1>, vector<128x128xf32>
    %slice3A_1977 = vector.extract_strided_slice %dot_general3A_5 {offsets = [768, 3840], sizes = [128, 128], strides = [1, 1]} : vector<1024x4096xf32> to vector<128x128xf32>
    %sub3A_1978 = arith.constant 1.000000e+00 : f32
    %sub3A_1979 = vector.broadcast %sub3A_1978 : f32 to vector<128x128xf32>
    %sub3A_1980 = arith.subf %sub3A_1979, %slice3A_1977 : vector<128x128xf32>
    %lt3A_1981 = arith.cmpf olt, %sub3A_1980, %select_n3A_1973 : vector<128x128xf32>
    %select_n3A_1982 = arith.select %lt3A_1981, %sub3A_1980, %select_n3A_1973 : vector<128x128xi1>, vector<128x128xf32>
    %jit3A_1983 = arith.constant 3.000000e+01 : f32
    %broadcast_in_dim3A_1984 = vector.broadcast %jit3A_1983 : f32 to vector<128x128xf32>
    %select_n3A_1985 = arith.select %lt3A_1981, %broadcast_in_dim3A_1984, %select_n3A_1976 : vector<128x128xi1>, vector<128x128xf32>
    %slice3A_1986 = vector.extract_strided_slice %dot_general3A_5 {offsets = [768, 3968], sizes = [128, 128], strides = [1, 1]} : vector<1024x4096xf32> to vector<128x128xf32>
    %sub3A_1987 = arith.constant 1.000000e+00 : f32
    %sub3A_1988 = vector.broadcast %sub3A_1987 : f32 to vector<128x128xf32>
    %sub3A_1989 = arith.subf %sub3A_1988, %slice3A_1986 : vector<128x128xf32>
    %lt3A_1990 = arith.cmpf olt, %sub3A_1989, %select_n3A_1982 : vector<128x128xf32>
    %select_n3A_1991 = arith.select %lt3A_1990, %sub3A_1989, %select_n3A_1982 : vector<128x128xi1>, vector<128x128xf32>
    %jit3A_1992 = arith.constant 3.100000e+01 : f32
    %broadcast_in_dim3A_1993 = vector.broadcast %jit3A_1992 : f32 to vector<128x128xf32>
    %select_n3A_1994 = arith.select %lt3A_1990, %broadcast_in_dim3A_1993, %select_n3A_1985 : vector<128x128xi1>, vector<128x128xf32>
    %slice3A_1995 = vector.extract_strided_slice %dot_general3A_5 {offsets = [896, 0], sizes = [128, 128], strides = [1, 1]} : vector<1024x4096xf32> to vector<128x128xf32>
    %sub3A_1996 = arith.constant 1.000000e+00 : f32
    %sub3A_1997 = vector.broadcast %sub3A_1996 : f32 to vector<128x128xf32>
    %sub3A_1998 = arith.subf %sub3A_1997, %slice3A_1995 : vector<128x128xf32>
    %broadcast_in_dim3A_1999 = arith.constant 0.000000e+00 : f32
    %broadcast_in_dim3A_2000 = vector.broadcast %broadcast_in_dim3A_1999 : f32 to vector<128x128xf32>
    %slice3A_2001 = vector.extract_strided_slice %dot_general3A_5 {offsets = [896, 128], sizes = [128, 128], strides = [1, 1]} : vector<1024x4096xf32> to vector<128x128xf32>
    %sub3A_2002 = arith.constant 1.000000e+00 : f32
    %sub3A_2003 = vector.broadcast %sub3A_2002 : f32 to vector<128x128xf32>
    %sub3A_2004 = arith.subf %sub3A_2003, %slice3A_2001 : vector<128x128xf32>
    %lt3A_2005 = arith.cmpf olt, %sub3A_2004, %sub3A_1998 : vector<128x128xf32>
    %select_n3A_2006 = arith.select %lt3A_2005, %sub3A_2004, %sub3A_1998 : vector<128x128xi1>, vector<128x128xf32>
    %jit3A_2007 = arith.constant 1.000000e+00 : f32
    %broadcast_in_dim3A_2008 = vector.broadcast %jit3A_2007 : f32 to vector<128x128xf32>
    %select_n3A_2009 = arith.select %lt3A_2005, %broadcast_in_dim3A_2008, %broadcast_in_dim3A_2000 : vector<128x128xi1>, vector<128x128xf32>
    %slice3A_2010 = vector.extract_strided_slice %dot_general3A_5 {offsets = [896, 256], sizes = [128, 128], strides = [1, 1]} : vector<1024x4096xf32> to vector<128x128xf32>
    %sub3A_2011 = arith.constant 1.000000e+00 : f32
    %sub3A_2012 = vector.broadcast %sub3A_2011 : f32 to vector<128x128xf32>
    %sub3A_2013 = arith.subf %sub3A_2012, %slice3A_2010 : vector<128x128xf32>
    %lt3A_2014 = arith.cmpf olt, %sub3A_2013, %select_n3A_2006 : vector<128x128xf32>
    %select_n3A_2015 = arith.select %lt3A_2014, %sub3A_2013, %select_n3A_2006 : vector<128x128xi1>, vector<128x128xf32>
    %jit3A_2016 = arith.constant 2.000000e+00 : f32
    %broadcast_in_dim3A_2017 = vector.broadcast %jit3A_2016 : f32 to vector<128x128xf32>
    %select_n3A_2018 = arith.select %lt3A_2014, %broadcast_in_dim3A_2017, %select_n3A_2009 : vector<128x128xi1>, vector<128x128xf32>
    %slice3A_2019 = vector.extract_strided_slice %dot_general3A_5 {offsets = [896, 384], sizes = [128, 128], strides = [1, 1]} : vector<1024x4096xf32> to vector<128x128xf32>
    %sub3A_2020 = arith.constant 1.000000e+00 : f32
    %sub3A_2021 = vector.broadcast %sub3A_2020 : f32 to vector<128x128xf32>
    %sub3A_2022 = arith.subf %sub3A_2021, %slice3A_2019 : vector<128x128xf32>
    %lt3A_2023 = arith.cmpf olt, %sub3A_2022, %select_n3A_2015 : vector<128x128xf32>
    %select_n3A_2024 = arith.select %lt3A_2023, %sub3A_2022, %select_n3A_2015 : vector<128x128xi1>, vector<128x128xf32>
    %jit3A_2025 = arith.constant 3.000000e+00 : f32
    %broadcast_in_dim3A_2026 = vector.broadcast %jit3A_2025 : f32 to vector<128x128xf32>
    %select_n3A_2027 = arith.select %lt3A_2023, %broadcast_in_dim3A_2026, %select_n3A_2018 : vector<128x128xi1>, vector<128x128xf32>
    %slice3A_2028 = vector.extract_strided_slice %dot_general3A_5 {offsets = [896, 512], sizes = [128, 128], strides = [1, 1]} : vector<1024x4096xf32> to vector<128x128xf32>
    %sub3A_2029 = arith.constant 1.000000e+00 : f32
    %sub3A_2030 = vector.broadcast %sub3A_2029 : f32 to vector<128x128xf32>
    %sub3A_2031 = arith.subf %sub3A_2030, %slice3A_2028 : vector<128x128xf32>
    %lt3A_2032 = arith.cmpf olt, %sub3A_2031, %select_n3A_2024 : vector<128x128xf32>
    %select_n3A_2033 = arith.select %lt3A_2032, %sub3A_2031, %select_n3A_2024 : vector<128x128xi1>, vector<128x128xf32>
    %jit3A_2034 = arith.constant 4.000000e+00 : f32
    %broadcast_in_dim3A_2035 = vector.broadcast %jit3A_2034 : f32 to vector<128x128xf32>
    %select_n3A_2036 = arith.select %lt3A_2032, %broadcast_in_dim3A_2035, %select_n3A_2027 : vector<128x128xi1>, vector<128x128xf32>
    %slice3A_2037 = vector.extract_strided_slice %dot_general3A_5 {offsets = [896, 640], sizes = [128, 128], strides = [1, 1]} : vector<1024x4096xf32> to vector<128x128xf32>
    %sub3A_2038 = arith.constant 1.000000e+00 : f32
    %sub3A_2039 = vector.broadcast %sub3A_2038 : f32 to vector<128x128xf32>
    %sub3A_2040 = arith.subf %sub3A_2039, %slice3A_2037 : vector<128x128xf32>
    %lt3A_2041 = arith.cmpf olt, %sub3A_2040, %select_n3A_2033 : vector<128x128xf32>
    %select_n3A_2042 = arith.select %lt3A_2041, %sub3A_2040, %select_n3A_2033 : vector<128x128xi1>, vector<128x128xf32>
    %jit3A_2043 = arith.constant 5.000000e+00 : f32
    %broadcast_in_dim3A_2044 = vector.broadcast %jit3A_2043 : f32 to vector<128x128xf32>
    %select_n3A_2045 = arith.select %lt3A_2041, %broadcast_in_dim3A_2044, %select_n3A_2036 : vector<128x128xi1>, vector<128x128xf32>
    %slice3A_2046 = vector.extract_strided_slice %dot_general3A_5 {offsets = [896, 768], sizes = [128, 128], strides = [1, 1]} : vector<1024x4096xf32> to vector<128x128xf32>
    %sub3A_2047 = arith.constant 1.000000e+00 : f32
    %sub3A_2048 = vector.broadcast %sub3A_2047 : f32 to vector<128x128xf32>
    %sub3A_2049 = arith.subf %sub3A_2048, %slice3A_2046 : vector<128x128xf32>
    %lt3A_2050 = arith.cmpf olt, %sub3A_2049, %select_n3A_2042 : vector<128x128xf32>
    %select_n3A_2051 = arith.select %lt3A_2050, %sub3A_2049, %select_n3A_2042 : vector<128x128xi1>, vector<128x128xf32>
    %jit3A_2052 = arith.constant 6.000000e+00 : f32
    %broadcast_in_dim3A_2053 = vector.broadcast %jit3A_2052 : f32 to vector<128x128xf32>
    %select_n3A_2054 = arith.select %lt3A_2050, %broadcast_in_dim3A_2053, %select_n3A_2045 : vector<128x128xi1>, vector<128x128xf32>
    %slice3A_2055 = vector.extract_strided_slice %dot_general3A_5 {offsets = [896, 896], sizes = [128, 128], strides = [1, 1]} : vector<1024x4096xf32> to vector<128x128xf32>
    %sub3A_2056 = arith.constant 1.000000e+00 : f32
    %sub3A_2057 = vector.broadcast %sub3A_2056 : f32 to vector<128x128xf32>
    %sub3A_2058 = arith.subf %sub3A_2057, %slice3A_2055 : vector<128x128xf32>
    %lt3A_2059 = arith.cmpf olt, %sub3A_2058, %select_n3A_2051 : vector<128x128xf32>
    %select_n3A_2060 = arith.select %lt3A_2059, %sub3A_2058, %select_n3A_2051 : vector<128x128xi1>, vector<128x128xf32>
    %jit3A_2061 = arith.constant 7.000000e+00 : f32
    %broadcast_in_dim3A_2062 = vector.broadcast %jit3A_2061 : f32 to vector<128x128xf32>
    %select_n3A_2063 = arith.select %lt3A_2059, %broadcast_in_dim3A_2062, %select_n3A_2054 : vector<128x128xi1>, vector<128x128xf32>
    %slice3A_2064 = vector.extract_strided_slice %dot_general3A_5 {offsets = [896, 1024], sizes = [128, 128], strides = [1, 1]} : vector<1024x4096xf32> to vector<128x128xf32>
    %sub3A_2065 = arith.constant 1.000000e+00 : f32
    %sub3A_2066 = vector.broadcast %sub3A_2065 : f32 to vector<128x128xf32>
    %sub3A_2067 = arith.subf %sub3A_2066, %slice3A_2064 : vector<128x128xf32>
    %lt3A_2068 = arith.cmpf olt, %sub3A_2067, %select_n3A_2060 : vector<128x128xf32>
    %select_n3A_2069 = arith.select %lt3A_2068, %sub3A_2067, %select_n3A_2060 : vector<128x128xi1>, vector<128x128xf32>
    %jit3A_2070 = arith.constant 8.000000e+00 : f32
    %broadcast_in_dim3A_2071 = vector.broadcast %jit3A_2070 : f32 to vector<128x128xf32>
    %select_n3A_2072 = arith.select %lt3A_2068, %broadcast_in_dim3A_2071, %select_n3A_2063 : vector<128x128xi1>, vector<128x128xf32>
    %slice3A_2073 = vector.extract_strided_slice %dot_general3A_5 {offsets = [896, 1152], sizes = [128, 128], strides = [1, 1]} : vector<1024x4096xf32> to vector<128x128xf32>
    %sub3A_2074 = arith.constant 1.000000e+00 : f32
    %sub3A_2075 = vector.broadcast %sub3A_2074 : f32 to vector<128x128xf32>
    %sub3A_2076 = arith.subf %sub3A_2075, %slice3A_2073 : vector<128x128xf32>
    %lt3A_2077 = arith.cmpf olt, %sub3A_2076, %select_n3A_2069 : vector<128x128xf32>
    %select_n3A_2078 = arith.select %lt3A_2077, %sub3A_2076, %select_n3A_2069 : vector<128x128xi1>, vector<128x128xf32>
    %jit3A_2079 = arith.constant 9.000000e+00 : f32
    %broadcast_in_dim3A_2080 = vector.broadcast %jit3A_2079 : f32 to vector<128x128xf32>
    %select_n3A_2081 = arith.select %lt3A_2077, %broadcast_in_dim3A_2080, %select_n3A_2072 : vector<128x128xi1>, vector<128x128xf32>
    %slice3A_2082 = vector.extract_strided_slice %dot_general3A_5 {offsets = [896, 1280], sizes = [128, 128], strides = [1, 1]} : vector<1024x4096xf32> to vector<128x128xf32>
    %sub3A_2083 = arith.constant 1.000000e+00 : f32
    %sub3A_2084 = vector.broadcast %sub3A_2083 : f32 to vector<128x128xf32>
    %sub3A_2085 = arith.subf %sub3A_2084, %slice3A_2082 : vector<128x128xf32>
    %lt3A_2086 = arith.cmpf olt, %sub3A_2085, %select_n3A_2078 : vector<128x128xf32>
    %select_n3A_2087 = arith.select %lt3A_2086, %sub3A_2085, %select_n3A_2078 : vector<128x128xi1>, vector<128x128xf32>
    %jit3A_2088 = arith.constant 1.000000e+01 : f32
    %broadcast_in_dim3A_2089 = vector.broadcast %jit3A_2088 : f32 to vector<128x128xf32>
    %select_n3A_2090 = arith.select %lt3A_2086, %broadcast_in_dim3A_2089, %select_n3A_2081 : vector<128x128xi1>, vector<128x128xf32>
    %slice3A_2091 = vector.extract_strided_slice %dot_general3A_5 {offsets = [896, 1408], sizes = [128, 128], strides = [1, 1]} : vector<1024x4096xf32> to vector<128x128xf32>
    %sub3A_2092 = arith.constant 1.000000e+00 : f32
    %sub3A_2093 = vector.broadcast %sub3A_2092 : f32 to vector<128x128xf32>
    %sub3A_2094 = arith.subf %sub3A_2093, %slice3A_2091 : vector<128x128xf32>
    %lt3A_2095 = arith.cmpf olt, %sub3A_2094, %select_n3A_2087 : vector<128x128xf32>
    %select_n3A_2096 = arith.select %lt3A_2095, %sub3A_2094, %select_n3A_2087 : vector<128x128xi1>, vector<128x128xf32>
    %jit3A_2097 = arith.constant 1.100000e+01 : f32
    %broadcast_in_dim3A_2098 = vector.broadcast %jit3A_2097 : f32 to vector<128x128xf32>
    %select_n3A_2099 = arith.select %lt3A_2095, %broadcast_in_dim3A_2098, %select_n3A_2090 : vector<128x128xi1>, vector<128x128xf32>
    %slice3A_2100 = vector.extract_strided_slice %dot_general3A_5 {offsets = [896, 1536], sizes = [128, 128], strides = [1, 1]} : vector<1024x4096xf32> to vector<128x128xf32>
    %sub3A_2101 = arith.constant 1.000000e+00 : f32
    %sub3A_2102 = vector.broadcast %sub3A_2101 : f32 to vector<128x128xf32>
    %sub3A_2103 = arith.subf %sub3A_2102, %slice3A_2100 : vector<128x128xf32>
    %lt3A_2104 = arith.cmpf olt, %sub3A_2103, %select_n3A_2096 : vector<128x128xf32>
    %select_n3A_2105 = arith.select %lt3A_2104, %sub3A_2103, %select_n3A_2096 : vector<128x128xi1>, vector<128x128xf32>
    %jit3A_2106 = arith.constant 1.200000e+01 : f32
    %broadcast_in_dim3A_2107 = vector.broadcast %jit3A_2106 : f32 to vector<128x128xf32>
    %select_n3A_2108 = arith.select %lt3A_2104, %broadcast_in_dim3A_2107, %select_n3A_2099 : vector<128x128xi1>, vector<128x128xf32>
    %slice3A_2109 = vector.extract_strided_slice %dot_general3A_5 {offsets = [896, 1664], sizes = [128, 128], strides = [1, 1]} : vector<1024x4096xf32> to vector<128x128xf32>
    %sub3A_2110 = arith.constant 1.000000e+00 : f32
    %sub3A_2111 = vector.broadcast %sub3A_2110 : f32 to vector<128x128xf32>
    %sub3A_2112 = arith.subf %sub3A_2111, %slice3A_2109 : vector<128x128xf32>
    %lt3A_2113 = arith.cmpf olt, %sub3A_2112, %select_n3A_2105 : vector<128x128xf32>
    %select_n3A_2114 = arith.select %lt3A_2113, %sub3A_2112, %select_n3A_2105 : vector<128x128xi1>, vector<128x128xf32>
    %jit3A_2115 = arith.constant 1.300000e+01 : f32
    %broadcast_in_dim3A_2116 = vector.broadcast %jit3A_2115 : f32 to vector<128x128xf32>
    %select_n3A_2117 = arith.select %lt3A_2113, %broadcast_in_dim3A_2116, %select_n3A_2108 : vector<128x128xi1>, vector<128x128xf32>
    %slice3A_2118 = vector.extract_strided_slice %dot_general3A_5 {offsets = [896, 1792], sizes = [128, 128], strides = [1, 1]} : vector<1024x4096xf32> to vector<128x128xf32>
    %sub3A_2119 = arith.constant 1.000000e+00 : f32
    %sub3A_2120 = vector.broadcast %sub3A_2119 : f32 to vector<128x128xf32>
    %sub3A_2121 = arith.subf %sub3A_2120, %slice3A_2118 : vector<128x128xf32>
    %lt3A_2122 = arith.cmpf olt, %sub3A_2121, %select_n3A_2114 : vector<128x128xf32>
    %select_n3A_2123 = arith.select %lt3A_2122, %sub3A_2121, %select_n3A_2114 : vector<128x128xi1>, vector<128x128xf32>
    %jit3A_2124 = arith.constant 1.400000e+01 : f32
    %broadcast_in_dim3A_2125 = vector.broadcast %jit3A_2124 : f32 to vector<128x128xf32>
    %select_n3A_2126 = arith.select %lt3A_2122, %broadcast_in_dim3A_2125, %select_n3A_2117 : vector<128x128xi1>, vector<128x128xf32>
    %slice3A_2127 = vector.extract_strided_slice %dot_general3A_5 {offsets = [896, 1920], sizes = [128, 128], strides = [1, 1]} : vector<1024x4096xf32> to vector<128x128xf32>
    %sub3A_2128 = arith.constant 1.000000e+00 : f32
    %sub3A_2129 = vector.broadcast %sub3A_2128 : f32 to vector<128x128xf32>
    %sub3A_2130 = arith.subf %sub3A_2129, %slice3A_2127 : vector<128x128xf32>
    %lt3A_2131 = arith.cmpf olt, %sub3A_2130, %select_n3A_2123 : vector<128x128xf32>
    %select_n3A_2132 = arith.select %lt3A_2131, %sub3A_2130, %select_n3A_2123 : vector<128x128xi1>, vector<128x128xf32>
    %jit3A_2133 = arith.constant 1.500000e+01 : f32
    %broadcast_in_dim3A_2134 = vector.broadcast %jit3A_2133 : f32 to vector<128x128xf32>
    %select_n3A_2135 = arith.select %lt3A_2131, %broadcast_in_dim3A_2134, %select_n3A_2126 : vector<128x128xi1>, vector<128x128xf32>
    %slice3A_2136 = vector.extract_strided_slice %dot_general3A_5 {offsets = [896, 2048], sizes = [128, 128], strides = [1, 1]} : vector<1024x4096xf32> to vector<128x128xf32>
    %sub3A_2137 = arith.constant 1.000000e+00 : f32
    %sub3A_2138 = vector.broadcast %sub3A_2137 : f32 to vector<128x128xf32>
    %sub3A_2139 = arith.subf %sub3A_2138, %slice3A_2136 : vector<128x128xf32>
    %lt3A_2140 = arith.cmpf olt, %sub3A_2139, %select_n3A_2132 : vector<128x128xf32>
    %select_n3A_2141 = arith.select %lt3A_2140, %sub3A_2139, %select_n3A_2132 : vector<128x128xi1>, vector<128x128xf32>
    %jit3A_2142 = arith.constant 1.600000e+01 : f32
    %broadcast_in_dim3A_2143 = vector.broadcast %jit3A_2142 : f32 to vector<128x128xf32>
    %select_n3A_2144 = arith.select %lt3A_2140, %broadcast_in_dim3A_2143, %select_n3A_2135 : vector<128x128xi1>, vector<128x128xf32>
    %slice3A_2145 = vector.extract_strided_slice %dot_general3A_5 {offsets = [896, 2176], sizes = [128, 128], strides = [1, 1]} : vector<1024x4096xf32> to vector<128x128xf32>
    %sub3A_2146 = arith.constant 1.000000e+00 : f32
    %sub3A_2147 = vector.broadcast %sub3A_2146 : f32 to vector<128x128xf32>
    %sub3A_2148 = arith.subf %sub3A_2147, %slice3A_2145 : vector<128x128xf32>
    %lt3A_2149 = arith.cmpf olt, %sub3A_2148, %select_n3A_2141 : vector<128x128xf32>
    %select_n3A_2150 = arith.select %lt3A_2149, %sub3A_2148, %select_n3A_2141 : vector<128x128xi1>, vector<128x128xf32>
    %jit3A_2151 = arith.constant 1.700000e+01 : f32
    %broadcast_in_dim3A_2152 = vector.broadcast %jit3A_2151 : f32 to vector<128x128xf32>
    %select_n3A_2153 = arith.select %lt3A_2149, %broadcast_in_dim3A_2152, %select_n3A_2144 : vector<128x128xi1>, vector<128x128xf32>
    %slice3A_2154 = vector.extract_strided_slice %dot_general3A_5 {offsets = [896, 2304], sizes = [128, 128], strides = [1, 1]} : vector<1024x4096xf32> to vector<128x128xf32>
    %sub3A_2155 = arith.constant 1.000000e+00 : f32
    %sub3A_2156 = vector.broadcast %sub3A_2155 : f32 to vector<128x128xf32>
    %sub3A_2157 = arith.subf %sub3A_2156, %slice3A_2154 : vector<128x128xf32>
    %lt3A_2158 = arith.cmpf olt, %sub3A_2157, %select_n3A_2150 : vector<128x128xf32>
    %select_n3A_2159 = arith.select %lt3A_2158, %sub3A_2157, %select_n3A_2150 : vector<128x128xi1>, vector<128x128xf32>
    %jit3A_2160 = arith.constant 1.800000e+01 : f32
    %broadcast_in_dim3A_2161 = vector.broadcast %jit3A_2160 : f32 to vector<128x128xf32>
    %select_n3A_2162 = arith.select %lt3A_2158, %broadcast_in_dim3A_2161, %select_n3A_2153 : vector<128x128xi1>, vector<128x128xf32>
    %slice3A_2163 = vector.extract_strided_slice %dot_general3A_5 {offsets = [896, 2432], sizes = [128, 128], strides = [1, 1]} : vector<1024x4096xf32> to vector<128x128xf32>
    %sub3A_2164 = arith.constant 1.000000e+00 : f32
    %sub3A_2165 = vector.broadcast %sub3A_2164 : f32 to vector<128x128xf32>
    %sub3A_2166 = arith.subf %sub3A_2165, %slice3A_2163 : vector<128x128xf32>
    %lt3A_2167 = arith.cmpf olt, %sub3A_2166, %select_n3A_2159 : vector<128x128xf32>
    %select_n3A_2168 = arith.select %lt3A_2167, %sub3A_2166, %select_n3A_2159 : vector<128x128xi1>, vector<128x128xf32>
    %jit3A_2169 = arith.constant 1.900000e+01 : f32
    %broadcast_in_dim3A_2170 = vector.broadcast %jit3A_2169 : f32 to vector<128x128xf32>
    %select_n3A_2171 = arith.select %lt3A_2167, %broadcast_in_dim3A_2170, %select_n3A_2162 : vector<128x128xi1>, vector<128x128xf32>
    %slice3A_2172 = vector.extract_strided_slice %dot_general3A_5 {offsets = [896, 2560], sizes = [128, 128], strides = [1, 1]} : vector<1024x4096xf32> to vector<128x128xf32>
    %sub3A_2173 = arith.constant 1.000000e+00 : f32
    %sub3A_2174 = vector.broadcast %sub3A_2173 : f32 to vector<128x128xf32>
    %sub3A_2175 = arith.subf %sub3A_2174, %slice3A_2172 : vector<128x128xf32>
    %lt3A_2176 = arith.cmpf olt, %sub3A_2175, %select_n3A_2168 : vector<128x128xf32>
    %select_n3A_2177 = arith.select %lt3A_2176, %sub3A_2175, %select_n3A_2168 : vector<128x128xi1>, vector<128x128xf32>
    %jit3A_2178 = arith.constant 2.000000e+01 : f32
    %broadcast_in_dim3A_2179 = vector.broadcast %jit3A_2178 : f32 to vector<128x128xf32>
    %select_n3A_2180 = arith.select %lt3A_2176, %broadcast_in_dim3A_2179, %select_n3A_2171 : vector<128x128xi1>, vector<128x128xf32>
    %slice3A_2181 = vector.extract_strided_slice %dot_general3A_5 {offsets = [896, 2688], sizes = [128, 128], strides = [1, 1]} : vector<1024x4096xf32> to vector<128x128xf32>
    %sub3A_2182 = arith.constant 1.000000e+00 : f32
    %sub3A_2183 = vector.broadcast %sub3A_2182 : f32 to vector<128x128xf32>
    %sub3A_2184 = arith.subf %sub3A_2183, %slice3A_2181 : vector<128x128xf32>
    %lt3A_2185 = arith.cmpf olt, %sub3A_2184, %select_n3A_2177 : vector<128x128xf32>
    %select_n3A_2186 = arith.select %lt3A_2185, %sub3A_2184, %select_n3A_2177 : vector<128x128xi1>, vector<128x128xf32>
    %jit3A_2187 = arith.constant 2.100000e+01 : f32
    %broadcast_in_dim3A_2188 = vector.broadcast %jit3A_2187 : f32 to vector<128x128xf32>
    %select_n3A_2189 = arith.select %lt3A_2185, %broadcast_in_dim3A_2188, %select_n3A_2180 : vector<128x128xi1>, vector<128x128xf32>
    %slice3A_2190 = vector.extract_strided_slice %dot_general3A_5 {offsets = [896, 2816], sizes = [128, 128], strides = [1, 1]} : vector<1024x4096xf32> to vector<128x128xf32>
    %sub3A_2191 = arith.constant 1.000000e+00 : f32
    %sub3A_2192 = vector.broadcast %sub3A_2191 : f32 to vector<128x128xf32>
    %sub3A_2193 = arith.subf %sub3A_2192, %slice3A_2190 : vector<128x128xf32>
    %lt3A_2194 = arith.cmpf olt, %sub3A_2193, %select_n3A_2186 : vector<128x128xf32>
    %select_n3A_2195 = arith.select %lt3A_2194, %sub3A_2193, %select_n3A_2186 : vector<128x128xi1>, vector<128x128xf32>
    %jit3A_2196 = arith.constant 2.200000e+01 : f32
    %broadcast_in_dim3A_2197 = vector.broadcast %jit3A_2196 : f32 to vector<128x128xf32>
    %select_n3A_2198 = arith.select %lt3A_2194, %broadcast_in_dim3A_2197, %select_n3A_2189 : vector<128x128xi1>, vector<128x128xf32>
    %slice3A_2199 = vector.extract_strided_slice %dot_general3A_5 {offsets = [896, 2944], sizes = [128, 128], strides = [1, 1]} : vector<1024x4096xf32> to vector<128x128xf32>
    %sub3A_2200 = arith.constant 1.000000e+00 : f32
    %sub3A_2201 = vector.broadcast %sub3A_2200 : f32 to vector<128x128xf32>
    %sub3A_2202 = arith.subf %sub3A_2201, %slice3A_2199 : vector<128x128xf32>
    %lt3A_2203 = arith.cmpf olt, %sub3A_2202, %select_n3A_2195 : vector<128x128xf32>
    %select_n3A_2204 = arith.select %lt3A_2203, %sub3A_2202, %select_n3A_2195 : vector<128x128xi1>, vector<128x128xf32>
    %jit3A_2205 = arith.constant 2.300000e+01 : f32
    %broadcast_in_dim3A_2206 = vector.broadcast %jit3A_2205 : f32 to vector<128x128xf32>
    %select_n3A_2207 = arith.select %lt3A_2203, %broadcast_in_dim3A_2206, %select_n3A_2198 : vector<128x128xi1>, vector<128x128xf32>
    %slice3A_2208 = vector.extract_strided_slice %dot_general3A_5 {offsets = [896, 3072], sizes = [128, 128], strides = [1, 1]} : vector<1024x4096xf32> to vector<128x128xf32>
    %sub3A_2209 = arith.constant 1.000000e+00 : f32
    %sub3A_2210 = vector.broadcast %sub3A_2209 : f32 to vector<128x128xf32>
    %sub3A_2211 = arith.subf %sub3A_2210, %slice3A_2208 : vector<128x128xf32>
    %lt3A_2212 = arith.cmpf olt, %sub3A_2211, %select_n3A_2204 : vector<128x128xf32>
    %select_n3A_2213 = arith.select %lt3A_2212, %sub3A_2211, %select_n3A_2204 : vector<128x128xi1>, vector<128x128xf32>
    %jit3A_2214 = arith.constant 2.400000e+01 : f32
    %broadcast_in_dim3A_2215 = vector.broadcast %jit3A_2214 : f32 to vector<128x128xf32>
    %select_n3A_2216 = arith.select %lt3A_2212, %broadcast_in_dim3A_2215, %select_n3A_2207 : vector<128x128xi1>, vector<128x128xf32>
    %slice3A_2217 = vector.extract_strided_slice %dot_general3A_5 {offsets = [896, 3200], sizes = [128, 128], strides = [1, 1]} : vector<1024x4096xf32> to vector<128x128xf32>
    %sub3A_2218 = arith.constant 1.000000e+00 : f32
    %sub3A_2219 = vector.broadcast %sub3A_2218 : f32 to vector<128x128xf32>
    %sub3A_2220 = arith.subf %sub3A_2219, %slice3A_2217 : vector<128x128xf32>
    %lt3A_2221 = arith.cmpf olt, %sub3A_2220, %select_n3A_2213 : vector<128x128xf32>
    %select_n3A_2222 = arith.select %lt3A_2221, %sub3A_2220, %select_n3A_2213 : vector<128x128xi1>, vector<128x128xf32>
    %jit3A_2223 = arith.constant 2.500000e+01 : f32
    %broadcast_in_dim3A_2224 = vector.broadcast %jit3A_2223 : f32 to vector<128x128xf32>
    %select_n3A_2225 = arith.select %lt3A_2221, %broadcast_in_dim3A_2224, %select_n3A_2216 : vector<128x128xi1>, vector<128x128xf32>
    %slice3A_2226 = vector.extract_strided_slice %dot_general3A_5 {offsets = [896, 3328], sizes = [128, 128], strides = [1, 1]} : vector<1024x4096xf32> to vector<128x128xf32>
    %sub3A_2227 = arith.constant 1.000000e+00 : f32
    %sub3A_2228 = vector.broadcast %sub3A_2227 : f32 to vector<128x128xf32>
    %sub3A_2229 = arith.subf %sub3A_2228, %slice3A_2226 : vector<128x128xf32>
    %lt3A_2230 = arith.cmpf olt, %sub3A_2229, %select_n3A_2222 : vector<128x128xf32>
    %select_n3A_2231 = arith.select %lt3A_2230, %sub3A_2229, %select_n3A_2222 : vector<128x128xi1>, vector<128x128xf32>
    %jit3A_2232 = arith.constant 2.600000e+01 : f32
    %broadcast_in_dim3A_2233 = vector.broadcast %jit3A_2232 : f32 to vector<128x128xf32>
    %select_n3A_2234 = arith.select %lt3A_2230, %broadcast_in_dim3A_2233, %select_n3A_2225 : vector<128x128xi1>, vector<128x128xf32>
    %slice3A_2235 = vector.extract_strided_slice %dot_general3A_5 {offsets = [896, 3456], sizes = [128, 128], strides = [1, 1]} : vector<1024x4096xf32> to vector<128x128xf32>
    %sub3A_2236 = arith.constant 1.000000e+00 : f32
    %sub3A_2237 = vector.broadcast %sub3A_2236 : f32 to vector<128x128xf32>
    %sub3A_2238 = arith.subf %sub3A_2237, %slice3A_2235 : vector<128x128xf32>
    %lt3A_2239 = arith.cmpf olt, %sub3A_2238, %select_n3A_2231 : vector<128x128xf32>
    %select_n3A_2240 = arith.select %lt3A_2239, %sub3A_2238, %select_n3A_2231 : vector<128x128xi1>, vector<128x128xf32>
    %jit3A_2241 = arith.constant 2.700000e+01 : f32
    %broadcast_in_dim3A_2242 = vector.broadcast %jit3A_2241 : f32 to vector<128x128xf32>
    %select_n3A_2243 = arith.select %lt3A_2239, %broadcast_in_dim3A_2242, %select_n3A_2234 : vector<128x128xi1>, vector<128x128xf32>
    %slice3A_2244 = vector.extract_strided_slice %dot_general3A_5 {offsets = [896, 3584], sizes = [128, 128], strides = [1, 1]} : vector<1024x4096xf32> to vector<128x128xf32>
    %sub3A_2245 = arith.constant 1.000000e+00 : f32
    %sub3A_2246 = vector.broadcast %sub3A_2245 : f32 to vector<128x128xf32>
    %sub3A_2247 = arith.subf %sub3A_2246, %slice3A_2244 : vector<128x128xf32>
    %lt3A_2248 = arith.cmpf olt, %sub3A_2247, %select_n3A_2240 : vector<128x128xf32>
    %select_n3A_2249 = arith.select %lt3A_2248, %sub3A_2247, %select_n3A_2240 : vector<128x128xi1>, vector<128x128xf32>
    %jit3A_2250 = arith.constant 2.800000e+01 : f32
    %broadcast_in_dim3A_2251 = vector.broadcast %jit3A_2250 : f32 to vector<128x128xf32>
    %select_n3A_2252 = arith.select %lt3A_2248, %broadcast_in_dim3A_2251, %select_n3A_2243 : vector<128x128xi1>, vector<128x128xf32>
    %slice3A_2253 = vector.extract_strided_slice %dot_general3A_5 {offsets = [896, 3712], sizes = [128, 128], strides = [1, 1]} : vector<1024x4096xf32> to vector<128x128xf32>
    %sub3A_2254 = arith.constant 1.000000e+00 : f32
    %sub3A_2255 = vector.broadcast %sub3A_2254 : f32 to vector<128x128xf32>
    %sub3A_2256 = arith.subf %sub3A_2255, %slice3A_2253 : vector<128x128xf32>
    %lt3A_2257 = arith.cmpf olt, %sub3A_2256, %select_n3A_2249 : vector<128x128xf32>
    %select_n3A_2258 = arith.select %lt3A_2257, %sub3A_2256, %select_n3A_2249 : vector<128x128xi1>, vector<128x128xf32>
    %jit3A_2259 = arith.constant 2.900000e+01 : f32
    %broadcast_in_dim3A_2260 = vector.broadcast %jit3A_2259 : f32 to vector<128x128xf32>
    %select_n3A_2261 = arith.select %lt3A_2257, %broadcast_in_dim3A_2260, %select_n3A_2252 : vector<128x128xi1>, vector<128x128xf32>
    %slice3A_2262 = vector.extract_strided_slice %dot_general3A_5 {offsets = [896, 3840], sizes = [128, 128], strides = [1, 1]} : vector<1024x4096xf32> to vector<128x128xf32>
    %sub3A_2263 = arith.constant 1.000000e+00 : f32
    %sub3A_2264 = vector.broadcast %sub3A_2263 : f32 to vector<128x128xf32>
    %sub3A_2265 = arith.subf %sub3A_2264, %slice3A_2262 : vector<128x128xf32>
    %lt3A_2266 = arith.cmpf olt, %sub3A_2265, %select_n3A_2258 : vector<128x128xf32>
    %select_n3A_2267 = arith.select %lt3A_2266, %sub3A_2265, %select_n3A_2258 : vector<128x128xi1>, vector<128x128xf32>
    %jit3A_2268 = arith.constant 3.000000e+01 : f32
    %broadcast_in_dim3A_2269 = vector.broadcast %jit3A_2268 : f32 to vector<128x128xf32>
    %select_n3A_2270 = arith.select %lt3A_2266, %broadcast_in_dim3A_2269, %select_n3A_2261 : vector<128x128xi1>, vector<128x128xf32>
    %slice3A_2271 = vector.extract_strided_slice %dot_general3A_5 {offsets = [896, 3968], sizes = [128, 128], strides = [1, 1]} : vector<1024x4096xf32> to vector<128x128xf32>
    %sub3A_2272 = arith.constant 1.000000e+00 : f32
    %sub3A_2273 = vector.broadcast %sub3A_2272 : f32 to vector<128x128xf32>
    %sub3A_2274 = arith.subf %sub3A_2273, %slice3A_2271 : vector<128x128xf32>
    %lt3A_2275 = arith.cmpf olt, %sub3A_2274, %select_n3A_2267 : vector<128x128xf32>
    %select_n3A_2276 = arith.select %lt3A_2275, %sub3A_2274, %select_n3A_2267 : vector<128x128xi1>, vector<128x128xf32>
    %jit3A_2277 = arith.constant 3.100000e+01 : f32
    %broadcast_in_dim3A_2278 = vector.broadcast %jit3A_2277 : f32 to vector<128x128xf32>
    %select_n3A_2279 = arith.select %lt3A_2275, %broadcast_in_dim3A_2278, %select_n3A_2270 : vector<128x128xi1>, vector<128x128xf32>
    %concatenate3A = tpu.concatenate %select_n3A_281, %select_n3A_566, %select_n3A_851, %select_n3A_1136, %select_n3A_1421, %select_n3A_1706, %select_n3A_1991, %select_n3A_2276 in 0 : vector<128x128xf32>, vector<128x128xf32>, vector<128x128xf32>, vector<128x128xf32>, vector<128x128xf32>, vector<128x128xf32>, vector<128x128xf32>, vector<128x128xf32> -> vector<1024x128xf32>
    %concatenate3A_2280 = tpu.concatenate %select_n3A_284, %select_n3A_569, %select_n3A_854, %select_n3A_1139, %select_n3A_1424, %select_n3A_1709, %select_n3A_1994, %select_n3A_2279 in 0 : vector<128x128xf32>, vector<128x128xf32>, vector<128x128xf32>, vector<128x128xf32>, vector<128x128xf32>, vector<128x128xf32>, vector<128x128xf32>, vector<128x128xf32> -> vector<1024x128xf32>
    %convert_element_type3A = arith.fptosi %concatenate3A_2280 : vector<1024x128xf32> to vector<1024x128xi32>
    %iota3A = tpu.iota {dimensions = array<i32: 1>} : vector<1024x128xi32>
    %reduce_min3A = arith.constant dense<0x7F800000> : vector<1024xf32>
    %reduce_min3A_2281 = vector.multi_reduction <minimumf>, %concatenate3A, %reduce_min3A [1] : vector<1024x128xf32> to vector<1024xf32>
    %broadcast_in_dim3A_2282 = vector.shape_cast %reduce_min3A_2281 : vector<1024xf32> to vector<1024x1xf32>
    %mul3A = arith.constant 32 : i32
    %mul3A_2283 = arith.muli %arg0, %mul3A : i32
    %add3A = vector.broadcast %mul3A_2283 : i32 to vector<1024x128xi32>
    %add3A_2284 = arith.addi %add3A, %convert_element_type3A : vector<1024x128xi32>
    %mul3A_2285 = arith.constant 128 : i32
    %mul3A_2286 = vector.broadcast %mul3A_2285 : i32 to vector<1024x128xi32>
    %mul3A_2287 = arith.muli %add3A_2284, %mul3A_2286 : vector<1024x128xi32>
    %add3A_2288 = arith.addi %mul3A_2287, %iota3A : vector<1024x128xi32>
    %eq3A = vector.broadcast %broadcast_in_dim3A_2282 : vector<1024x1xf32> to vector<1024x128xf32>
    %eq3A_2289 = arith.cmpf oeq, %concatenate3A, %eq3A : vector<1024x128xf32>
    %jit3A_2290 = arith.constant 1073741824 : i32
    %broadcast_in_dim3A_2291 = vector.broadcast %jit3A_2290 : i32 to vector<1024x128xi32>
    %select_n3A_2292 = arith.select %eq3A_2289, %add3A_2288, %broadcast_in_dim3A_2291 : vector<1024x128xi1>, vector<1024x128xi32>
    %reduce_min3A_2293 = arith.constant dense<2147483647> : vector<1024xi32>
    %reduce_min3A_2294 = vector.multi_reduction <minsi>, %select_n3A_2292, %reduce_min3A_2293 [1] : vector<1024x128xi32> to vector<1024xi32>
    %broadcast_in_dim3A_2295 = vector.shape_cast %reduce_min3A_2294 : vector<1024xi32> to vector<1024x1xi32>
    %eq3A_2296 = arith.constant 0 : i32
    %eq3A_2297 = arith.cmpi eq, %arg0, %eq3A_2296 : i32
    %convert_element_type3A_2298 = arith.extui %eq3A_2297 : i1 to i32
    %cond3A = arith.constant 0 : i32
    %cond3A_2299 = arith.cmpi ne, %convert_element_type3A_2298, %cond3A : i32
    scf.if %cond3A_2299 {
      %convert_element_type3A_2305 = arith.truncf %broadcast_in_dim3A_2282 : vector<1024x1xf32> to vector<1024x1xbf16>
      %convert_element_type3A_2306 = arith.extf %convert_element_type3A_2305 : vector<1024x1xbf16> to vector<1024x1xf32>
      %swap3A = arith.index_cast %arg1 : i32 to index
      %swap3A_2307 = arith.constant 0 : index
      %swap3A_2308 = arith.constant 0 : index
      %swap3A_2309 = vector.load %arg5[%swap3A, %swap3A_2307, %swap3A_2308] : memref<8x1024x1xf32, #tpu.memory_space<vmem>>, vector<1x1024x1xf32>
      %swap3A_2310 = vector.shape_cast %swap3A_2309 : vector<1x1024x1xf32> to vector<1024x1xf32>
      %swap3A_2311 = vector.shape_cast %convert_element_type3A_2306 : vector<1024x1xf32> to vector<1x1024x1xf32>
      tpu.vector_store %arg5[%swap3A, %swap3A_2307, %swap3A_2308], %swap3A_2311 {strides = array<i32>} : memref<8x1024x1xf32, #tpu.memory_space<vmem>>, vector<1x1024x1xf32>,
      %swap3A_2312 = arith.index_cast %arg1 : i32 to index
      %swap3A_2313 = arith.constant 0 : index
      %swap3A_2314 = arith.constant 0 : index
      %swap3A_2315 = vector.load %arg6[%swap3A_2312, %swap3A_2313, %swap3A_2314] : memref<8x1024x1xi32, #tpu.memory_space<vmem>>, vector<1x1024x1xi32>
      %swap3A_2316 = vector.shape_cast %swap3A_2315 : vector<1x1024x1xi32> to vector<1024x1xi32>
      %swap3A_2317 = vector.shape_cast %broadcast_in_dim3A_2295 : vector<1024x1xi32> to vector<1x1024x1xi32>
      tpu.vector_store %arg6[%swap3A_2312, %swap3A_2313, %swap3A_2314], %swap3A_2317 {strides = array<i32>} : memref<8x1024x1xi32, #tpu.memory_space<vmem>>, vector<1x1024x1xi32>,
    } else {
    }
    %eq3A_2300 = arith.constant 1 : i32
    %eq3A_2301 = arith.cmpi eq, %arg0, %eq3A_2300 : i32
    %convert_element_type3A_2302 = arith.extui %eq3A_2301 : i1 to i32
    %cond3A_2303 = arith.constant 0 : i32
    %cond3A_2304 = arith.cmpi ne, %convert_element_type3A_2302, %cond3A_2303 : i32
    scf.if %cond3A_2304 {
      %get3A_2305 = arith.index_cast %arg1 : i32 to index
      %get3A_2306 = arith.constant 0 : index
      %get3A_2307 = arith.constant 0 : index
      %get3A_2308 = vector.load %arg5[%get3A_2305, %get3A_2306, %get3A_2307] : memref<8x1024x1xf32, #tpu.memory_space<vmem>>, vector<1x1024x1xf32>
      %get3A_2309 = vector.shape_cast %get3A_2308 : vector<1x1024x1xf32> to vector<1024x1xf32>
      %lt3A_2310 = arith.cmpf olt, %broadcast_in_dim3A_2282, %get3A_2309 : vector<1024x1xf32>
      %get3A_2311 = arith.index_cast %arg1 : i32 to index
      %get3A_2312 = arith.constant 0 : index
      %get3A_2313 = arith.constant 0 : index
      %get3A_2314 = vector.load %arg6[%get3A_2311, %get3A_2312, %get3A_2313] : memref<8x1024x1xi32, #tpu.memory_space<vmem>>, vector<1x1024x1xi32>
      %get3A_2315 = vector.shape_cast %get3A_2314 : vector<1x1024x1xi32> to vector<1024x1xi32>
      %select_n3A_2316 = arith.select %lt3A_2310, %broadcast_in_dim3A_2295, %get3A_2315 : vector<1024x1xi1>, vector<1024x1xi32>
      %reshape3A = vector.shape_cast %select_n3A_2316 : vector<1024x1xi32> to vector<1x1x1024xi32>
      %swap3A = arith.constant 0 : index
      %swap3A_2317 = arith.constant 0 : index
      %swap3A_2318 = arith.constant 0 : index
      %swap3A_2319 = vector.load %arg4[%swap3A, %swap3A_2317, %swap3A_2318] : memref<1x1x1024xi32, #tpu.memory_space<vmem>>, vector<1x1x1024xi32>
      tpu.vector_store %arg4[%swap3A, %swap3A_2317, %swap3A_2318], %reshape3A {strides = array<i32>} : memref<1x1x1024xi32, #tpu.memory_space<vmem>>, vector<1x1x1024xi32>,
    } else {
    }
    return
  }
  func.func @transform_0(%arg0: i32, %arg1: i32) -> (i32, i32) {
    %c0_i32 = arith.constant 0 : i32
    %c0_i32_0 = arith.constant 0 : i32
    return %arg1, %c0_i32 : i32, i32
  }
  func.func @transform_1(%arg0: i32, %arg1: i32) -> (i32, i32) {
    %c0_i32 = arith.constant 0 : i32
    %c0_i32_0 = arith.constant 0 : i32
    return %arg0, %c0_i32 : i32, i32
  }
  func.func @transform_2(%arg0: i32, %arg1: i32) -> (i32, i32, i32) {
    %c0_i32 = arith.constant 0 : i32
    %c0_i32_0 = arith.constant 0 : i32
    %c0_i32_1 = arith.constant 0 : i32
    return %arg1, %c0_i32, %c0_i32_0 : i32, i32, i32
  }
}

module attributes {stable_mosaic.version = 14 : i64} {
  func.func @_proj_body(%arg0: i32, %arg1: memref<4096x256xf32, #tpu.memory_space<vmem>>, %arg2: memref<4096x256xf32, #tpu.memory_space<vmem>>, %arg3: memref<4096x256xf32, #tpu.memory_space<vmem>>, %arg4: memref<4096x1xf32, #tpu.memory_space<vmem>>, %arg5: memref<1x1xf32, #tpu.memory_space<vmem>>, %arg6: memref<1x1xf32, #tpu.memory_space<smem>>) attributes {dimension_semantics = [#tpu.dimension_semantics<arbitrary>], iteration_bounds = array<i64: 2>, scalar_prefetch = 0 : i64, scratch_operands = 1 : i64, tpu.core_type = #tpu.core_type<tc>, window_params = [{transform_indices = @transform_0, window_bounds = array<i64: 4096, 256>}, {transform_indices = @transform_1, window_bounds = array<i64: 4096, 256>}, {transform_indices = @transform_2, window_bounds = array<i64: 4096, 256>}, {transform_indices = @transform_3, window_bounds = array<i64: 4096, 1>}, {pipeline_mode = #tpu.pipeline_mode<synchronous>, transform_indices = @transform_4, window_bounds = array<i64: 1, 1>}]} {
    %get3A = arith.constant 0 : index
    %get3A_0 = arith.constant 0 : index
    %get3A_1 = vector.load %arg1[%get3A, %get3A_0] : memref<4096x256xf32, #tpu.memory_space<vmem>>, vector<4096x256xf32>
    %get3A_2 = arith.constant 0 : index
    %get3A_3 = arith.constant 0 : index
    %get3A_4 = vector.load %arg2[%get3A_2, %get3A_3] : memref<4096x256xf32, #tpu.memory_space<vmem>>, vector<4096x256xf32>
    %mul3A = arith.mulf %get3A_1, %get3A_4 : vector<4096x256xf32>
    %reduce_sum3A = arith.constant dense<0.000000e+00> : vector<4096xf32>
    %reduce_sum3A_5 = vector.multi_reduction <add>, %mul3A, %reduce_sum3A [1] : vector<4096x256xf32> to vector<4096xf32>
    %broadcast_in_dim3A = vector.shape_cast %reduce_sum3A_5 : vector<4096xf32> to vector<4096x1xf32>
    %mul3A_6 = arith.mulf %get3A_4, %get3A_4 : vector<4096x256xf32>
    %reduce_sum3A_7 = arith.constant dense<0.000000e+00> : vector<4096xf32>
    %reduce_sum3A_8 = vector.multi_reduction <add>, %mul3A_6, %reduce_sum3A_7 [1] : vector<4096x256xf32> to vector<4096xf32>
    %broadcast_in_dim3A_9 = vector.shape_cast %reduce_sum3A_8 : vector<4096xf32> to vector<4096x1xf32>
    %add3A = arith.constant 9.99999993E-9 : f32
    %add3A_10 = vector.broadcast %add3A : f32 to vector<4096x1xf32>
    %add3A_11 = arith.addf %broadcast_in_dim3A_9, %add3A_10 : vector<4096x1xf32>
    %div3A = arith.divf %broadcast_in_dim3A, %add3A_11 : vector<4096x1xf32>
    %mul3A_12 = vector.broadcast %div3A : vector<4096x1xf32> to vector<4096x256xf32>
    %mul3A_13 = arith.mulf %mul3A_12, %get3A_4 : vector<4096x256xf32>
    %sub3A = arith.subf %mul3A_13, %get3A_1 : vector<4096x256xf32>
    %add3A_14 = arith.addf %get3A_1, %sub3A : vector<4096x256xf32>
    %swap3A = arith.constant 0 : index
    %swap3A_15 = arith.constant 0 : index
    %swap3A_16 = vector.load %arg3[%swap3A, %swap3A_15] : memref<4096x256xf32, #tpu.memory_space<vmem>>, vector<4096x256xf32>
    tpu.vector_store %arg3[%swap3A, %swap3A_15], %add3A_14 {strides = array<i32>} : memref<4096x256xf32, #tpu.memory_space<vmem>>, vector<4096x256xf32>,
    %swap3A_17 = arith.constant 0 : index
    %swap3A_18 = arith.constant 0 : index
    %swap3A_19 = vector.load %arg4[%swap3A_17, %swap3A_18] : memref<4096x1xf32, #tpu.memory_space<vmem>>, vector<4096x1xf32>
    tpu.vector_store %arg4[%swap3A_17, %swap3A_18], %div3A {strides = array<i32>} : memref<4096x1xf32, #tpu.memory_space<vmem>>, vector<4096x1xf32>,
    %mul3A_20 = arith.mulf %mul3A_13, %get3A_1 : vector<4096x256xf32>
    %reduce_sum3A_21 = arith.constant dense<0.000000e+00> : vector<4096xf32>
    %reduce_sum3A_22 = vector.multi_reduction <add>, %mul3A_20, %reduce_sum3A_21 [1] : vector<4096x256xf32> to vector<4096xf32>
    %mul3A_23 = arith.mulf %mul3A_13, %mul3A_13 : vector<4096x256xf32>
    %reduce_sum3A_24 = arith.constant dense<0.000000e+00> : vector<4096xf32>
    %reduce_sum3A_25 = vector.multi_reduction <add>, %mul3A_23, %reduce_sum3A_24 [1] : vector<4096x256xf32> to vector<4096xf32>
    %sqrt3A = math.sqrt %reduce_sum3A_25 : vector<4096xf32>
    %mul3A_26 = arith.mulf %get3A_1, %get3A_1 : vector<4096x256xf32>
    %reduce_sum3A_27 = arith.constant dense<0.000000e+00> : vector<4096xf32>
    %reduce_sum3A_28 = vector.multi_reduction <add>, %mul3A_26, %reduce_sum3A_27 [1] : vector<4096x256xf32> to vector<4096xf32>
    %sqrt3A_29 = math.sqrt %reduce_sum3A_28 : vector<4096xf32>
    %max3A = arith.constant 9.99999993E-9 : f32
    %max3A_30 = vector.broadcast %max3A : f32 to vector<4096xf32>
    %max3A_31 = arith.maximumf %sqrt3A, %max3A_30 : vector<4096xf32>
    %max3A_32 = arith.constant 9.99999993E-9 : f32
    %max3A_33 = vector.broadcast %max3A_32 : f32 to vector<4096xf32>
    %max3A_34 = arith.maximumf %sqrt3A_29, %max3A_33 : vector<4096xf32>
    %mul3A_35 = arith.mulf %max3A_31, %max3A_34 : vector<4096xf32>
    %div3A_36 = arith.divf %reduce_sum3A_22, %mul3A_35 : vector<4096xf32>
    %sub3A_37 = arith.constant 1.000000e+00 : f32
    %sub3A_38 = vector.broadcast %sub3A_37 : f32 to vector<4096xf32>
    %sub3A_39 = arith.subf %sub3A_38, %div3A_36 : vector<4096xf32>
    %reduce_sum3A_40 = vector.shape_cast %sub3A_39 : vector<4096xf32> to vector<1x4096xf32>
    %reduce_sum3A_41 = arith.constant dense<0.000000e+00> : vector<1xf32>
    %reduce_sum3A_42 = vector.multi_reduction <add>, %reduce_sum3A_40, %reduce_sum3A_41 [1] : vector<1x4096xf32> to vector<1xf32>
    %reduce_sum3A_43 = vector.shape_cast %reduce_sum3A_42 : vector<1xf32> to vector<1x1xf32>
    %reduce_sum3A_44 = vector.extract %reduce_sum3A_43[0, 0] : f32 from vector<1x1xf32>
    %eq3A = arith.constant 0 : i32
    %eq3A_45 = arith.cmpi eq, %arg0, %eq3A : i32
    %convert_element_type3A = arith.extui %eq3A_45 : i1 to i32
    %cond3A = arith.constant 0 : i32
    %cond3A_46 = arith.cmpi ne, %convert_element_type3A, %cond3A : i32
    scf.if %cond3A_46 {
      %swap3A_59 = arith.constant 0.000000e+00 : f32
      %swap3A_60 = arith.constant 0 : index
      %swap3A_61 = arith.constant 0 : index
      %swap3A_62 = memref.load %arg6[%swap3A_60, %swap3A_61] : memref<1x1xf32, #tpu.memory_space<smem>>
      memref.store %swap3A_59, %arg6[%swap3A_60, %swap3A_61] : memref<1x1xf32, #tpu.memory_space<smem>>
    } else {
    }
    %get3A_47 = arith.constant 0 : index
    %get3A_48 = arith.constant 0 : index
    %get3A_49 = memref.load %arg6[%get3A_47, %get3A_48] : memref<1x1xf32, #tpu.memory_space<smem>>
    %add3A_50 = arith.addf %get3A_49, %reduce_sum3A_44 : f32
    %swap3A_51 = arith.constant 0 : index
    %swap3A_52 = arith.constant 0 : index
    %swap3A_53 = memref.load %arg6[%swap3A_51, %swap3A_52] : memref<1x1xf32, #tpu.memory_space<smem>>
    memref.store %add3A_50, %arg6[%swap3A_51, %swap3A_52] : memref<1x1xf32, #tpu.memory_space<smem>>
    %eq3A_54 = arith.constant 1 : i32
    %eq3A_55 = arith.cmpi eq, %arg0, %eq3A_54 : i32
    %convert_element_type3A_56 = arith.extui %eq3A_55 : i1 to i32
    %cond3A_57 = arith.constant 0 : i32
    %cond3A_58 = arith.cmpi ne, %convert_element_type3A_56, %cond3A_57 : i32
    scf.if %cond3A_58 {
      %get3A_59 = arith.constant 0 : index
      %get3A_60 = arith.constant 0 : index
      %get3A_61 = memref.load %arg6[%get3A_59, %get3A_60] : memref<1x1xf32, #tpu.memory_space<smem>>
      %div3A_62 = arith.constant 8.192000e+03 : f32
      %div3A_63 = arith.divf %get3A_61, %div3A_62 : f32
      %mul3A_64 = arith.constant 2.500000e-01 : f32
      %mul3A_65 = arith.mulf %mul3A_64, %div3A_63 : f32
      %broadcast_in_dim3A_66 = vector.broadcast %mul3A_65 : f32 to vector<1x1xf32>
      %swap3A_67 = arith.constant 0 : index
      %swap3A_68 = arith.constant 0 : index
      %swap3A_69 = vector.load %arg5[%swap3A_67, %swap3A_68] : memref<1x1xf32, #tpu.memory_space<vmem>>, vector<1x1xf32>
      tpu.vector_store %arg5[%swap3A_67, %swap3A_68], %broadcast_in_dim3A_66 {strides = array<i32>} : memref<1x1xf32, #tpu.memory_space<vmem>>, vector<1x1xf32>,
    } else {
    }
    return
  }
  func.func @transform_0(%arg0: i32) -> (i32, i32) {
    %c0_i32 = arith.constant 0 : i32
    %c0_i32_0 = arith.constant 0 : i32
    return %arg0, %c0_i32 : i32, i32
  }
  func.func @transform_1(%arg0: i32) -> (i32, i32) {
    %c0_i32 = arith.constant 0 : i32
    %c0_i32_0 = arith.constant 0 : i32
    return %arg0, %c0_i32 : i32, i32
  }
  func.func @transform_2(%arg0: i32) -> (i32, i32) {
    %c0_i32 = arith.constant 0 : i32
    %c0_i32_0 = arith.constant 0 : i32
    return %arg0, %c0_i32 : i32, i32
  }
  func.func @transform_3(%arg0: i32) -> (i32, i32) {
    %c0_i32 = arith.constant 0 : i32
    %c0_i32_0 = arith.constant 0 : i32
    return %arg0, %c0_i32 : i32, i32
  }
  func.func @transform_4(%arg0: i32) -> (i32, i32) {
    %c0_i32 = arith.constant 0 : i32
    %c0_i32_0 = arith.constant 0 : i32
    %c0_i32_1 = arith.constant 0 : i32
    return %c0_i32, %c0_i32_0 : i32, i32
  }
}

</mosaic_0001>

<sc_bundles>
// kernel: kernel.5.cloned.1.call-start
scs
__scs_entry_jumppad:
0x0: {  	(pc) =	sbr.rel $0x88, $3  }
0x1: {  	(tag) =	ssettag $0x0;
	lr =	simm.s32 $0x1  }
0x2: {  	[smem:$0x3F9F] =	sst lr;
	_ =	strace $0xD0000000  }
0x3: {  	_ = 	snop  }
0x4: {  	_ = 	snop  }
0x5: {  	_ = 	snop  }
0x6: {  	_ = 	snop  }
0x7: {  	_ = 	snop  }
__scs_overlays_trampoline_lowered:
0x8: {  	[smem:$0x3FAE] =	sst s0  }
0x9: {  	[smem:$0x3FAF] =	sst s1  }
0xa: {  	[smem:$0x3FB0] =	sst s2  }
0xb: {  	[smem:$0x3FB1] =	sst s3  }
0xc: {  	[smem:$0x3FB2] =	sst s4  }
0xd: {  	[smem:$0x3FB3] =	sst s5  }
0xe: {  	[smem:$0x3FB4] =	sst s6  }
0xf: {  	[smem:$0x3FB5] =	sst s7  }
0x10: {  	[smem:$0x3FB6] =	sst s8  }
0x11: {  	[smem:$0x3FB7] =	sst s9;
	s0 =	simm.s32 @!p0 $0x0  }
0x12: {  	s1 =	sld [smem:$0x3F9D];
	s0 =	simm.s32 @p0 $0x1  }
0x13: {  	[smem:$0x3FB8] =	sst s0;
	s0 =	simm.s32 @!p1 $0x0  }
0x14: {  	s2 =	sld [smem:$0x3F9C];
	s0 =	simm.s32 @p1 $0x1  }
0x15: {  	[smem:$0x3FB9] =	sst s0;
	s0 =	simm.s32 @!p2 $0x0  }
0x16: {  	s3 =	sld [smem:$0x3FDB];
	s0 =	simm.s32 @p2 $0x1  }
0x17: {  	s4 =	simm.s32 $0x1BF5;
	[smem:$0x3FBB] =	sst s0  }
0x18: {  	s0 =	sld [smem:$0x3F9E];
	_ =	swait.ge [sflag:s4], $0x0  }
0x19: {  	s7 =	sld [smem:$0x3F9F]  }
0x1a: {  	s8 =	sadd.s32 $0xFFFFE003, lr  }
0x1b: {  	s9 =	sadd.s32 $0xFFFFFEF7, lr;
	s5 =	simm.s32 $0xFFFFFFFF;
	p2 =	slt.u32 s8, $0xFFFFF086  }
0x1c: {  	p1 =	slt.u32 s9, $0xF7A;
	s5 =	simm.s32 @!p2 $0x0  }
0x1d: {  	s5 =	simm.s32 @p1 $0x1;
	p0 =	seq.s32 s7, s2  }
0x1e: {  	s7 =	smul.u32 @!p0 $0xF7A, s2;
	p2 =	seq.s32 @!p0 s5, $0x0  }
0x1f: {  	s9 =	smul.u32 $0xF7A, s1;
	s8 =	simm.s32 @!p0 $0x1BF5;
	p2 =	por !p2, p0  }
0x20: {  	[sflag:s8] =	ssyncset.s32 @!p0 $0xFFFFF086;
	s6 =	sadd.s32 @!p0 s3, s7;
	s7 =	simm.s32 @!p0 $0x108  }
0x21: {  	s3 =	sadd.s32 s3, s9;
	s6 =	sadd.s32 @!p0 $0x88, s6;
	s7 =	simm.s32 @p2 $0x1082  }
0x22: {  	[simem:s7], [sflag:s8] =	dma.local @!p0 [hbm:s6], $0xF7A  }
0x23: {  	s9 =	sor.u32 $0xD0000000, s2;
	s6 =	simm.s32 $0x108;
	_ =	swait.ge @!p0 [sflag:s8], $0x0  }
0x24: {  	s3 =	sadd.s32 $0x88, s3;
	s6 =	simm.s32 @!p1 $0x1082;
	[sflag:s4] =	ssyncset.s32 $0xFFFFF086  }
0x25: {  	[simem:s6], [sflag:s4] =	dma.local [hbm:s3], $0xF7A  }
0x26: {  	[smem:$0x3F9F] =	sst s1;
	(tag) =	ssettag s2;
	_ =	strace s9  }
0x27: {  	s1 =	sld [smem:$0x3FAF]  }
0x28: {  	s2 =	sld [smem:$0x3FB0]  }
0x29: {  	s4 =	sld [smem:$0x3FB2]  }
0x2a: {  	p0 =	seq.s32 s5, $0x0;
	s5 =	sld [smem:$0x3FB3]  }
0x2b: {  	s6 =	sld [smem:$0x3FB4]  }
0x2c: {  	s7 =	sld [smem:$0x3FB5]  }
0x2d: {  	s3 =	simm.s32 $0x108;
	s8 =	sld [smem:$0x3FB6]  }
0x2e: {  	s3 =	simm.s32 @!p0 $0x1082;
	s9 =	sld [smem:$0x3FB7]  }
0x2f: {  	lr =	sadd.s32 s0, s3;
	s0 =	sld [smem:$0x3FAE]  }
0x30: {  	s3 =	sld [smem:$0x3FB1]  }
0x31: {  	[smem:$0x3FBA] =	sst s10  }
0x32: {  	s10 =	sld [smem:$0x3FB8];
	_ =	sdelay $0x3  }
0x33: {  	p0 =	seq.s32 s10, $0x1;
	s10 =	sld [smem:$0x3FBA];
	_ =	sdelay $0x3  }
0x34: {  	[smem:$0x3FBA] =	sst s10  }
0x35: {  	s10 =	sld [smem:$0x3FB9];
	_ =	sdelay $0x3  }
0x36: {  	p1 =	seq.s32 s10, $0x1;
	s10 =	sld [smem:$0x3FBA];
	_ =	sdelay $0x3  }
0x37: {  	[smem:$0x3FBA] =	sst s10  }
0x38: {  	s10 =	sld [smem:$0x3FBB]  }
0x39: {  	_ = 	snop;
	(pc) =	sbr.ind lr, $3  }
0x3a: {  	_ = 	snop  }
0x3b: {  	_ = 	snop  }
0x3c: {  	p2 =	seq.s32 s10, $0x1;
	s10 =	sld [smem:$0x3FBA]  }
0x3d: {  	_ =	shalt  }
0x3e: {  	_ =	shalt  }
0x3f: {  	_ =	shalt  }
0x40: {  	_ =	shalt  }
0x41: {  	_ =	shalt  }
0x42: {  	_ =	shalt  }
0x43: {  	_ =	shalt  }
0x44: {  	_ =	shalt  }
0x45: {  	_ =	shalt  }
0x46: {  	_ =	shalt  }
0x47: {  	_ =	shalt  }
0x48: {  	_ =	shalt  }
0x49: {  	_ =	shalt  }
0x4a: {  	_ =	shalt  }
0x4b: {  	_ =	shalt  }
0x4c: {  	_ =	shalt  }
0x4d: {  	_ =	shalt  }
0x4e: {  	_ =	shalt  }
0x4f: {  	_ =	shalt  }
0x50: {  	_ =	shalt  }
0x51: {  	_ =	shalt  }
0x52: {  	_ =	shalt  }
0x53: {  	_ =	shalt  }
0x54: {  	_ =	shalt  }
0x55: {  	_ =	shalt  }
0x56: {  	_ =	shalt  }
0x57: {  	_ =	shalt  }
0x58: {  	_ =	shalt  }
0x59: {  	_ =	shalt  }
0x5a: {  	_ =	shalt  }
0x5b: {  	_ =	shalt  }
0x5c: {  	_ =	shalt  }
0x5d: {  	_ =	shalt  }
0x5e: {  	_ =	shalt  }
0x5f: {  	_ =	shalt  }
0x60: {  	_ =	shalt  }
0x61: {  	_ =	shalt  }
0x62: {  	_ =	shalt  }
0x63: {  	_ =	shalt  }
0x64: {  	_ =	shalt  }
0x65: {  	_ =	shalt  }
0x66: {  	_ =	shalt  }
0x67: {  	_ =	shalt  }
0x68: {  	_ =	shalt  }
0x69: {  	_ =	shalt  }
0x6a: {  	_ =	shalt  }
0x6b: {  	_ =	shalt  }
0x6c: {  	_ =	shalt  }
0x6d: {  	_ =	shalt  }
0x6e: {  	_ =	shalt  }
0x6f: {  	_ =	shalt  }
0x70: {  	_ =	shalt  }
0x71: {  	_ =	shalt  }
0x72: {  	_ =	shalt  }
0x73: {  	_ =	shalt  }
0x74: {  	_ =	shalt  }
0x75: {  	_ =	shalt  }
0x76: {  	_ =	shalt  }
0x77: {  	_ =	shalt  }
0x78: {  	_ =	shalt  }
0x79: {  	_ =	shalt  }
0x7a: {  	_ =	shalt  }
0x7b: {  	_ =	shalt  }
0x7c: {  	_ =	shalt  }
0x7d: {  	_ =	shalt  }
0x7e: {  	_ =	shalt  }
0x7f: {  	_ =	shalt  }
0x80: {  	_ =	shalt  }
0x81: {  	_ =	shalt  }
0x82: {  	_ =	shalt  }
0x83: {  	_ =	shalt  }
0x84: {  	_ =	shalt  }
0x85: {  	_ =	shalt  }
0x86: {  	_ =	shalt  }
0x87: {  	_ =	shalt  }
.Lfunc_end0:
.L_simem_size_0:
called_computation_lowered:
.L_overlay_start_0:
0x88: {  	s2 =	sld [smem:$0x3FD9]  }
0x89: {  	s3 =	sld [smem:$0x3FFE];
	_ =	sdelay $0x1  }
0x8a: {  	s1 =	srdreg.scid  }
0x8b: {  	s0 =	sand.u32 $0x1, s1  }
0x8c: {  	s15 =	sshll.u32 s0, $0xA;
	s2 =	sadd.s32 s3, s2  }
0x8d: {  	s2 =	sadd.s32 s2, s15  }
0x8e: {  	[smem:$0x3FC6] =	sst s2  }
0x8f: {  	_ = 	snop  }
0x90: {  	s2 =	sld [smem:$0x3FD0];
	_ =	sdelay $0x2  }
0x91: {  	s4 =	simm.s32 $0xA;
	s5 =	simm.s32 $0x10;
	s16 =	sld [smem:$0x3FC8]  }
0x92: {  	[smem:s5], [sflag:s4] =	dma.local [hbm:s2], $0x1  }
0x93: {  	_ =	swait.eq [sflag:s4], $0x1  }
0x94: {  	[sflag:s4] =	ssyncset.done $0x0  }
0x95: {  	s17 =	sld [smem:$0x10];
	[sflag:s4] =	ssyncadd.s32 $0xFFFFFFFF  }
0x96: {  	s18 =	sld [smem:$0x12];
	(tm) =	ssettm $0x1  }
0x97: {  	s19 =	sld [smem:$0x3FFB];
	_ =	sdelay $0x3  }
0x98: {  	_ =	strace s19  }
0x99: {  	s5 =	sld [smem:$0x3FFC];
	_ =	sdelay $0x3  }
0x9a: {  	_ =	strace s5  }
0x9b: {  	s5 =	sld [smem:$0x3FFD];
	_ =	sdelay $0x3  }
0x9c: {  	_ =	strace s5  }
0x9d: {  	_ =	strace $0x8FFFFFFF  }
0x9e: {  	s20 =	sld [smem:$0x3FDB];
	_ =	sdelay $0x1  }
0x9f: {  	s6 =	simm.s32 $_scs_section_size  }
0xa0: {  	s7 =	simm.s32 $_size__tile_overlayer_lowered;
	s8 =	simm.s32 $_tile_overlayer_lowered  }
0xa1: {  	s23 =	simm.s32 $0x1BFF;
	s22 =	sshll.u32 s8, $0x1;
	s5 =	sadd.s32 s6, s20  }
0xa2: {  	s9 =	simm.s32 $0x0;
	s21 =	sshll.u32 s7, $0x1;
	s7 =	sadd.s32 s22, s5  }
0xa3: {  	[timem:s9], [sflag:s23] =	dma.local [hbm:s7], s21  }
0xa4: {  	_ =	swait.ge [sflag:s23], s21  }
0xa5: {  	s6 =	ssub.s32 $0x0, s21;
	[sflag:s23] =	ssyncset.done $0x0  }
0xa6: {  	[sflag:s23] =	ssyncadd.s32 s6;
	_ =	sdelay $0x1  }
0xa7: {  	s24 =	simm.s32 $0x1B8B  }
0xa8: {  	_ =	swait.ge [sflag:s24], $0x1  }
0xa9: {  	[sflag:s24] =	ssyncset.done $0x0  }
0xaa: {  	s25 =	simm.s32 $0x1B8E;
	[sflag:s24] =	ssyncadd.s32 $0xFFFFFFFF  }
0xab: {  	s26 =	simm.s32 $execute0_lowered;
	[smem:$0x3FD2] =	sst s25  }
0xac: {  	s6 =	sshll.u32 s26, $0x1;
	_ =	strace $0x80000046;
	[dreg:$0x1] =	wrdreg $0xFFFFFFFF  }
0xad: {  	s28 =	simm.s32 $_size_execute0_lowered;
	s5 =	sadd.s32 s5, s6;
	[dreg:$0x0] =	wrdreg $0x0  }
0xae: {  	s6 =	sshll.u32 s28, $0x1;
	[dreg:$0x2] =	wrdreg s5  }
0xaf: {  	[dreg:$0x3] =	wrdreg s6  }
0xb0: {  	[dreg:$0x4] =	wrdreg $0xC0  }
0xb1: {  	_ =	task [dreg:s9], $0x5FFFF  }
0xb2: {  	[dreg:$0x1] =	wrdreg $0xFFFFFFFF  }
0xb3: {  	[dreg:$0x0] =	wrdreg $0x60  }
0xb4: {  	[dreg:$0x2] =	wrdreg s16  }
0xb5: {  	[dreg:$0x3] =	wrdreg s18  }
0xb6: {  	[dreg:$0x4] =	wrdreg s17  }
0xb7: {  	[dreg:$0x5] =	wrdreg $0x9  }
0xb8: {  	_ =	task.clear_ibuf [dreg:s9], $0x6FFFF;
	_ =	strace $0x90000046  }
0xb9: {  	s29 =	simm.s32 $0x9;
	_ =	strace $0x80000048  }
0xba: {  	_ =	swait.ge [sflag:s29], $0x1  }
0xbb: {  	[sflag:s29] =	ssyncadd.s32 $0xFFFFFFFF  }
0xbc: {  	_ =	strace $0x90000048  }
0xbd: {  	_ =	sfence  }
0xbe: {  	s30 =	sld [smem:$0x0];
	_ =	sdelay $0x2  }
0xbf: {  	s31 =	sshll.u32 s1, $0xD;
	s1 =	sshrl.u32 s1, $0x2  }
0xc0: {  	s3 =	sand.u32 $0x4000, s31;
	s1 =	sadd.s32 s1, s30  }
0xc1: {  	s0 =	sor.u32 s3, s0;
	s1 =	sshll.u32 s1, $0x11  }
0xc2: {  	s0 =	sor.u32 s1, s0  }
0xc3: {  	s0 =	sadd.s32 $0x8F2B, s0  }
0xc4: {  	[sflag:s0] =	ssyncadd.remote.s32 $0x1  }
0xc5: {  	_ =	sfence.sel $0xFFFF  }
0xc6: {  	[dreg:$0x0] =	wrdreg $0xFFFFFFFF;
	(pc) =	sbr.abs _section_cstart, $3  }
0xc7: {  	[dreg:$0x1] =	wrdreg $0xFFFFFFFF  }
0xc8: {  	_ =	task.clear_ibuf [dreg:s9], $0x2FFFF;
	_ =	strace $0x9FFFFFFF  }
0xc9: {  	(tm) =	ssettm $0x7FFFFFFF  }
tec
execute0_lowered:
.L_overlay_start_1:
0x0: {  	(tag) =	ssettag $0x1  }
0x1: {  	s1 =	rddreg [dreg:$0x0]  }
0x2: {  	s2 =	rddreg [dreg:$0x1]  }
0x3: {  	s3 =	srdreg.scid;
	s0 =	stileid.u32  }
0x4: {  	s4 =	rddreg [dreg:$0x2];
	s19 =	simm.s32 $0x900;
	s20 =	simm.s32 $0x1100  }
0x5: {  	s22 =	simm.s32 $0x1900;
	s23 =	simm.s32 $0x2100;
	s24 =	simm.s32 $0x2900  }
0x6: {  	s25 =	simm.s32 $0x3100;
	s26 =	simm.s32 $0x3900;
	s8 =	simm.s32 $0x4900  }
0x7: {  	s9 =	simm.s32 $0x5100;
	s10 =	simm.s32 $0x5900;
	s11 =	simm.s32 $0x6100  }
0x8: {  	s12 =	simm.s32 $0x6900;
	s5 =	sand.u32 $0x1, s3;
	s3 =	simm.s32 $0x0  }
0x9: {  	s13 =	simm.s32 $0x7100;
	s14 =	simm.s32 $0x7900;
	[smem:$0x7FF] =	sst s3  }
0xa: {  	s15 =	simm.s32 $0x8100;
	_ =	strace $0x80000047;
	[dreg:$0x6] =	wrdreg s19  }
0xb: {  	s16 =	simm.s32 $0x8900;
	s17 =	simm.s32 $0x9100;
	[dreg:$0x7] =	wrdreg s20  }
0xc: {  	s28 =	simm.s32 $0xE100;
	s29 =	simm.s32 $0xE900;
	[dreg:$0x8] =	wrdreg s22  }
0xd: {  	s30 =	simm.s32 $0xF100;
	s6 =	sshll.u32 s0, $0x1;
	[dreg:$0x9] =	wrdreg s23  }
0xe: {  	s31 =	simm.s32 $0xF900;
	s6 =	sor.u32 s5, s6;
	[dreg:$0xa] =	wrdreg s24  }
0xf: {  	s21 =	ssub.s32 $0x2, s5;
	s7 =	sshll.u32 s6, $0x5;
	[dreg:$0xb] =	wrdreg s25  }
0x10: {  	s6 =	sshll.u32 s6, $0xD;
	s5 =	sshrl.u32 s21, $0x1;
	[dreg:$0xc] =	wrdreg s26  }
0x11: {  	s19 =	simm.s32 $0xA100;
	s20 =	simm.s32 $0xA900;
	s22 =	simm.s32 $0xB900  }
0x12: {  	s23 =	simm.s32 $0xC100;
	s24 =	simm.s32 $0xC900;
	s25 =	simm.s32 $0xD100  }
0x13: {  	s26 =	simm.s32 $0xD900;
	s2 =	sadd.s32 s2, s7;
	s18 =	sadd.s32 s4, s6  }
0x14: {  	v2 =	vlaneseq.u32;
	s4 =	ssub.s32 s21, s5;
	s5 =	simm.s32 $0x2;
	[dreg:$0x4] =	wrdreg s2  }
0x15: {  	vm0 =	vmmov $0xffff;
	v1 =	vshrl.u32 v2, $0x3;
	s6 =	simm.s32 $0x100;
	s21 =	simm.s32 $0xB100;
	[dreg:$0x5] =	wrdreg s18  }
0x16: {  	v0 =	vand.u32 $0x7, v2;
	v2 =	vor.u32 $0x8, v2;
	v1 =	vmul.u32 $0x8, v1;
	s4 =	smax.u32 s4, $0x1;
	s18 =	simm.s32 $0x9900;
	s2 =	simm.s32 $0x1  }
.LBB2_1:
0x17: {  	s0 =	rddreg [dreg:$0x4]  }
0x18: {  	[tilespmem:s3], [sflag:$0x2] =	stream.linear.gather [hbm4b:s0+s3], $0x100, $0x38;
	[tilespmem:$0x10100] =	vst v63  }
0x19: {  	_ =	swait.ge [sflag:s5], $0x100  }
0x1a: {  	[sflag:s5] =	ssyncset.done $0x0  }
0x1b: {  	[sflag:s5] =	ssyncadd.s32 $0xFFFFFF00  }
0x1c: {  	v3 =	vld [tilespmem:$0x0];
	_ =	sdelay $0x4  }
0x1d: {  	v4 =	vshll.u32 v3, $0x1  }
0x1e: {  	v3 =	vand.u32 $0x7, v3;
	v4 =	vand.u32 $0xFFFFFFF0, v4  }
0x1f: {  	v3 =	vor.u32 v3, v4  }
0x20: {  	v4 =	vperm.xlane v3, v0;
	_ =	sdelay $0x1  }
0x21: {  	v3 =	vperm.xlane v3, v2;
	v4 =	vadd.s32 v1, v4;
	_ =	sdelay $0x1  }
0x22: {  	v3 =	vadd.s32 v1, v3;
	_ =	sdelay $0x2  }
0x23: {  	[tilespmem:s6], [sflag:$0x1] =	stream.indirect_vreg.gather [hbm4b:s1+s3], $0x80, v4, vm0, $0xb8;
	[tilespmem:$0x10100] =	vst v63  }
0x24: {  	s7 =	rddreg [dreg:$0x6]  }
0x25: {  	[tilespmem:s7], [sflag:$0x1] =	stream.indirect_vreg.gather [hbm4b:s1+s3], $0x80, v3, vm0, $0xb8;
	[tilespmem:$0x10100] =	vst v63  }
0x26: {  	v3 =	vld [tilespmem:$0x10];
	_ =	sdelay $0x4  }
0x27: {  	v49 =	vshll.u32 v3, $0x1  }
0x28: {  	v3 =	vand.u32 $0x7, v3;
	v4 =	vand.u32 $0xFFFFFFF0, v49  }
0x29: {  	v3 =	vor.u32 v3, v4  }
0x2a: {  	v4 =	vperm.xlane v3, v0;
	_ =	sdelay $0x1  }
0x2b: {  	v3 =	vperm.xlane v3, v2;
	v4 =	vadd.s32 v1, v4;
	_ =	sdelay $0x1  }
0x2c: {  	v3 =	vadd.s32 v1, v3;
	_ =	sdelay $0x1  }
0x2d: {  	s0 =	rddreg [dreg:$0x7]  }
0x2e: {  	[tilespmem:s0], [sflag:$0x1] =	stream.indirect_vreg.gather [hbm4b:s1+s3], $0x80, v4, vm0, $0xb8;
	[tilespmem:$0x10100] =	vst v63  }
0x2f: {  	s7 =	rddreg [dreg:$0x8]  }
0x30: {  	[tilespmem:s7], [sflag:$0x1] =	stream.indirect_vreg.gather [hbm4b:s1+s3], $0x80, v3, vm0, $0xb8;
	[tilespmem:$0x10100] =	vst v63  }
0x31: {  	v3 =	vld [tilespmem:$0x20];
	_ =	sdelay $0x4  }
0x32: {  	v50 =	vshll.u32 v3, $0x1  }
0x33: {  	v3 =	vand.u32 $0x7, v3;
	v4 =	vand.u32 $0xFFFFFFF0, v50  }
0x34: {  	v3 =	vor.u32 v3, v4  }
0x35: {  	v4 =	vperm.xlane v3, v0;
	_ =	sdelay $0x1  }
0x36: {  	v3 =	vperm.xlane v3, v2;
	v4 =	vadd.s32 v1, v4;
	_ =	sdelay $0x1  }
0x37: {  	v3 =	vadd.s32 v1, v3;
	_ =	sdelay $0x1  }
0x38: {  	s0 =	rddreg [dreg:$0x9]  }
0x39: {  	[tilespmem:s0], [sflag:$0x1] =	stream.indirect_vreg.gather [hbm4b:s1+s3], $0x80, v4, vm0, $0xb8;
	[tilespmem:$0x10100] =	vst v63  }
0x3a: {  	s7 =	rddreg [dreg:$0xa]  }
0x3b: {  	[tilespmem:s7], [sflag:$0x1] =	stream.indirect_vreg.gather [hbm4b:s1+s3], $0x80, v3, vm0, $0xb8;
	[tilespmem:$0x10100] =	vst v63  }
0x3c: {  	v3 =	vld [tilespmem:$0x30];
	_ =	sdelay $0x4  }
0x3d: {  	v51 =	vshll.u32 v3, $0x1  }
0x3e: {  	v3 =	vand.u32 $0x7, v3;
	v4 =	vand.u32 $0xFFFFFFF0, v51  }
0x3f: {  	v3 =	vor.u32 v3, v4  }
0x40: {  	v4 =	vperm.xlane v3, v0;
	_ =	sdelay $0x1  }
0x41: {  	v3 =	vperm.xlane v3, v2;
	v4 =	vadd.s32 v1, v4;
	_ =	sdelay $0x1  }
0x42: {  	v3 =	vadd.s32 v1, v3;
	_ =	sdelay $0x1  }
0x43: {  	s0 =	rddreg [dreg:$0xb]  }
0x44: {  	[tilespmem:s0], [sflag:$0x1] =	stream.indirect_vreg.gather [hbm4b:s1+s3], $0x80, v4, vm0, $0xb8;
	[tilespmem:$0x10100] =	vst v63  }
0x45: {  	s7 =	rddreg [dreg:$0xc]  }
0x46: {  	[tilespmem:s7], [sflag:$0x1] =	stream.indirect_vreg.gather [hbm4b:s1+s3], $0x80, v3, vm0, $0xb8;
	[tilespmem:$0x10100] =	vst v63  }
0x47: {  	v3 =	vld [tilespmem:$0x40];
	_ =	sdelay $0x4  }
0x48: {  	v52 =	vshll.u32 v3, $0x1  }
0x49: {  	v3 =	vand.u32 $0x7, v3;
	v4 =	vand.u32 $0xFFFFFFF0, v52  }
0x4a: {  	v3 =	vor.u32 v3, v4  }
0x4b: {  	v4 =	vperm.xlane v3, v0;
	_ =	sdelay $0x1  }
0x4c: {  	v3 =	vperm.xlane v3, v2;
	v4 =	vadd.s32 v1, v4;
	_ =	sdelay $0x1  }
0x4d: {  	v3 =	vadd.s32 v1, v3;
	_ =	sdelay $0x1  }
0x4e: {  	s7 =	simm.s32 $0x4100  }
0x4f: {  	[tilespmem:s7], [sflag:$0x1] =	stream.indirect_vreg.gather [hbm4b:s1+s3], $0x80, v4, vm0, $0xb8;
	[tilespmem:$0x10100] =	vst v63  }
0x50: {  	_ = 	snop  }
0x51: {  	[tilespmem:s8], [sflag:$0x1] =	stream.indirect_vreg.gather [hbm4b:s1+s3], $0x80, v3, vm0, $0xb8;
	[tilespmem:$0x10100] =	vst v63  }
0x52: {  	v3 =	vld [tilespmem:$0x50];
	_ =	sdelay $0x4  }
0x53: {  	v53 =	vshll.u32 v3, $0x1  }
0x54: {  	v3 =	vand.u32 $0x7, v3;
	v4 =	vand.u32 $0xFFFFFFF0, v53  }
0x55: {  	v3 =	vor.u32 v3, v4  }
0x56: {  	v4 =	vperm.xlane v3, v0;
	_ =	sdelay $0x1  }
0x57: {  	v3 =	vperm.xlane v3, v2;
	v4 =	vadd.s32 v1, v4;
	_ =	sdelay $0x1  }
0x58: {  	v3 =	vadd.s32 v1, v3;
	_ =	sdelay $0x2  }
0x59: {  	[tilespmem:s9], [sflag:$0x1] =	stream.indirect_vreg.gather [hbm4b:s1+s3], $0x80, v4, vm0, $0xb8;
	[tilespmem:$0x10100] =	vst v63  }
0x5a: {  	_ = 	snop  }
0x5b: {  	[tilespmem:s10], [sflag:$0x1] =	stream.indirect_vreg.gather [hbm4b:s1+s3], $0x80, v3, vm0, $0xb8;
	[tilespmem:$0x10100] =	vst v63  }
0x5c: {  	v3 =	vld [tilespmem:$0x60];
	_ =	sdelay $0x4  }
0x5d: {  	v54 =	vshll.u32 v3, $0x1  }
0x5e: {  	v3 =	vand.u32 $0x7, v3;
	v4 =	vand.u32 $0xFFFFFFF0, v54  }
0x5f: {  	v3 =	vor.u32 v3, v4  }
0x60: {  	v4 =	vperm.xlane v3, v0;
	_ =	sdelay $0x1  }
0x61: {  	v3 =	vperm.xlane v3, v2;
	v4 =	vadd.s32 v1, v4;
	_ =	sdelay $0x1  }
0x62: {  	v3 =	vadd.s32 v1, v3;
	_ =	sdelay $0x2  }
0x63: {  	[tilespmem:s11], [sflag:$0x1] =	stream.indirect_vreg.gather [hbm4b:s1+s3], $0x80, v4, vm0, $0xb8;
	[tilespmem:$0x10100] =	vst v63  }
0x64: {  	_ = 	snop  }
0x65: {  	[tilespmem:s12], [sflag:$0x1] =	stream.indirect_vreg.gather [hbm4b:s1+s3], $0x80, v3, vm0, $0xb8;
	[tilespmem:$0x10100] =	vst v63  }
0x66: {  	v3 =	vld [tilespmem:$0x70];
	_ =	sdelay $0x4  }
0x67: {  	v55 =	vshll.u32 v3, $0x1  }
0x68: {  	v3 =	vand.u32 $0x7, v3;
	v4 =	vand.u32 $0xFFFFFFF0, v55  }
0x69: {  	v3 =	vor.u32 v3, v4  }
0x6a: {  	v4 =	vperm.xlane v3, v0;
	_ =	sdelay $0x1  }
0x6b: {  	v3 =	vperm.xlane v3, v2;
	v4 =	vadd.s32 v1, v4;
	_ =	sdelay $0x1  }
0x6c: {  	v3 =	vadd.s32 v1, v3;
	_ =	sdelay $0x2  }
0x6d: {  	[tilespmem:s13], [sflag:$0x1] =	stream.indirect_vreg.gather [hbm4b:s1+s3], $0x80, v4, vm0, $0xb8;
	[tilespmem:$0x10100] =	vst v63  }
0x6e: {  	_ = 	snop  }
0x6f: {  	[tilespmem:s14], [sflag:$0x1] =	stream.indirect_vreg.gather [hbm4b:s1+s3], $0x80, v3, vm0, $0xb8;
	[tilespmem:$0x10100] =	vst v63  }
0x70: {  	v3 =	vld [tilespmem:$0x80];
	_ =	sdelay $0x4  }
0x71: {  	v56 =	vshll.u32 v3, $0x1  }
0x72: {  	v3 =	vand.u32 $0x7, v3;
	v4 =	vand.u32 $0xFFFFFFF0, v56  }
0x73: {  	v3 =	vor.u32 v3, v4  }
0x74: {  	v4 =	vperm.xlane v3, v0;
	_ =	sdelay $0x1  }
0x75: {  	v3 =	vperm.xlane v3, v2;
	v4 =	vadd.s32 v1, v4;
	_ =	sdelay $0x1  }
0x76: {  	v3 =	vadd.s32 v1, v3;
	_ =	sdelay $0x2  }
0x77: {  	[tilespmem:s15], [sflag:$0x1] =	stream.indirect_vreg.gather [hbm4b:s1+s3], $0x80, v4, vm0, $0xb8;
	[tilespmem:$0x10100] =	vst v63  }
0x78: {  	_ = 	snop  }
0x79: {  	[tilespmem:s16], [sflag:$0x1] =	stream.indirect_vreg.gather [hbm4b:s1+s3], $0x80, v3, vm0, $0xb8;
	[tilespmem:$0x10100] =	vst v63  }
0x7a: {  	v3 =	vld [tilespmem:$0x90];
	_ =	sdelay $0x4  }
0x7b: {  	v57 =	vshll.u32 v3, $0x1  }
0x7c: {  	v3 =	vand.u32 $0x7, v3;
	v4 =	vand.u32 $0xFFFFFFF0, v57  }
0x7d: {  	v3 =	vor.u32 v3, v4  }
0x7e: {  	v4 =	vperm.xlane v3, v0;
	_ =	sdelay $0x1  }
0x7f: {  	v3 =	vperm.xlane v3, v2;
	v4 =	vadd.s32 v1, v4;
	_ =	sdelay $0x1  }
0x80: {  	v3 =	vadd.s32 v1, v3;
	_ =	sdelay $0x2  }
0x81: {  	[tilespmem:s17], [sflag:$0x1] =	stream.indirect_vreg.gather [hbm4b:s1+s3], $0x80, v4, vm0, $0xb8;
	[tilespmem:$0x10100] =	vst v63  }
0x82: {  	_ = 	snop  }
0x83: {  	[tilespmem:s18], [sflag:$0x1] =	stream.indirect_vreg.gather [hbm4b:s1+s3], $0x80, v3, vm0, $0xb8;
	[tilespmem:$0x10100] =	vst v63  }
0x84: {  	v3 =	vld [tilespmem:$0xA0];
	_ =	sdelay $0x4  }
0x85: {  	v58 =	vshll.u32 v3, $0x1  }
0x86: {  	v3 =	vand.u32 $0x7, v3;
	v4 =	vand.u32 $0xFFFFFFF0, v58  }
0x87: {  	v3 =	vor.u32 v3, v4  }
0x88: {  	v4 =	vperm.xlane v3, v0;
	_ =	sdelay $0x1  }
0x89: {  	v3 =	vperm.xlane v3, v2;
	v4 =	vadd.s32 v1, v4;
	_ =	sdelay $0x1  }
0x8a: {  	v3 =	vadd.s32 v1, v3;
	_ =	sdelay $0x2  }
0x8b: {  	[tilespmem:s19], [sflag:$0x1] =	stream.indirect_vreg.gather [hbm4b:s1+s3], $0x80, v4, vm0, $0xb8;
	[tilespmem:$0x10100] =	vst v63  }
0x8c: {  	_ = 	snop  }
0x8d: {  	[tilespmem:s20], [sflag:$0x1] =	stream.indirect_vreg.gather [hbm4b:s1+s3], $0x80, v3, vm0, $0xb8;
	[tilespmem:$0x10100] =	vst v63  }
0x8e: {  	v3 =	vld [tilespmem:$0xB0];
	_ =	sdelay $0x4  }
0x8f: {  	v59 =	vshll.u32 v3, $0x1  }
0x90: {  	v3 =	vand.u32 $0x7, v3;
	v4 =	vand.u32 $0xFFFFFFF0, v59  }
0x91: {  	v3 =	vor.u32 v3, v4  }
0x92: {  	v4 =	vperm.xlane v3, v0;
	_ =	sdelay $0x1  }
0x93: {  	v3 =	vperm.xlane v3, v2;
	v4 =	vadd.s32 v1, v4;
	_ =	sdelay $0x1  }
0x94: {  	v3 =	vadd.s32 v1, v3;
	_ =	sdelay $0x2  }
0x95: {  	[tilespmem:s21], [sflag:$0x1] =	stream.indirect_vreg.gather [hbm4b:s1+s3], $0x80, v4, vm0, $0xb8;
	[tilespmem:$0x10100] =	vst v63  }
0x96: {  	_ = 	snop  }
0x97: {  	[tilespmem:s22], [sflag:$0x1] =	stream.indirect_vreg.gather [hbm4b:s1+s3], $0x80, v3, vm0, $0xb8;
	[tilespmem:$0x10100] =	vst v63  }
0x98: {  	v3 =	vld [tilespmem:$0xC0];
	_ =	sdelay $0x4  }
0x99: {  	v60 =	vshll.u32 v3, $0x1  }
0x9a: {  	v3 =	vand.u32 $0x7, v3;
	v4 =	vand.u32 $0xFFFFFFF0, v60  }
0x9b: {  	v3 =	vor.u32 v3, v4  }
0x9c: {  	v4 =	vperm.xlane v3, v0;
	_ =	sdelay $0x1  }
0x9d: {  	v3 =	vperm.xlane v3, v2;
	v4 =	vadd.s32 v1, v4;
	_ =	sdelay $0x1  }
0x9e: {  	v3 =	vadd.s32 v1, v3;
	_ =	sdelay $0x2  }
0x9f: {  	[tilespmem:s23], [sflag:$0x1] =	stream.indirect_vreg.gather [hbm4b:s1+s3], $0x80, v4, vm0, $0xb8;
	[tilespmem:$0x10100] =	vst v63  }
0xa0: {  	_ = 	snop  }
0xa1: {  	[tilespmem:s24], [sflag:$0x1] =	stream.indirect_vreg.gather [hbm4b:s1+s3], $0x80, v3, vm0, $0xb8;
	[tilespmem:$0x10100] =	vst v63  }
0xa2: {  	v3 =	vld [tilespmem:$0xD0];
	_ =	sdelay $0x4  }
0xa3: {  	v61 =	vshll.u32 v3, $0x1  }
0xa4: {  	v3 =	vand.u32 $0x7, v3;
	v4 =	vand.u32 $0xFFFFFFF0, v61  }
0xa5: {  	v3 =	vor.u32 v3, v4  }
0xa6: {  	v4 =	vperm.xlane v3, v0;
	_ =	sdelay $0x1  }
0xa7: {  	v3 =	vperm.xlane v3, v2;
	v4 =	vadd.s32 v1, v4;
	_ =	sdelay $0x1  }
0xa8: {  	v3 =	vadd.s32 v1, v3;
	_ =	sdelay $0x2  }
0xa9: {  	[tilespmem:s25], [sflag:$0x1] =	stream.indirect_vreg.gather [hbm4b:s1+s3], $0x80, v4, vm0, $0xb8;
	[tilespmem:$0x10100] =	vst v63  }
0xaa: {  	_ = 	snop  }
0xab: {  	[tilespmem:s26], [sflag:$0x1] =	stream.indirect_vreg.gather [hbm4b:s1+s3], $0x80, v3, vm0, $0xb8;
	[tilespmem:$0x10100] =	vst v63  }
0xac: {  	v3 =	vld [tilespmem:$0xE0];
	_ =	sdelay $0x4  }
0xad: {  	v62 =	vshll.u32 v3, $0x1  }
0xae: {  	v3 =	vand.u32 $0x7, v3;
	v4 =	vand.u32 $0xFFFFFFF0, v62  }
0xaf: {  	v3 =	vor.u32 v3, v4  }
0xb0: {  	v4 =	vperm.xlane v3, v0;
	_ =	sdelay $0x1  }
0xb1: {  	v3 =	vperm.xlane v3, v2;
	v4 =	vadd.s32 v1, v4;
	_ =	sdelay $0x1  }
0xb2: {  	v3 =	vadd.s32 v1, v3;
	_ =	sdelay $0x2  }
0xb3: {  	[tilespmem:s28], [sflag:$0x1] =	stream.indirect_vreg.gather [hbm4b:s1+s3], $0x80, v4, vm0, $0xb8;
	[tilespmem:$0x10100] =	vst v63  }
0xb4: {  	_ = 	snop  }
0xb5: {  	[tilespmem:s29], [sflag:$0x1] =	stream.indirect_vreg.gather [hbm4b:s1+s3], $0x80, v3, vm0, $0xb8;
	[tilespmem:$0x10100] =	vst v63  }
0xb6: {  	v3 =	vld [tilespmem:$0xF0];
	_ =	sdelay $0x4  }
0xb7: {  	v63 =	vshll.u32 v3, $0x1  }
0xb8: {  	v3 =	vand.u32 $0x7, v3;
	v4 =	vand.u32 $0xFFFFFFF0, v63  }
0xb9: {  	v3 =	vor.u32 v3, v4  }
0xba: {  	v4 =	vperm.xlane v3, v0;
	_ =	sdelay $0x1  }
0xbb: {  	v3 =	vperm.xlane v3, v2;
	v4 =	vadd.s32 v1, v4;
	_ =	sdelay $0x1  }
0xbc: {  	v3 =	vadd.s32 v1, v3;
	_ =	sdelay $0x2  }
0xbd: {  	[tilespmem:s30], [sflag:$0x1] =	stream.indirect_vreg.gather [hbm4b:s1+s3], $0x80, v4, vm0, $0xb8;
	[tilespmem:$0x10100] =	vst v63  }
0xbe: {  	_ = 	snop  }
0xbf: {  	[tilespmem:s31], [sflag:$0x1] =	stream.indirect_vreg.gather [hbm4b:s1+s3], $0x80, v3, vm0, $0xb8;
	[tilespmem:$0x10100] =	vst v63  }
0xc0: {  	_ =	swait.ge [sflag:s2], $0x8000  }
0xc1: {  	[sflag:s2] =	ssyncset.done $0x0  }
0xc2: {  	[sflag:s2] =	ssyncadd.s32 $0xFFFF8000  }
0xc3: {  	_ =	swait.ge [sflag:s2], $0x8000  }
0xc4: {  	p0 =	sne.s32 s4, $0x1;
	[sflag:s2] =	ssyncset.done $0x0  }
.Ltmp0:
0xc5: {  	s7 =	rddreg [dreg:$0x5];
	[sflag:s2] =	ssyncadd.s32 $0xFFFF8000;
	(pc) =	sbr.rel @p0 .LBB2_1-.Ltmp0, $4  }
0xc6: {  	[hbm4b:s7+s3] =	stream.linear.scatter [tilespmem:s6], [sflag:$0x2], $0x10000, $0x38;
	[tilespmem:$0x10100] =	vst v63  }
0xc7: {  	_ =	swait.ge [sflag:s5], $0x10000  }
0xc8: {  	[sflag:s5] =	ssyncset.done $0x0  }
0xc9: {  	s4 =	sadd.s32 $0xFFFFFFFF, s4;
	[sflag:s5] =	ssyncadd.s32 $0xFFFF0000  }
0xca: {  	_ =	sfence.sel $0x180000  }
0xcb: {  	[bflag:$0x0] =	sbarrier.arrive $0xFFFF  }
0xcc: {  	_ =	strace $0x90000047  }
0xcd: {  	s0 =	stileid.u32;
	[bflag:$0x2] =	sbarrier.arrive $0xFFFF  }
0xce: {  	p0 =	sne.s32 s0, $0x0;
	s0 =	rddreg [dreg:$0x3]  }
0xcf: {  	s0 =	sadd.s32 @!p0 $0x100000, s0  }
0xd0: {  	[sflag:s0] =	ssyncadd.tile.s32 @!p0 $0x1;
	_ =	shalt  }
.Lfunc_end2:
_tile_overlayer_lowered:
.L_overlay_start_2:
0xd1: {  	(tag) =	ssettag $0x2  }
0xd2: {  	s0 =	rddreg [dreg:$0x0];
	s2 =	stileid.u32  }
0xd3: {  	s1 =	rddreg [dreg:$0x1];
	p0 =	sne.s32 s2, $0x0  }
0xd4: {  	s3 =	rddreg [dreg:$0x2];
	[bflag:$0x3] =	sbarrier.arrive $0xFFFF;
	s2 =	simm.s32 @!p0 $0x1C02  }
0xd5: {  	[timem:s3], [sflag:s2] =	dma.local @!p0 [hbm:s0], s1  }
0xd6: {  	s0 =	simm.s32 @!p0 $0x2  }
0xd7: {  	_ =	swait.ge @!p0 [sflag:s0], s1  }
0xd8: {  	s1 =	ssub.s32 @!p0 $0x0, s1;
	[sflag:s0] =	ssyncset.done @!p0 $0x0  }
0xd9: {  	[sflag:s0] =	ssyncadd.s32 @!p0 s1  }
0xda: {  	[bflag:$0x3] =	sbarrier.arrive $0xFFFF  }
0xdb: {  	_ =	shalt  }

</sc_bundles>
